<compile_context>
chip_gen: v7x
topology: tpu7x:2x2x1
jax: 0.10.2.dev20260603
libtpu: 0.0.44.dev20260713+nightly
codegen_flags: <defaults>
</compile_context>

<pallas_src>
import functools

import jax
import jax.numpy as jnp
from jax import lax
from jax.experimental import pallas as pl
from jax.experimental.pallas import tpu as pltpu
from jax.experimental.pallas import tpu_sc as plsc

_B = 4096
_L = 200
_D = 32
_NW = 32
_IDXW = 100
_SEQ_PER_CHUNK = 8
_CHUNK_IDX = _SEQ_PER_CHUNK * _L
_CHUNK_ROWS = _CHUNK_IDX // _IDXW
_TOT_IDX = _B * _L
_IDX_ROWS = _TOT_IDX // _IDXW
_ROWS_PER_W = _IDX_ROWS // _NW
_CHUNKS_PER_W = _ROWS_PER_W // _CHUNK_ROWS
_NBODY = _CHUNKS_PER_W // 2


def _build():
  mesh = plsc.VectorSubcoreMesh(core_axis_name="c", subcore_axis_name="s")

  @functools.partial(
      pl.kernel,
      mesh=mesh,
      compiler_params=pltpu.CompilerParams(use_tc_tiling_on_sc=False),
      out_type=jax.ShapeDtypeStruct((_TOT_IDX, _D), jnp.float32),
      scratch_types=[
          pltpu.VMEM((_CHUNK_ROWS, _IDXW), jnp.int32),
          pltpu.VMEM((_CHUNK_ROWS, _IDXW), jnp.int32),
          pltpu.VMEM((_CHUNK_IDX, _D), jnp.float32),
          pltpu.VMEM((_CHUNK_IDX, _D), jnp.float32),
          pltpu.VMEM((_L, _D), jnp.float32),
          pltpu.SemaphoreType.DMA,
          pltpu.SemaphoreType.DMA,
          pltpu.SemaphoreType.DMA,
          pltpu.SemaphoreType.DMA,
          pltpu.SemaphoreType.DMA,
          pltpu.SemaphoreType.DMA,
      ],
  )
  def k(x_hbm, table_hbm, pos_hbm, out_hbm,
        idx0, idx1, rows0, rows1, pos_v,
        si0, si1, sg0, sg1, so0, so1):
    wid = lax.axis_index("c") * 16 + lax.axis_index("s")

    def start_idx(chunk, ibuf, sem):
      base = wid * _ROWS_PER_W + chunk * _CHUNK_ROWS
      pltpu.async_copy(x_hbm.at[pl.ds(base, _CHUNK_ROWS)], ibuf, sem)

    def drain_idx(ibuf, sem):
      pltpu.make_async_copy(
          x_hbm.at[pl.ds(0, _CHUNK_ROWS)], ibuf, sem).wait()

    def fire_gathers(ibuf, rbuf, sem):
      for j in range(_CHUNK_ROWS):
        pltpu.async_copy(
            table_hbm.at[ibuf.at[j]],
            rbuf.at[pl.ds(j * _IDXW, _IDXW)],
            sem,
        )

    def drain_gathers(rbuf, sem):
      pltpu.make_async_copy(
          table_hbm.at[pl.ds(0, _CHUNK_IDX)], rbuf, sem).wait()

    def start_out(chunk, rbuf, sem):
      base = (wid * _ROWS_PER_W + chunk * _CHUNK_ROWS) * _IDXW
      pltpu.async_copy(rbuf, out_hbm.at[pl.ds(base, _CHUNK_IDX)], sem)

    def drain_out(rbuf, sem):
      pltpu.make_async_copy(
          rbuf, out_hbm.at[pl.ds(0, _CHUNK_IDX)], sem).wait()

    def pos_add(rbuf):
      for h in range(2):
        @plsc.parallel_loop(0, _L, unroll=8)
        def _row(r):
          p = pos_v[r, pl.ds(h * 16, 16)]
          for s in range(_SEQ_PER_CHUNK):
            rbuf[s * _L + r, pl.ds(h * 16, 16)] += p

    pltpu.sync_copy(pos_hbm, pos_v)
    start_idx(0, idx0, si0)
    drain_idx(idx0, si0)
    fire_gathers(idx0, rows0, sg0)
    start_idx(1, idx1, si1)

    @pl.loop(0, _NBODY)
    def _body(i):
      c0 = i * 2

      drain_gathers(rows0, sg0)
      drain_idx(idx1, si1)

      @pl.when(i > 0)
      def _():
        drain_out(rows1, so1)

      fire_gathers(idx1, rows1, sg1)

      @pl.when(i < _NBODY - 1)
      def _():
        start_idx(c0 + 2, idx0, si0)

      pos_add(rows0)
      start_out(c0, rows0, so0)

      drain_gathers(rows1, sg1)

      @pl.when(i < _NBODY - 1)
      def _():
        drain_idx(idx0, si0)

      drain_out(rows0, so0)

      @pl.when(i < _NBODY - 1)
      def _():
        fire_gathers(idx0, rows0, sg0)
        start_idx(c0 + 3, idx1, si1)

      pos_add(rows1)
      start_out(c0 + 1, rows1, so1)

    drain_out(rows1, so1)

  return k


_k = _build()


def kernel(x, token_table, pos_table):
  xf = x.reshape(_IDX_ROWS, _IDXW)
  out = _k(xf, token_table, pos_table)
  return out.reshape(_B, _L, _D)

# --- scband reference (transcript-rebuilt; emitter-appended) ---
"""Pipeline reference for scband-token-and-position-embedding-79723182948444 (READ-ONLY COPY).

The authoritative reference and input builder live on the scoring server;
editing this copy changes nothing except your own understanding.
"""

import jax, jax.numpy as jnp
import numpy as np

MAXLEN = 200
VOCAB_SIZE = 1000000
EMBED_DIM = 32
BATCH = 4096

def setup_inputs(seed: int = 0) -> dict:
    key = jax.random.key(seed)
    k1, k2, k3 = jax.random.split(key, 3)
    x = jax.random.randint(k1, (BATCH, MAXLEN), 0, VOCAB_SIZE, dtype=jnp.int64 if jax.config.read('jax_enable_x64') else jnp.int32)
    token_table = jax.random.normal(k2, (VOCAB_SIZE, EMBED_DIM), dtype=jnp.float32) * 0.05
    pos_table = jax.random.normal(k3, (MAXLEN, EMBED_DIM), dtype=jnp.float32) * 0.05
    return {"x": x, "token_table": token_table, "pos_table": pos_table}

def reference(x, token_table, pos_table):
    # token embedding: gather rows of token_table by token ids
    tok = jnp.take(token_table, x, axis=0)  # [B, L, D]
    # positional embedding: positions 0..L-1
    seq_len = x.shape[-1]
    positions = jnp.arange(0, seq_len)
    pos = jnp.take(pos_table, positions, axis=0)  # [L, D]
    return tok + pos[None, :, :]

if __name__ == "__main__":
    import jax
    _d = setup_inputs()
    print(jax.jit(kernel)(*tuple(_d.values())))

</pallas_src>

<mosaic_0001>
#map = affine_map<(d0, d1) -> (0, 0)>
module attributes {stable_mosaic.version = 14 : i64} {
  func.func @k(%arg0: i32, %arg1: i32, %arg2: memref<8192x100xi32, #tpu.memory_space<hbm>>, %arg3: memref<1000000x32xf32, #tpu.memory_space<hbm>>, %arg4: memref<200x32xf32, #tpu.memory_space<hbm>>, %arg5: memref<819200x32xf32, #tpu.memory_space<hbm>>, %arg6: memref<16x100xi32, #tpu.memory_space<vmem>>, %arg7: memref<16x100xi32, #tpu.memory_space<vmem>>, %arg8: memref<1600x32xf32, #tpu.memory_space<vmem>>, %arg9: memref<1600x32xf32, #tpu.memory_space<vmem>>, %arg10: memref<200x32xf32, #tpu.memory_space<vmem>>, %arg11: memref<!tpu.dma_semaphore, #tpu.memory_space<semaphore_mem>>, %arg12: memref<!tpu.dma_semaphore, #tpu.memory_space<semaphore_mem>>, %arg13: memref<!tpu.dma_semaphore, #tpu.memory_space<semaphore_mem>>, %arg14: memref<!tpu.dma_semaphore, #tpu.memory_space<semaphore_mem>>, %arg15: memref<!tpu.dma_semaphore, #tpu.memory_space<semaphore_mem>>, %arg16: memref<!tpu.dma_semaphore, #tpu.memory_space<semaphore_mem>>) attributes {dimension_semantics = [#tpu.dimension_semantics<core_parallel>, #tpu.dimension_semantics<subcore_parallel>], iteration_bounds = array<i64: 2, 16>, scalar_prefetch = 0 : i64, scratch_operands = 11 : i64, tpu.core_type = #tpu.core_type<sc_vector_subcore>, window_params = [{transform_indices = #map}, {transform_indices = #map}, {transform_indices = #map}, {transform_indices = #map}]} {
    %mul3A = arith.constant 16 : i32
    %mul3A_0 = arith.muli %arg0, %mul3A : i32
    %add3A = arith.addi %mul3A_0, %arg1 : i32
    "tpu.region"() ({
      %run_scoped3A = tpu.sem_alloc : memref<!tpu.dma_semaphore, #tpu.memory_space<semaphore_mem>>
      tpu.enqueue_dma source(%arg4 : memref<200x32xf32, #tpu.memory_space<hbm>>) target(%arg10 : memref<200x32xf32, #tpu.memory_space<vmem>>) target_semaphore(%run_scoped3A : memref<!tpu.dma_semaphore, #tpu.memory_space<semaphore_mem>>)
      tpu.wait_dma2 semaphore(%run_scoped3A : memref<!tpu.dma_semaphore, #tpu.memory_space<semaphore_mem>>) src(%arg4 : memref<200x32xf32, #tpu.memory_space<hbm>>) dst(%arg10 : memref<200x32xf32, #tpu.memory_space<vmem>>)
      tpu.yield
    }) : () -> ()
    %mul3A_1 = arith.constant 256 : i32
    %mul3A_2 = arith.muli %add3A, %mul3A_1 : i32
    %add3A_3 = arith.constant 0 : i32
    %add3A_4 = arith.addi %mul3A_2, %add3A_3 : i32
    %dma_start3A = arith.constant 0 : i32
    %dma_start3A_5 = tpu.memref_slice %arg2[%add3A_4, %dma_start3A] : memref<8192x100xi32, #tpu.memory_space<hbm>> -> memref<16x100xi32, #tpu.memory_space<hbm>>
    %dma_start3A_6 = arith.constant 0 : i32
    %dma_start3A_7 = tpu.memref_slice %arg2[%add3A_4, %dma_start3A_6] : memref<8192x100xi32, #tpu.memory_space<hbm>> -> memref<16x100xi32, #tpu.memory_space<hbm>>
    tpu.enqueue_dma source(%dma_start3A_7 : memref<16x100xi32, #tpu.memory_space<hbm>>) target(%arg6 : memref<16x100xi32, #tpu.memory_space<vmem>>) target_semaphore(%arg11 : memref<!tpu.dma_semaphore, #tpu.memory_space<semaphore_mem>>)
    %dma_wait3A = arith.constant 0 : i32
    %dma_wait3A_8 = arith.constant 0 : i32
    %dma_wait3A_9 = tpu.memref_slice %arg2[%dma_wait3A, %dma_wait3A_8] : memref<8192x100xi32, #tpu.memory_space<hbm>> -> memref<16x100xi32, #tpu.memory_space<hbm>>
    %dma_wait3A_10 = arith.constant 0 : i32
    %dma_wait3A_11 = arith.constant 0 : i32
    %dma_wait3A_12 = tpu.memref_slice %arg2[%dma_wait3A_10, %dma_wait3A_11] : memref<8192x100xi32, #tpu.memory_space<hbm>> -> memref<16x100xi32, #tpu.memory_space<hbm>>
    tpu.wait_dma2 semaphore(%arg11 : memref<!tpu.dma_semaphore, #tpu.memory_space<semaphore_mem>>) src(%dma_wait3A_12 : memref<16x100xi32, #tpu.memory_space<hbm>>) dst(%arg6 : memref<16x100xi32, #tpu.memory_space<vmem>>)
    %dma_start3A_13 = arith.constant 0 : i32
    %dma_start3A_14 = arith.constant 0 : i32
    %dma_start3A_15 = arith.constant 0 : i32
    %dma_start3A_16 = tpu.memref_slice %arg8[%dma_start3A_14, %dma_start3A_15] : memref<1600x32xf32, #tpu.memory_space<vmem>> -> memref<100x32xf32, #tpu.memory_space<vmem>>
    %dma_start3A_17 = arith.constant 0 : i32
    %dma_start3A_18 = tpu.memref_slice %arg6[%dma_start3A_13, %dma_start3A_17] : memref<16x100xi32, #tpu.memory_space<vmem>> -> memref<1x100xi32, #tpu.memory_space<vmem>>
    %dma_start3A_19 = tpu.memref_squeeze %dma_start3A_18 : memref<1x100xi32, #tpu.memory_space<vmem>> -> memref<100xi32, #tpu.memory_space<vmem>>
    %dma_start3A_20 = arith.constant 0 : i32
    %dma_start3A_21 = arith.constant 0 : i32
    %dma_start3A_22 = tpu.memref_slice %arg3[%dma_start3A_20, %dma_start3A_21] : memref<1000000x32xf32, #tpu.memory_space<hbm>> -> memref<1000000x32xf32, #tpu.memory_space<hbm>>
    tpu.enqueue_indirect_dma source(%dma_start3A_22 : memref<1000000x32xf32, #tpu.memory_space<hbm>>) target(%dma_start3A_16 : memref<100x32xf32, #tpu.memory_space<vmem>>) offsets(%dma_start3A_19 : memref<100xi32, #tpu.memory_space<vmem>>) semaphore(%arg13 : memref<!tpu.dma_semaphore, #tpu.memory_space<semaphore_mem>>)
    %dma_start3A_23 = arith.constant 1 : i32
    %dma_start3A_24 = arith.constant 100 : i32
    %dma_start3A_25 = arith.constant 0 : i32
    %dma_start3A_26 = tpu.memref_slice %arg8[%dma_start3A_24, %dma_start3A_25] : memref<1600x32xf32, #tpu.memory_space<vmem>> -> memref<100x32xf32, #tpu.memory_space<vmem>>
    %dma_start3A_27 = arith.constant 0 : i32
    %dma_start3A_28 = tpu.memref_slice %arg6[%dma_start3A_23, %dma_start3A_27] : memref<16x100xi32, #tpu.memory_space<vmem>> -> memref<1x100xi32, #tpu.memory_space<vmem>>
    %dma_start3A_29 = tpu.memref_squeeze %dma_start3A_28 : memref<1x100xi32, #tpu.memory_space<vmem>> -> memref<100xi32, #tpu.memory_space<vmem>>
    %dma_start3A_30 = arith.constant 0 : i32
    %dma_start3A_31 = arith.constant 0 : i32
    %dma_start3A_32 = tpu.memref_slice %arg3[%dma_start3A_30, %dma_start3A_31] : memref<1000000x32xf32, #tpu.memory_space<hbm>> -> memref<1000000x32xf32, #tpu.memory_space<hbm>>
    tpu.enqueue_indirect_dma source(%dma_start3A_32 : memref<1000000x32xf32, #tpu.memory_space<hbm>>) target(%dma_start3A_26 : memref<100x32xf32, #tpu.memory_space<vmem>>) offsets(%dma_start3A_29 : memref<100xi32, #tpu.memory_space<vmem>>) semaphore(%arg13 : memref<!tpu.dma_semaphore, #tpu.memory_space<semaphore_mem>>)
    %dma_start3A_33 = arith.constant 2 : i32
    %dma_start3A_34 = arith.constant 200 : i32
    %dma_start3A_35 = arith.constant 0 : i32
    %dma_start3A_36 = tpu.memref_slice %arg8[%dma_start3A_34, %dma_start3A_35] : memref<1600x32xf32, #tpu.memory_space<vmem>> -> memref<100x32xf32, #tpu.memory_space<vmem>>
    %dma_start3A_37 = arith.constant 0 : i32
    %dma_start3A_38 = tpu.memref_slice %arg6[%dma_start3A_33, %dma_start3A_37] : memref<16x100xi32, #tpu.memory_space<vmem>> -> memref<1x100xi32, #tpu.memory_space<vmem>>
    %dma_start3A_39 = tpu.memref_squeeze %dma_start3A_38 : memref<1x100xi32, #tpu.memory_space<vmem>> -> memref<100xi32, #tpu.memory_space<vmem>>
    %dma_start3A_40 = arith.constant 0 : i32
    %dma_start3A_41 = arith.constant 0 : i32
    %dma_start3A_42 = tpu.memref_slice %arg3[%dma_start3A_40, %dma_start3A_41] : memref<1000000x32xf32, #tpu.memory_space<hbm>> -> memref<1000000x32xf32, #tpu.memory_space<hbm>>
    tpu.enqueue_indirect_dma source(%dma_start3A_42 : memref<1000000x32xf32, #tpu.memory_space<hbm>>) target(%dma_start3A_36 : memref<100x32xf32, #tpu.memory_space<vmem>>) offsets(%dma_start3A_39 : memref<100xi32, #tpu.memory_space<vmem>>) semaphore(%arg13 : memref<!tpu.dma_semaphore, #tpu.memory_space<semaphore_mem>>)
    %dma_start3A_43 = arith.constant 3 : i32
    %dma_start3A_44 = arith.constant 300 : i32
    %dma_start3A_45 = arith.constant 0 : i32
    %dma_start3A_46 = tpu.memref_slice %arg8[%dma_start3A_44, %dma_start3A_45] : memref<1600x32xf32, #tpu.memory_space<vmem>> -> memref<100x32xf32, #tpu.memory_space<vmem>>
    %dma_start3A_47 = arith.constant 0 : i32
    %dma_start3A_48 = tpu.memref_slice %arg6[%dma_start3A_43, %dma_start3A_47] : memref<16x100xi32, #tpu.memory_space<vmem>> -> memref<1x100xi32, #tpu.memory_space<vmem>>
    %dma_start3A_49 = tpu.memref_squeeze %dma_start3A_48 : memref<1x100xi32, #tpu.memory_space<vmem>> -> memref<100xi32, #tpu.memory_space<vmem>>
    %dma_start3A_50 = arith.constant 0 : i32
    %dma_start3A_51 = arith.constant 0 : i32
    %dma_start3A_52 = tpu.memref_slice %arg3[%dma_start3A_50, %dma_start3A_51] : memref<1000000x32xf32, #tpu.memory_space<hbm>> -> memref<1000000x32xf32, #tpu.memory_space<hbm>>
    tpu.enqueue_indirect_dma source(%dma_start3A_52 : memref<1000000x32xf32, #tpu.memory_space<hbm>>) target(%dma_start3A_46 : memref<100x32xf32, #tpu.memory_space<vmem>>) offsets(%dma_start3A_49 : memref<100xi32, #tpu.memory_space<vmem>>) semaphore(%arg13 : memref<!tpu.dma_semaphore, #tpu.memory_space<semaphore_mem>>)
    %dma_start3A_53 = arith.constant 4 : i32
    %dma_start3A_54 = arith.constant 400 : i32
    %dma_start3A_55 = arith.constant 0 : i32
    %dma_start3A_56 = tpu.memref_slice %arg8[%dma_start3A_54, %dma_start3A_55] : memref<1600x32xf32, #tpu.memory_space<vmem>> -> memref<100x32xf32, #tpu.memory_space<vmem>>
    %dma_start3A_57 = arith.constant 0 : i32
    %dma_start3A_58 = tpu.memref_slice %arg6[%dma_start3A_53, %dma_start3A_57] : memref<16x100xi32, #tpu.memory_space<vmem>> -> memref<1x100xi32, #tpu.memory_space<vmem>>
    %dma_start3A_59 = tpu.memref_squeeze %dma_start3A_58 : memref<1x100xi32, #tpu.memory_space<vmem>> -> memref<100xi32, #tpu.memory_space<vmem>>
    %dma_start3A_60 = arith.constant 0 : i32
    %dma_start3A_61 = arith.constant 0 : i32
    %dma_start3A_62 = tpu.memref_slice %arg3[%dma_start3A_60, %dma_start3A_61] : memref<1000000x32xf32, #tpu.memory_space<hbm>> -> memref<1000000x32xf32, #tpu.memory_space<hbm>>
    tpu.enqueue_indirect_dma source(%dma_start3A_62 : memref<1000000x32xf32, #tpu.memory_space<hbm>>) target(%dma_start3A_56 : memref<100x32xf32, #tpu.memory_space<vmem>>) offsets(%dma_start3A_59 : memref<100xi32, #tpu.memory_space<vmem>>) semaphore(%arg13 : memref<!tpu.dma_semaphore, #tpu.memory_space<semaphore_mem>>)
    %dma_start3A_63 = arith.constant 5 : i32
    %dma_start3A_64 = arith.constant 500 : i32
    %dma_start3A_65 = arith.constant 0 : i32
    %dma_start3A_66 = tpu.memref_slice %arg8[%dma_start3A_64, %dma_start3A_65] : memref<1600x32xf32, #tpu.memory_space<vmem>> -> memref<100x32xf32, #tpu.memory_space<vmem>>
    %dma_start3A_67 = arith.constant 0 : i32
    %dma_start3A_68 = tpu.memref_slice %arg6[%dma_start3A_63, %dma_start3A_67] : memref<16x100xi32, #tpu.memory_space<vmem>> -> memref<1x100xi32, #tpu.memory_space<vmem>>
    %dma_start3A_69 = tpu.memref_squeeze %dma_start3A_68 : memref<1x100xi32, #tpu.memory_space<vmem>> -> memref<100xi32, #tpu.memory_space<vmem>>
    %dma_start3A_70 = arith.constant 0 : i32
    %dma_start3A_71 = arith.constant 0 : i32
    %dma_start3A_72 = tpu.memref_slice %arg3[%dma_start3A_70, %dma_start3A_71] : memref<1000000x32xf32, #tpu.memory_space<hbm>> -> memref<1000000x32xf32, #tpu.memory_space<hbm>>
    tpu.enqueue_indirect_dma source(%dma_start3A_72 : memref<1000000x32xf32, #tpu.memory_space<hbm>>) target(%dma_start3A_66 : memref<100x32xf32, #tpu.memory_space<vmem>>) offsets(%dma_start3A_69 : memref<100xi32, #tpu.memory_space<vmem>>) semaphore(%arg13 : memref<!tpu.dma_semaphore, #tpu.memory_space<semaphore_mem>>)
    %dma_start3A_73 = arith.constant 6 : i32
    %dma_start3A_74 = arith.constant 600 : i32
    %dma_start3A_75 = arith.constant 0 : i32
    %dma_start3A_76 = tpu.memref_slice %arg8[%dma_start3A_74, %dma_start3A_75] : memref<1600x32xf32, #tpu.memory_space<vmem>> -> memref<100x32xf32, #tpu.memory_space<vmem>>
    %dma_start3A_77 = arith.constant 0 : i32
    %dma_start3A_78 = tpu.memref_slice %arg6[%dma_start3A_73, %dma_start3A_77] : memref<16x100xi32, #tpu.memory_space<vmem>> -> memref<1x100xi32, #tpu.memory_space<vmem>>
    %dma_start3A_79 = tpu.memref_squeeze %dma_start3A_78 : memref<1x100xi32, #tpu.memory_space<vmem>> -> memref<100xi32, #tpu.memory_space<vmem>>
    %dma_start3A_80 = arith.constant 0 : i32
    %dma_start3A_81 = arith.constant 0 : i32
    %dma_start3A_82 = tpu.memref_slice %arg3[%dma_start3A_80, %dma_start3A_81] : memref<1000000x32xf32, #tpu.memory_space<hbm>> -> memref<1000000x32xf32, #tpu.memory_space<hbm>>
    tpu.enqueue_indirect_dma source(%dma_start3A_82 : memref<1000000x32xf32, #tpu.memory_space<hbm>>) target(%dma_start3A_76 : memref<100x32xf32, #tpu.memory_space<vmem>>) offsets(%dma_start3A_79 : memref<100xi32, #tpu.memory_space<vmem>>) semaphore(%arg13 : memref<!tpu.dma_semaphore, #tpu.memory_space<semaphore_mem>>)
    %dma_start3A_83 = arith.constant 7 : i32
    %dma_start3A_84 = arith.constant 700 : i32
    %dma_start3A_85 = arith.constant 0 : i32
    %dma_start3A_86 = tpu.memref_slice %arg8[%dma_start3A_84, %dma_start3A_85] : memref<1600x32xf32, #tpu.memory_space<vmem>> -> memref<100x32xf32, #tpu.memory_space<vmem>>
    %dma_start3A_87 = arith.constant 0 : i32
    %dma_start3A_88 = tpu.memref_slice %arg6[%dma_start3A_83, %dma_start3A_87] : memref<16x100xi32, #tpu.memory_space<vmem>> -> memref<1x100xi32, #tpu.memory_space<vmem>>
    %dma_start3A_89 = tpu.memref_squeeze %dma_start3A_88 : memref<1x100xi32, #tpu.memory_space<vmem>> -> memref<100xi32, #tpu.memory_space<vmem>>
    %dma_start3A_90 = arith.constant 0 : i32
    %dma_start3A_91 = arith.constant 0 : i32
    %dma_start3A_92 = tpu.memref_slice %arg3[%dma_start3A_90, %dma_start3A_91] : memref<1000000x32xf32, #tpu.memory_space<hbm>> -> memref<1000000x32xf32, #tpu.memory_space<hbm>>
    tpu.enqueue_indirect_dma source(%dma_start3A_92 : memref<1000000x32xf32, #tpu.memory_space<hbm>>) target(%dma_start3A_86 : memref<100x32xf32, #tpu.memory_space<vmem>>) offsets(%dma_start3A_89 : memref<100xi32, #tpu.memory_space<vmem>>) semaphore(%arg13 : memref<!tpu.dma_semaphore, #tpu.memory_space<semaphore_mem>>)
    %dma_start3A_93 = arith.constant 8 : i32
    %dma_start3A_94 = arith.constant 800 : i32
    %dma_start3A_95 = arith.constant 0 : i32
    %dma_start3A_96 = tpu.memref_slice %arg8[%dma_start3A_94, %dma_start3A_95] : memref<1600x32xf32, #tpu.memory_space<vmem>> -> memref<100x32xf32, #tpu.memory_space<vmem>>
    %dma_start3A_97 = arith.constant 0 : i32
    %dma_start3A_98 = tpu.memref_slice %arg6[%dma_start3A_93, %dma_start3A_97] : memref<16x100xi32, #tpu.memory_space<vmem>> -> memref<1x100xi32, #tpu.memory_space<vmem>>
    %dma_start3A_99 = tpu.memref_squeeze %dma_start3A_98 : memref<1x100xi32, #tpu.memory_space<vmem>> -> memref<100xi32, #tpu.memory_space<vmem>>
    %dma_start3A_100 = arith.constant 0 : i32
    %dma_start3A_101 = arith.constant 0 : i32
    %dma_start3A_102 = tpu.memref_slice %arg3[%dma_start3A_100, %dma_start3A_101] : memref<1000000x32xf32, #tpu.memory_space<hbm>> -> memref<1000000x32xf32, #tpu.memory_space<hbm>>
    tpu.enqueue_indirect_dma source(%dma_start3A_102 : memref<1000000x32xf32, #tpu.memory_space<hbm>>) target(%dma_start3A_96 : memref<100x32xf32, #tpu.memory_space<vmem>>) offsets(%dma_start3A_99 : memref<100xi32, #tpu.memory_space<vmem>>) semaphore(%arg13 : memref<!tpu.dma_semaphore, #tpu.memory_space<semaphore_mem>>)
    %dma_start3A_103 = arith.constant 9 : i32
    %dma_start3A_104 = arith.constant 900 : i32
    %dma_start3A_105 = arith.constant 0 : i32
    %dma_start3A_106 = tpu.memref_slice %arg8[%dma_start3A_104, %dma_start3A_105] : memref<1600x32xf32, #tpu.memory_space<vmem>> -> memref<100x32xf32, #tpu.memory_space<vmem>>
    %dma_start3A_107 = arith.constant 0 : i32
    %dma_start3A_108 = tpu.memref_slice %arg6[%dma_start3A_103, %dma_start3A_107] : memref<16x100xi32, #tpu.memory_space<vmem>> -> memref<1x100xi32, #tpu.memory_space<vmem>>
    %dma_start3A_109 = tpu.memref_squeeze %dma_start3A_108 : memref<1x100xi32, #tpu.memory_space<vmem>> -> memref<100xi32, #tpu.memory_space<vmem>>
    %dma_start3A_110 = arith.constant 0 : i32
    %dma_start3A_111 = arith.constant 0 : i32
    %dma_start3A_112 = tpu.memref_slice %arg3[%dma_start3A_110, %dma_start3A_111] : memref<1000000x32xf32, #tpu.memory_space<hbm>> -> memref<1000000x32xf32, #tpu.memory_space<hbm>>
    tpu.enqueue_indirect_dma source(%dma_start3A_112 : memref<1000000x32xf32, #tpu.memory_space<hbm>>) target(%dma_start3A_106 : memref<100x32xf32, #tpu.memory_space<vmem>>) offsets(%dma_start3A_109 : memref<100xi32, #tpu.memory_space<vmem>>) semaphore(%arg13 : memref<!tpu.dma_semaphore, #tpu.memory_space<semaphore_mem>>)
    %dma_start3A_113 = arith.constant 10 : i32
    %dma_start3A_114 = arith.constant 1000 : i32
    %dma_start3A_115 = arith.constant 0 : i32
    %dma_start3A_116 = tpu.memref_slice %arg8[%dma_start3A_114, %dma_start3A_115] : memref<1600x32xf32, #tpu.memory_space<vmem>> -> memref<100x32xf32, #tpu.memory_space<vmem>>
    %dma_start3A_117 = arith.constant 0 : i32
    %dma_start3A_118 = tpu.memref_slice %arg6[%dma_start3A_113, %dma_start3A_117] : memref<16x100xi32, #tpu.memory_space<vmem>> -> memref<1x100xi32, #tpu.memory_space<vmem>>
    %dma_start3A_119 = tpu.memref_squeeze %dma_start3A_118 : memref<1x100xi32, #tpu.memory_space<vmem>> -> memref<100xi32, #tpu.memory_space<vmem>>
    %dma_start3A_120 = arith.constant 0 : i32
    %dma_start3A_121 = arith.constant 0 : i32
    %dma_start3A_122 = tpu.memref_slice %arg3[%dma_start3A_120, %dma_start3A_121] : memref<1000000x32xf32, #tpu.memory_space<hbm>> -> memref<1000000x32xf32, #tpu.memory_space<hbm>>
    tpu.enqueue_indirect_dma source(%dma_start3A_122 : memref<1000000x32xf32, #tpu.memory_space<hbm>>) target(%dma_start3A_116 : memref<100x32xf32, #tpu.memory_space<vmem>>) offsets(%dma_start3A_119 : memref<100xi32, #tpu.memory_space<vmem>>) semaphore(%arg13 : memref<!tpu.dma_semaphore, #tpu.memory_space<semaphore_mem>>)
    %dma_start3A_123 = arith.constant 11 : i32
    %dma_start3A_124 = arith.constant 1100 : i32
    %dma_start3A_125 = arith.constant 0 : i32
    %dma_start3A_126 = tpu.memref_slice %arg8[%dma_start3A_124, %dma_start3A_125] : memref<1600x32xf32, #tpu.memory_space<vmem>> -> memref<100x32xf32, #tpu.memory_space<vmem>>
    %dma_start3A_127 = arith.constant 0 : i32
    %dma_start3A_128 = tpu.memref_slice %arg6[%dma_start3A_123, %dma_start3A_127] : memref<16x100xi32, #tpu.memory_space<vmem>> -> memref<1x100xi32, #tpu.memory_space<vmem>>
    %dma_start3A_129 = tpu.memref_squeeze %dma_start3A_128 : memref<1x100xi32, #tpu.memory_space<vmem>> -> memref<100xi32, #tpu.memory_space<vmem>>
    %dma_start3A_130 = arith.constant 0 : i32
    %dma_start3A_131 = arith.constant 0 : i32
    %dma_start3A_132 = tpu.memref_slice %arg3[%dma_start3A_130, %dma_start3A_131] : memref<1000000x32xf32, #tpu.memory_space<hbm>> -> memref<1000000x32xf32, #tpu.memory_space<hbm>>
    tpu.enqueue_indirect_dma source(%dma_start3A_132 : memref<1000000x32xf32, #tpu.memory_space<hbm>>) target(%dma_start3A_126 : memref<100x32xf32, #tpu.memory_space<vmem>>) offsets(%dma_start3A_129 : memref<100xi32, #tpu.memory_space<vmem>>) semaphore(%arg13 : memref<!tpu.dma_semaphore, #tpu.memory_space<semaphore_mem>>)
    %dma_start3A_133 = arith.constant 12 : i32
    %dma_start3A_134 = arith.constant 1200 : i32
    %dma_start3A_135 = arith.constant 0 : i32
    %dma_start3A_136 = tpu.memref_slice %arg8[%dma_start3A_134, %dma_start3A_135] : memref<1600x32xf32, #tpu.memory_space<vmem>> -> memref<100x32xf32, #tpu.memory_space<vmem>>
    %dma_start3A_137 = arith.constant 0 : i32
    %dma_start3A_138 = tpu.memref_slice %arg6[%dma_start3A_133, %dma_start3A_137] : memref<16x100xi32, #tpu.memory_space<vmem>> -> memref<1x100xi32, #tpu.memory_space<vmem>>
    %dma_start3A_139 = tpu.memref_squeeze %dma_start3A_138 : memref<1x100xi32, #tpu.memory_space<vmem>> -> memref<100xi32, #tpu.memory_space<vmem>>
    %dma_start3A_140 = arith.constant 0 : i32
    %dma_start3A_141 = arith.constant 0 : i32
    %dma_start3A_142 = tpu.memref_slice %arg3[%dma_start3A_140, %dma_start3A_141] : memref<1000000x32xf32, #tpu.memory_space<hbm>> -> memref<1000000x32xf32, #tpu.memory_space<hbm>>
    tpu.enqueue_indirect_dma source(%dma_start3A_142 : memref<1000000x32xf32, #tpu.memory_space<hbm>>) target(%dma_start3A_136 : memref<100x32xf32, #tpu.memory_space<vmem>>) offsets(%dma_start3A_139 : memref<100xi32, #tpu.memory_space<vmem>>) semaphore(%arg13 : memref<!tpu.dma_semaphore, #tpu.memory_space<semaphore_mem>>)
    %dma_start3A_143 = arith.constant 13 : i32
    %dma_start3A_144 = arith.constant 1300 : i32
    %dma_start3A_145 = arith.constant 0 : i32
    %dma_start3A_146 = tpu.memref_slice %arg8[%dma_start3A_144, %dma_start3A_145] : memref<1600x32xf32, #tpu.memory_space<vmem>> -> memref<100x32xf32, #tpu.memory_space<vmem>>
    %dma_start3A_147 = arith.constant 0 : i32
    %dma_start3A_148 = tpu.memref_slice %arg6[%dma_start3A_143, %dma_start3A_147] : memref<16x100xi32, #tpu.memory_space<vmem>> -> memref<1x100xi32, #tpu.memory_space<vmem>>
    %dma_start3A_149 = tpu.memref_squeeze %dma_start3A_148 : memref<1x100xi32, #tpu.memory_space<vmem>> -> memref<100xi32, #tpu.memory_space<vmem>>
    %dma_start3A_150 = arith.constant 0 : i32
    %dma_start3A_151 = arith.constant 0 : i32
    %dma_start3A_152 = tpu.memref_slice %arg3[%dma_start3A_150, %dma_start3A_151] : memref<1000000x32xf32, #tpu.memory_space<hbm>> -> memref<1000000x32xf32, #tpu.memory_space<hbm>>
    tpu.enqueue_indirect_dma source(%dma_start3A_152 : memref<1000000x32xf32, #tpu.memory_space<hbm>>) target(%dma_start3A_146 : memref<100x32xf32, #tpu.memory_space<vmem>>) offsets(%dma_start3A_149 : memref<100xi32, #tpu.memory_space<vmem>>) semaphore(%arg13 : memref<!tpu.dma_semaphore, #tpu.memory_space<semaphore_mem>>)
    %dma_start3A_153 = arith.constant 14 : i32
    %dma_start3A_154 = arith.constant 1400 : i32
    %dma_start3A_155 = arith.constant 0 : i32
    %dma_start3A_156 = tpu.memref_slice %arg8[%dma_start3A_154, %dma_start3A_155] : memref<1600x32xf32, #tpu.memory_space<vmem>> -> memref<100x32xf32, #tpu.memory_space<vmem>>
    %dma_start3A_157 = arith.constant 0 : i32
    %dma_start3A_158 = tpu.memref_slice %arg6[%dma_start3A_153, %dma_start3A_157] : memref<16x100xi32, #tpu.memory_space<vmem>> -> memref<1x100xi32, #tpu.memory_space<vmem>>
    %dma_start3A_159 = tpu.memref_squeeze %dma_start3A_158 : memref<1x100xi32, #tpu.memory_space<vmem>> -> memref<100xi32, #tpu.memory_space<vmem>>
    %dma_start3A_160 = arith.constant 0 : i32
    %dma_start3A_161 = arith.constant 0 : i32
    %dma_start3A_162 = tpu.memref_slice %arg3[%dma_start3A_160, %dma_start3A_161] : memref<1000000x32xf32, #tpu.memory_space<hbm>> -> memref<1000000x32xf32, #tpu.memory_space<hbm>>
    tpu.enqueue_indirect_dma source(%dma_start3A_162 : memref<1000000x32xf32, #tpu.memory_space<hbm>>) target(%dma_start3A_156 : memref<100x32xf32, #tpu.memory_space<vmem>>) offsets(%dma_start3A_159 : memref<100xi32, #tpu.memory_space<vmem>>) semaphore(%arg13 : memref<!tpu.dma_semaphore, #tpu.memory_space<semaphore_mem>>)
    %dma_start3A_163 = arith.constant 15 : i32
    %dma_start3A_164 = arith.constant 1500 : i32
    %dma_start3A_165 = arith.constant 0 : i32
    %dma_start3A_166 = tpu.memref_slice %arg8[%dma_start3A_164, %dma_start3A_165] : memref<1600x32xf32, #tpu.memory_space<vmem>> -> memref<100x32xf32, #tpu.memory_space<vmem>>
    %dma_start3A_167 = arith.constant 0 : i32
    %dma_start3A_168 = tpu.memref_slice %arg6[%dma_start3A_163, %dma_start3A_167] : memref<16x100xi32, #tpu.memory_space<vmem>> -> memref<1x100xi32, #tpu.memory_space<vmem>>
    %dma_start3A_169 = tpu.memref_squeeze %dma_start3A_168 : memref<1x100xi32, #tpu.memory_space<vmem>> -> memref<100xi32, #tpu.memory_space<vmem>>
    %dma_start3A_170 = arith.constant 0 : i32
    %dma_start3A_171 = arith.constant 0 : i32
    %dma_start3A_172 = tpu.memref_slice %arg3[%dma_start3A_170, %dma_start3A_171] : memref<1000000x32xf32, #tpu.memory_space<hbm>> -> memref<1000000x32xf32, #tpu.memory_space<hbm>>
    tpu.enqueue_indirect_dma source(%dma_start3A_172 : memref<1000000x32xf32, #tpu.memory_space<hbm>>) target(%dma_start3A_166 : memref<100x32xf32, #tpu.memory_space<vmem>>) offsets(%dma_start3A_169 : memref<100xi32, #tpu.memory_space<vmem>>) semaphore(%arg13 : memref<!tpu.dma_semaphore, #tpu.memory_space<semaphore_mem>>)
    %mul3A_173 = arith.constant 256 : i32
    %mul3A_174 = arith.muli %add3A, %mul3A_173 : i32
    %add3A_175 = arith.constant 16 : i32
    %add3A_176 = arith.addi %mul3A_174, %add3A_175 : i32
    %dma_start3A_177 = arith.constant 0 : i32
    %dma_start3A_178 = tpu.memref_slice %arg2[%add3A_176, %dma_start3A_177] : memref<8192x100xi32, #tpu.memory_space<hbm>> -> memref<16x100xi32, #tpu.memory_space<hbm>>
    %dma_start3A_179 = arith.constant 0 : i32
    %dma_start3A_180 = tpu.memref_slice %arg2[%add3A_176, %dma_start3A_179] : memref<8192x100xi32, #tpu.memory_space<hbm>> -> memref<16x100xi32, #tpu.memory_space<hbm>>
    tpu.enqueue_dma source(%dma_start3A_180 : memref<16x100xi32, #tpu.memory_space<hbm>>) target(%arg7 : memref<16x100xi32, #tpu.memory_space<vmem>>) target_semaphore(%arg12 : memref<!tpu.dma_semaphore, #tpu.memory_space<semaphore_mem>>)
    %scan3A = arith.constant 0 : i32
    %scan3A_181 = arith.constant 8 : i32
    %scan3A_182 = arith.addi %scan3A, %scan3A_181 : i32
    %scan3A_183 = arith.constant 1 : i32
    scf.for %scan3A_191 = %scan3A to %scan3A_182 step %scan3A_183  : i32 {
      %mul3A_192 = arith.constant 1 : i32
      %mul3A_193 = arith.muli %scan3A_191, %mul3A_192 : i32
      %add3A_194 = arith.constant 0 : i32
      %add3A_195 = arith.addi %add3A_194, %mul3A_193 : i32
      %mul3A_196 = arith.constant 2 : i32
      %mul3A_197 = arith.muli %add3A_195, %mul3A_196 : i32
      %dma_wait3A_198 = arith.constant 0 : i32
      %dma_wait3A_199 = arith.constant 0 : i32
      %dma_wait3A_200 = tpu.memref_slice %arg3[%dma_wait3A_198, %dma_wait3A_199] : memref<1000000x32xf32, #tpu.memory_space<hbm>> -> memref<1600x32xf32, #tpu.memory_space<hbm>>
      %dma_wait3A_201 = arith.constant 0 : i32
      %dma_wait3A_202 = arith.constant 0 : i32
      %dma_wait3A_203 = tpu.memref_slice %arg3[%dma_wait3A_201, %dma_wait3A_202] : memref<1000000x32xf32, #tpu.memory_space<hbm>> -> memref<1600x32xf32, #tpu.memory_space<hbm>>
      tpu.wait_dma2 semaphore(%arg13 : memref<!tpu.dma_semaphore, #tpu.memory_space<semaphore_mem>>) src(%dma_wait3A_203 : memref<1600x32xf32, #tpu.memory_space<hbm>>) dst(%arg8 : memref<1600x32xf32, #tpu.memory_space<vmem>>)
      %dma_wait3A_204 = arith.constant 0 : i32
      %dma_wait3A_205 = arith.constant 0 : i32
      %dma_wait3A_206 = tpu.memref_slice %arg2[%dma_wait3A_204, %dma_wait3A_205] : memref<8192x100xi32, #tpu.memory_space<hbm>> -> memref<16x100xi32, #tpu.memory_space<hbm>>
      %dma_wait3A_207 = arith.constant 0 : i32
      %dma_wait3A_208 = arith.constant 0 : i32
      %dma_wait3A_209 = tpu.memref_slice %arg2[%dma_wait3A_207, %dma_wait3A_208] : memref<8192x100xi32, #tpu.memory_space<hbm>> -> memref<16x100xi32, #tpu.memory_space<hbm>>
      tpu.wait_dma2 semaphore(%arg12 : memref<!tpu.dma_semaphore, #tpu.memory_space<semaphore_mem>>) src(%dma_wait3A_209 : memref<16x100xi32, #tpu.memory_space<hbm>>) dst(%arg7 : memref<16x100xi32, #tpu.memory_space<vmem>>)
      %gt3A = arith.constant 0 : i32
      %gt3A_210 = arith.cmpi sgt, %add3A_195, %gt3A : i32
      %convert_element_type3A = arith.extui %gt3A_210 : i1 to i32
      %cond3A = arith.constant 0 : i32
      %cond3A_211 = arith.cmpi ne, %convert_element_type3A, %cond3A : i32
      scf.if %cond3A_211 {
        %dma_wait3A_433 = arith.constant 0 : i32
        %dma_wait3A_434 = arith.constant 0 : i32
        %dma_wait3A_435 = tpu.memref_slice %arg5[%dma_wait3A_433, %dma_wait3A_434] : memref<819200x32xf32, #tpu.memory_space<hbm>> -> memref<1600x32xf32, #tpu.memory_space<hbm>>
        %dma_wait3A_436 = arith.constant 0 : i32
        %dma_wait3A_437 = arith.constant 0 : i32
        %dma_wait3A_438 = tpu.memref_slice %arg5[%dma_wait3A_436, %dma_wait3A_437] : memref<819200x32xf32, #tpu.memory_space<hbm>> -> memref<1600x32xf32, #tpu.memory_space<hbm>>
        tpu.wait_dma2 semaphore(%arg16 : memref<!tpu.dma_semaphore, #tpu.memory_space<semaphore_mem>>) src(%arg9 : memref<1600x32xf32, #tpu.memory_space<vmem>>) dst(%dma_wait3A_438 : memref<1600x32xf32, #tpu.memory_space<hbm>>)
      } else {
      }
      %dma_start3A_212 = arith.constant 0 : i32
      %dma_start3A_213 = arith.constant 0 : i32
      %dma_start3A_214 = arith.constant 0 : i32
      %dma_start3A_215 = tpu.memref_slice %arg9[%dma_start3A_213, %dma_start3A_214] : memref<1600x32xf32, #tpu.memory_space<vmem>> -> memref<100x32xf32, #tpu.memory_space<vmem>>
      %dma_start3A_216 = arith.constant 0 : i32
      %dma_start3A_217 = tpu.memref_slice %arg7[%dma_start3A_212, %dma_start3A_216] : memref<16x100xi32, #tpu.memory_space<vmem>> -> memref<1x100xi32, #tpu.memory_space<vmem>>
      %dma_start3A_218 = tpu.memref_squeeze %dma_start3A_217 : memref<1x100xi32, #tpu.memory_space<vmem>> -> memref<100xi32, #tpu.memory_space<vmem>>
      %dma_start3A_219 = arith.constant 0 : i32
      %dma_start3A_220 = arith.constant 0 : i32
      %dma_start3A_221 = tpu.memref_slice %arg3[%dma_start3A_219, %dma_start3A_220] : memref<1000000x32xf32, #tpu.memory_space<hbm>> -> memref<1000000x32xf32, #tpu.memory_space<hbm>>
      tpu.enqueue_indirect_dma source(%dma_start3A_221 : memref<1000000x32xf32, #tpu.memory_space<hbm>>) target(%dma_start3A_215 : memref<100x32xf32, #tpu.memory_space<vmem>>) offsets(%dma_start3A_218 : memref<100xi32, #tpu.memory_space<vmem>>) semaphore(%arg14 : memref<!tpu.dma_semaphore, #tpu.memory_space<semaphore_mem>>)
      %dma_start3A_222 = arith.constant 1 : i32
      %dma_start3A_223 = arith.constant 100 : i32
      %dma_start3A_224 = arith.constant 0 : i32
      %dma_start3A_225 = tpu.memref_slice %arg9[%dma_start3A_223, %dma_start3A_224] : memref<1600x32xf32, #tpu.memory_space<vmem>> -> memref<100x32xf32, #tpu.memory_space<vmem>>
      %dma_start3A_226 = arith.constant 0 : i32
      %dma_start3A_227 = tpu.memref_slice %arg7[%dma_start3A_222, %dma_start3A_226] : memref<16x100xi32, #tpu.memory_space<vmem>> -> memref<1x100xi32, #tpu.memory_space<vmem>>
      %dma_start3A_228 = tpu.memref_squeeze %dma_start3A_227 : memref<1x100xi32, #tpu.memory_space<vmem>> -> memref<100xi32, #tpu.memory_space<vmem>>
      %dma_start3A_229 = arith.constant 0 : i32
      %dma_start3A_230 = arith.constant 0 : i32
      %dma_start3A_231 = tpu.memref_slice %arg3[%dma_start3A_229, %dma_start3A_230] : memref<1000000x32xf32, #tpu.memory_space<hbm>> -> memref<1000000x32xf32, #tpu.memory_space<hbm>>
      tpu.enqueue_indirect_dma source(%dma_start3A_231 : memref<1000000x32xf32, #tpu.memory_space<hbm>>) target(%dma_start3A_225 : memref<100x32xf32, #tpu.memory_space<vmem>>) offsets(%dma_start3A_228 : memref<100xi32, #tpu.memory_space<vmem>>) semaphore(%arg14 : memref<!tpu.dma_semaphore, #tpu.memory_space<semaphore_mem>>)
      %dma_start3A_232 = arith.constant 2 : i32
      %dma_start3A_233 = arith.constant 200 : i32
      %dma_start3A_234 = arith.constant 0 : i32
      %dma_start3A_235 = tpu.memref_slice %arg9[%dma_start3A_233, %dma_start3A_234] : memref<1600x32xf32, #tpu.memory_space<vmem>> -> memref<100x32xf32, #tpu.memory_space<vmem>>
      %dma_start3A_236 = arith.constant 0 : i32
      %dma_start3A_237 = tpu.memref_slice %arg7[%dma_start3A_232, %dma_start3A_236] : memref<16x100xi32, #tpu.memory_space<vmem>> -> memref<1x100xi32, #tpu.memory_space<vmem>>
      %dma_start3A_238 = tpu.memref_squeeze %dma_start3A_237 : memref<1x100xi32, #tpu.memory_space<vmem>> -> memref<100xi32, #tpu.memory_space<vmem>>
      %dma_start3A_239 = arith.constant 0 : i32
      %dma_start3A_240 = arith.constant 0 : i32
      %dma_start3A_241 = tpu.memref_slice %arg3[%dma_start3A_239, %dma_start3A_240] : memref<1000000x32xf32, #tpu.memory_space<hbm>> -> memref<1000000x32xf32, #tpu.memory_space<hbm>>
      tpu.enqueue_indirect_dma source(%dma_start3A_241 : memref<1000000x32xf32, #tpu.memory_space<hbm>>) target(%dma_start3A_235 : memref<100x32xf32, #tpu.memory_space<vmem>>) offsets(%dma_start3A_238 : memref<100xi32, #tpu.memory_space<vmem>>) semaphore(%arg14 : memref<!tpu.dma_semaphore, #tpu.memory_space<semaphore_mem>>)
      %dma_start3A_242 = arith.constant 3 : i32
      %dma_start3A_243 = arith.constant 300 : i32
      %dma_start3A_244 = arith.constant 0 : i32
      %dma_start3A_245 = tpu.memref_slice %arg9[%dma_start3A_243, %dma_start3A_244] : memref<1600x32xf32, #tpu.memory_space<vmem>> -> memref<100x32xf32, #tpu.memory_space<vmem>>
      %dma_start3A_246 = arith.constant 0 : i32
      %dma_start3A_247 = tpu.memref_slice %arg7[%dma_start3A_242, %dma_start3A_246] : memref<16x100xi32, #tpu.memory_space<vmem>> -> memref<1x100xi32, #tpu.memory_space<vmem>>
      %dma_start3A_248 = tpu.memref_squeeze %dma_start3A_247 : memref<1x100xi32, #tpu.memory_space<vmem>> -> memref<100xi32, #tpu.memory_space<vmem>>
      %dma_start3A_249 = arith.constant 0 : i32
      %dma_start3A_250 = arith.constant 0 : i32
      %dma_start3A_251 = tpu.memref_slice %arg3[%dma_start3A_249, %dma_start3A_250] : memref<1000000x32xf32, #tpu.memory_space<hbm>> -> memref<1000000x32xf32, #tpu.memory_space<hbm>>
      tpu.enqueue_indirect_dma source(%dma_start3A_251 : memref<1000000x32xf32, #tpu.memory_space<hbm>>) target(%dma_start3A_245 : memref<100x32xf32, #tpu.memory_space<vmem>>) offsets(%dma_start3A_248 : memref<100xi32, #tpu.memory_space<vmem>>) semaphore(%arg14 : memref<!tpu.dma_semaphore, #tpu.memory_space<semaphore_mem>>)
      %dma_start3A_252 = arith.constant 4 : i32
      %dma_start3A_253 = arith.constant 400 : i32
      %dma_start3A_254 = arith.constant 0 : i32
      %dma_start3A_255 = tpu.memref_slice %arg9[%dma_start3A_253, %dma_start3A_254] : memref<1600x32xf32, #tpu.memory_space<vmem>> -> memref<100x32xf32, #tpu.memory_space<vmem>>
      %dma_start3A_256 = arith.constant 0 : i32
      %dma_start3A_257 = tpu.memref_slice %arg7[%dma_start3A_252, %dma_start3A_256] : memref<16x100xi32, #tpu.memory_space<vmem>> -> memref<1x100xi32, #tpu.memory_space<vmem>>
      %dma_start3A_258 = tpu.memref_squeeze %dma_start3A_257 : memref<1x100xi32, #tpu.memory_space<vmem>> -> memref<100xi32, #tpu.memory_space<vmem>>
      %dma_start3A_259 = arith.constant 0 : i32
      %dma_start3A_260 = arith.constant 0 : i32
      %dma_start3A_261 = tpu.memref_slice %arg3[%dma_start3A_259, %dma_start3A_260] : memref<1000000x32xf32, #tpu.memory_space<hbm>> -> memref<1000000x32xf32, #tpu.memory_space<hbm>>
      tpu.enqueue_indirect_dma source(%dma_start3A_261 : memref<1000000x32xf32, #tpu.memory_space<hbm>>) target(%dma_start3A_255 : memref<100x32xf32, #tpu.memory_space<vmem>>) offsets(%dma_start3A_258 : memref<100xi32, #tpu.memory_space<vmem>>) semaphore(%arg14 : memref<!tpu.dma_semaphore, #tpu.memory_space<semaphore_mem>>)
      %dma_start3A_262 = arith.constant 5 : i32
      %dma_start3A_263 = arith.constant 500 : i32
      %dma_start3A_264 = arith.constant 0 : i32
      %dma_start3A_265 = tpu.memref_slice %arg9[%dma_start3A_263, %dma_start3A_264] : memref<1600x32xf32, #tpu.memory_space<vmem>> -> memref<100x32xf32, #tpu.memory_space<vmem>>
      %dma_start3A_266 = arith.constant 0 : i32
      %dma_start3A_267 = tpu.memref_slice %arg7[%dma_start3A_262, %dma_start3A_266] : memref<16x100xi32, #tpu.memory_space<vmem>> -> memref<1x100xi32, #tpu.memory_space<vmem>>
      %dma_start3A_268 = tpu.memref_squeeze %dma_start3A_267 : memref<1x100xi32, #tpu.memory_space<vmem>> -> memref<100xi32, #tpu.memory_space<vmem>>
      %dma_start3A_269 = arith.constant 0 : i32
      %dma_start3A_270 = arith.constant 0 : i32
      %dma_start3A_271 = tpu.memref_slice %arg3[%dma_start3A_269, %dma_start3A_270] : memref<1000000x32xf32, #tpu.memory_space<hbm>> -> memref<1000000x32xf32, #tpu.memory_space<hbm>>
      tpu.enqueue_indirect_dma source(%dma_start3A_271 : memref<1000000x32xf32, #tpu.memory_space<hbm>>) target(%dma_start3A_265 : memref<100x32xf32, #tpu.memory_space<vmem>>) offsets(%dma_start3A_268 : memref<100xi32, #tpu.memory_space<vmem>>) semaphore(%arg14 : memref<!tpu.dma_semaphore, #tpu.memory_space<semaphore_mem>>)
      %dma_start3A_272 = arith.constant 6 : i32
      %dma_start3A_273 = arith.constant 600 : i32
      %dma_start3A_274 = arith.constant 0 : i32
      %dma_start3A_275 = tpu.memref_slice %arg9[%dma_start3A_273, %dma_start3A_274] : memref<1600x32xf32, #tpu.memory_space<vmem>> -> memref<100x32xf32, #tpu.memory_space<vmem>>
      %dma_start3A_276 = arith.constant 0 : i32
      %dma_start3A_277 = tpu.memref_slice %arg7[%dma_start3A_272, %dma_start3A_276] : memref<16x100xi32, #tpu.memory_space<vmem>> -> memref<1x100xi32, #tpu.memory_space<vmem>>
      %dma_start3A_278 = tpu.memref_squeeze %dma_start3A_277 : memref<1x100xi32, #tpu.memory_space<vmem>> -> memref<100xi32, #tpu.memory_space<vmem>>
      %dma_start3A_279 = arith.constant 0 : i32
      %dma_start3A_280 = arith.constant 0 : i32
      %dma_start3A_281 = tpu.memref_slice %arg3[%dma_start3A_279, %dma_start3A_280] : memref<1000000x32xf32, #tpu.memory_space<hbm>> -> memref<1000000x32xf32, #tpu.memory_space<hbm>>
      tpu.enqueue_indirect_dma source(%dma_start3A_281 : memref<1000000x32xf32, #tpu.memory_space<hbm>>) target(%dma_start3A_275 : memref<100x32xf32, #tpu.memory_space<vmem>>) offsets(%dma_start3A_278 : memref<100xi32, #tpu.memory_space<vmem>>) semaphore(%arg14 : memref<!tpu.dma_semaphore, #tpu.memory_space<semaphore_mem>>)
      %dma_start3A_282 = arith.constant 7 : i32
      %dma_start3A_283 = arith.constant 700 : i32
      %dma_start3A_284 = arith.constant 0 : i32
      %dma_start3A_285 = tpu.memref_slice %arg9[%dma_start3A_283, %dma_start3A_284] : memref<1600x32xf32, #tpu.memory_space<vmem>> -> memref<100x32xf32, #tpu.memory_space<vmem>>
      %dma_start3A_286 = arith.constant 0 : i32
      %dma_start3A_287 = tpu.memref_slice %arg7[%dma_start3A_282, %dma_start3A_286] : memref<16x100xi32, #tpu.memory_space<vmem>> -> memref<1x100xi32, #tpu.memory_space<vmem>>
      %dma_start3A_288 = tpu.memref_squeeze %dma_start3A_287 : memref<1x100xi32, #tpu.memory_space<vmem>> -> memref<100xi32, #tpu.memory_space<vmem>>
      %dma_start3A_289 = arith.constant 0 : i32
      %dma_start3A_290 = arith.constant 0 : i32
      %dma_start3A_291 = tpu.memref_slice %arg3[%dma_start3A_289, %dma_start3A_290] : memref<1000000x32xf32, #tpu.memory_space<hbm>> -> memref<1000000x32xf32, #tpu.memory_space<hbm>>
      tpu.enqueue_indirect_dma source(%dma_start3A_291 : memref<1000000x32xf32, #tpu.memory_space<hbm>>) target(%dma_start3A_285 : memref<100x32xf32, #tpu.memory_space<vmem>>) offsets(%dma_start3A_288 : memref<100xi32, #tpu.memory_space<vmem>>) semaphore(%arg14 : memref<!tpu.dma_semaphore, #tpu.memory_space<semaphore_mem>>)
      %dma_start3A_292 = arith.constant 8 : i32
      %dma_start3A_293 = arith.constant 800 : i32
      %dma_start3A_294 = arith.constant 0 : i32
      %dma_start3A_295 = tpu.memref_slice %arg9[%dma_start3A_293, %dma_start3A_294] : memref<1600x32xf32, #tpu.memory_space<vmem>> -> memref<100x32xf32, #tpu.memory_space<vmem>>
      %dma_start3A_296 = arith.constant 0 : i32
      %dma_start3A_297 = tpu.memref_slice %arg7[%dma_start3A_292, %dma_start3A_296] : memref<16x100xi32, #tpu.memory_space<vmem>> -> memref<1x100xi32, #tpu.memory_space<vmem>>
      %dma_start3A_298 = tpu.memref_squeeze %dma_start3A_297 : memref<1x100xi32, #tpu.memory_space<vmem>> -> memref<100xi32, #tpu.memory_space<vmem>>
      %dma_start3A_299 = arith.constant 0 : i32
      %dma_start3A_300 = arith.constant 0 : i32
      %dma_start3A_301 = tpu.memref_slice %arg3[%dma_start3A_299, %dma_start3A_300] : memref<1000000x32xf32, #tpu.memory_space<hbm>> -> memref<1000000x32xf32, #tpu.memory_space<hbm>>
      tpu.enqueue_indirect_dma source(%dma_start3A_301 : memref<1000000x32xf32, #tpu.memory_space<hbm>>) target(%dma_start3A_295 : memref<100x32xf32, #tpu.memory_space<vmem>>) offsets(%dma_start3A_298 : memref<100xi32, #tpu.memory_space<vmem>>) semaphore(%arg14 : memref<!tpu.dma_semaphore, #tpu.memory_space<semaphore_mem>>)
      %dma_start3A_302 = arith.constant 9 : i32
      %dma_start3A_303 = arith.constant 900 : i32
      %dma_start3A_304 = arith.constant 0 : i32
      %dma_start3A_305 = tpu.memref_slice %arg9[%dma_start3A_303, %dma_start3A_304] : memref<1600x32xf32, #tpu.memory_space<vmem>> -> memref<100x32xf32, #tpu.memory_space<vmem>>
      %dma_start3A_306 = arith.constant 0 : i32
      %dma_start3A_307 = tpu.memref_slice %arg7[%dma_start3A_302, %dma_start3A_306] : memref<16x100xi32, #tpu.memory_space<vmem>> -> memref<1x100xi32, #tpu.memory_space<vmem>>
      %dma_start3A_308 = tpu.memref_squeeze %dma_start3A_307 : memref<1x100xi32, #tpu.memory_space<vmem>> -> memref<100xi32, #tpu.memory_space<vmem>>
      %dma_start3A_309 = arith.constant 0 : i32
      %dma_start3A_310 = arith.constant 0 : i32
      %dma_start3A_311 = tpu.memref_slice %arg3[%dma_start3A_309, %dma_start3A_310] : memref<1000000x32xf32, #tpu.memory_space<hbm>> -> memref<1000000x32xf32, #tpu.memory_space<hbm>>
      tpu.enqueue_indirect_dma source(%dma_start3A_311 : memref<1000000x32xf32, #tpu.memory_space<hbm>>) target(%dma_start3A_305 : memref<100x32xf32, #tpu.memory_space<vmem>>) offsets(%dma_start3A_308 : memref<100xi32, #tpu.memory_space<vmem>>) semaphore(%arg14 : memref<!tpu.dma_semaphore, #tpu.memory_space<semaphore_mem>>)
      %dma_start3A_312 = arith.constant 10 : i32
      %dma_start3A_313 = arith.constant 1000 : i32
      %dma_start3A_314 = arith.constant 0 : i32
      %dma_start3A_315 = tpu.memref_slice %arg9[%dma_start3A_313, %dma_start3A_314] : memref<1600x32xf32, #tpu.memory_space<vmem>> -> memref<100x32xf32, #tpu.memory_space<vmem>>
      %dma_start3A_316 = arith.constant 0 : i32
      %dma_start3A_317 = tpu.memref_slice %arg7[%dma_start3A_312, %dma_start3A_316] : memref<16x100xi32, #tpu.memory_space<vmem>> -> memref<1x100xi32, #tpu.memory_space<vmem>>
      %dma_start3A_318 = tpu.memref_squeeze %dma_start3A_317 : memref<1x100xi32, #tpu.memory_space<vmem>> -> memref<100xi32, #tpu.memory_space<vmem>>
      %dma_start3A_319 = arith.constant 0 : i32
      %dma_start3A_320 = arith.constant 0 : i32
      %dma_start3A_321 = tpu.memref_slice %arg3[%dma_start3A_319, %dma_start3A_320] : memref<1000000x32xf32, #tpu.memory_space<hbm>> -> memref<1000000x32xf32, #tpu.memory_space<hbm>>
      tpu.enqueue_indirect_dma source(%dma_start3A_321 : memref<1000000x32xf32, #tpu.memory_space<hbm>>) target(%dma_start3A_315 : memref<100x32xf32, #tpu.memory_space<vmem>>) offsets(%dma_start3A_318 : memref<100xi32, #tpu.memory_space<vmem>>) semaphore(%arg14 : memref<!tpu.dma_semaphore, #tpu.memory_space<semaphore_mem>>)
      %dma_start3A_322 = arith.constant 11 : i32
      %dma_start3A_323 = arith.constant 1100 : i32
      %dma_start3A_324 = arith.constant 0 : i32
      %dma_start3A_325 = tpu.memref_slice %arg9[%dma_start3A_323, %dma_start3A_324] : memref<1600x32xf32, #tpu.memory_space<vmem>> -> memref<100x32xf32, #tpu.memory_space<vmem>>
      %dma_start3A_326 = arith.constant 0 : i32
      %dma_start3A_327 = tpu.memref_slice %arg7[%dma_start3A_322, %dma_start3A_326] : memref<16x100xi32, #tpu.memory_space<vmem>> -> memref<1x100xi32, #tpu.memory_space<vmem>>
      %dma_start3A_328 = tpu.memref_squeeze %dma_start3A_327 : memref<1x100xi32, #tpu.memory_space<vmem>> -> memref<100xi32, #tpu.memory_space<vmem>>
      %dma_start3A_329 = arith.constant 0 : i32
      %dma_start3A_330 = arith.constant 0 : i32
      %dma_start3A_331 = tpu.memref_slice %arg3[%dma_start3A_329, %dma_start3A_330] : memref<1000000x32xf32, #tpu.memory_space<hbm>> -> memref<1000000x32xf32, #tpu.memory_space<hbm>>
      tpu.enqueue_indirect_dma source(%dma_start3A_331 : memref<1000000x32xf32, #tpu.memory_space<hbm>>) target(%dma_start3A_325 : memref<100x32xf32, #tpu.memory_space<vmem>>) offsets(%dma_start3A_328 : memref<100xi32, #tpu.memory_space<vmem>>) semaphore(%arg14 : memref<!tpu.dma_semaphore, #tpu.memory_space<semaphore_mem>>)
      %dma_start3A_332 = arith.constant 12 : i32
      %dma_start3A_333 = arith.constant 1200 : i32
      %dma_start3A_334 = arith.constant 0 : i32
      %dma_start3A_335 = tpu.memref_slice %arg9[%dma_start3A_333, %dma_start3A_334] : memref<1600x32xf32, #tpu.memory_space<vmem>> -> memref<100x32xf32, #tpu.memory_space<vmem>>
      %dma_start3A_336 = arith.constant 0 : i32
      %dma_start3A_337 = tpu.memref_slice %arg7[%dma_start3A_332, %dma_start3A_336] : memref<16x100xi32, #tpu.memory_space<vmem>> -> memref<1x100xi32, #tpu.memory_space<vmem>>
      %dma_start3A_338 = tpu.memref_squeeze %dma_start3A_337 : memref<1x100xi32, #tpu.memory_space<vmem>> -> memref<100xi32, #tpu.memory_space<vmem>>
      %dma_start3A_339 = arith.constant 0 : i32
      %dma_start3A_340 = arith.constant 0 : i32
      %dma_start3A_341 = tpu.memref_slice %arg3[%dma_start3A_339, %dma_start3A_340] : memref<1000000x32xf32, #tpu.memory_space<hbm>> -> memref<1000000x32xf32, #tpu.memory_space<hbm>>
      tpu.enqueue_indirect_dma source(%dma_start3A_341 : memref<1000000x32xf32, #tpu.memory_space<hbm>>) target(%dma_start3A_335 : memref<100x32xf32, #tpu.memory_space<vmem>>) offsets(%dma_start3A_338 : memref<100xi32, #tpu.memory_space<vmem>>) semaphore(%arg14 : memref<!tpu.dma_semaphore, #tpu.memory_space<semaphore_mem>>)
      %dma_start3A_342 = arith.constant 13 : i32
      %dma_start3A_343 = arith.constant 1300 : i32
      %dma_start3A_344 = arith.constant 0 : i32
      %dma_start3A_345 = tpu.memref_slice %arg9[%dma_start3A_343, %dma_start3A_344] : memref<1600x32xf32, #tpu.memory_space<vmem>> -> memref<100x32xf32, #tpu.memory_space<vmem>>
      %dma_start3A_346 = arith.constant 0 : i32
      %dma_start3A_347 = tpu.memref_slice %arg7[%dma_start3A_342, %dma_start3A_346] : memref<16x100xi32, #tpu.memory_space<vmem>> -> memref<1x100xi32, #tpu.memory_space<vmem>>
      %dma_start3A_348 = tpu.memref_squeeze %dma_start3A_347 : memref<1x100xi32, #tpu.memory_space<vmem>> -> memref<100xi32, #tpu.memory_space<vmem>>
      %dma_start3A_349 = arith.constant 0 : i32
      %dma_start3A_350 = arith.constant 0 : i32
      %dma_start3A_351 = tpu.memref_slice %arg3[%dma_start3A_349, %dma_start3A_350] : memref<1000000x32xf32, #tpu.memory_space<hbm>> -> memref<1000000x32xf32, #tpu.memory_space<hbm>>
      tpu.enqueue_indirect_dma source(%dma_start3A_351 : memref<1000000x32xf32, #tpu.memory_space<hbm>>) target(%dma_start3A_345 : memref<100x32xf32, #tpu.memory_space<vmem>>) offsets(%dma_start3A_348 : memref<100xi32, #tpu.memory_space<vmem>>) semaphore(%arg14 : memref<!tpu.dma_semaphore, #tpu.memory_space<semaphore_mem>>)
      %dma_start3A_352 = arith.constant 14 : i32
      %dma_start3A_353 = arith.constant 1400 : i32
      %dma_start3A_354 = arith.constant 0 : i32
      %dma_start3A_355 = tpu.memref_slice %arg9[%dma_start3A_353, %dma_start3A_354] : memref<1600x32xf32, #tpu.memory_space<vmem>> -> memref<100x32xf32, #tpu.memory_space<vmem>>
      %dma_start3A_356 = arith.constant 0 : i32
      %dma_start3A_357 = tpu.memref_slice %arg7[%dma_start3A_352, %dma_start3A_356] : memref<16x100xi32, #tpu.memory_space<vmem>> -> memref<1x100xi32, #tpu.memory_space<vmem>>
      %dma_start3A_358 = tpu.memref_squeeze %dma_start3A_357 : memref<1x100xi32, #tpu.memory_space<vmem>> -> memref<100xi32, #tpu.memory_space<vmem>>
      %dma_start3A_359 = arith.constant 0 : i32
      %dma_start3A_360 = arith.constant 0 : i32
      %dma_start3A_361 = tpu.memref_slice %arg3[%dma_start3A_359, %dma_start3A_360] : memref<1000000x32xf32, #tpu.memory_space<hbm>> -> memref<1000000x32xf32, #tpu.memory_space<hbm>>
      tpu.enqueue_indirect_dma source(%dma_start3A_361 : memref<1000000x32xf32, #tpu.memory_space<hbm>>) target(%dma_start3A_355 : memref<100x32xf32, #tpu.memory_space<vmem>>) offsets(%dma_start3A_358 : memref<100xi32, #tpu.memory_space<vmem>>) semaphore(%arg14 : memref<!tpu.dma_semaphore, #tpu.memory_space<semaphore_mem>>)
      %dma_start3A_362 = arith.constant 15 : i32
      %dma_start3A_363 = arith.constant 1500 : i32
      %dma_start3A_364 = arith.constant 0 : i32
      %dma_start3A_365 = tpu.memref_slice %arg9[%dma_start3A_363, %dma_start3A_364] : memref<1600x32xf32, #tpu.memory_space<vmem>> -> memref<100x32xf32, #tpu.memory_space<vmem>>
      %dma_start3A_366 = arith.constant 0 : i32
      %dma_start3A_367 = tpu.memref_slice %arg7[%dma_start3A_362, %dma_start3A_366] : memref<16x100xi32, #tpu.memory_space<vmem>> -> memref<1x100xi32, #tpu.memory_space<vmem>>
      %dma_start3A_368 = tpu.memref_squeeze %dma_start3A_367 : memref<1x100xi32, #tpu.memory_space<vmem>> -> memref<100xi32, #tpu.memory_space<vmem>>
      %dma_start3A_369 = arith.constant 0 : i32
      %dma_start3A_370 = arith.constant 0 : i32
      %dma_start3A_371 = tpu.memref_slice %arg3[%dma_start3A_369, %dma_start3A_370] : memref<1000000x32xf32, #tpu.memory_space<hbm>> -> memref<1000000x32xf32, #tpu.memory_space<hbm>>
      tpu.enqueue_indirect_dma source(%dma_start3A_371 : memref<1000000x32xf32, #tpu.memory_space<hbm>>) target(%dma_start3A_365 : memref<100x32xf32, #tpu.memory_space<vmem>>) offsets(%dma_start3A_368 : memref<100xi32, #tpu.memory_space<vmem>>) semaphore(%arg14 : memref<!tpu.dma_semaphore, #tpu.memory_space<semaphore_mem>>)
      %lt3A = arith.constant 7 : i32
      %lt3A_372 = arith.cmpi slt, %add3A_195, %lt3A : i32
      %convert_element_type3A_373 = arith.extui %lt3A_372 : i1 to i32
      %cond3A_374 = arith.constant 0 : i32
      %cond3A_375 = arith.cmpi ne, %convert_element_type3A_373, %cond3A_374 : i32
      scf.if %cond3A_375 {
        %add3A_433 = arith.constant 2 : i32
        %add3A_434 = arith.addi %mul3A_197, %add3A_433 : i32
        %mul3A_435 = arith.constant 256 : i32
        %mul3A_436 = arith.muli %add3A, %mul3A_435 : i32
        %mul3A_437 = arith.constant 16 : i32
        %mul3A_438 = arith.muli %add3A_434, %mul3A_437 : i32
        %add3A_439 = arith.addi %mul3A_436, %mul3A_438 : i32
        %dma_start3A_440 = arith.constant 0 : i32
        %dma_start3A_441 = tpu.memref_slice %arg2[%add3A_439, %dma_start3A_440] : memref<8192x100xi32, #tpu.memory_space<hbm>> -> memref<16x100xi32, #tpu.memory_space<hbm>>
        %dma_start3A_442 = arith.constant 0 : i32
        %dma_start3A_443 = tpu.memref_slice %arg2[%add3A_439, %dma_start3A_442] : memref<8192x100xi32, #tpu.memory_space<hbm>> -> memref<16x100xi32, #tpu.memory_space<hbm>>
        tpu.enqueue_dma source(%dma_start3A_443 : memref<16x100xi32, #tpu.memory_space<hbm>>) target(%arg6 : memref<16x100xi32, #tpu.memory_space<vmem>>) target_semaphore(%arg11 : memref<!tpu.dma_semaphore, #tpu.memory_space<semaphore_mem>>)
      } else {
      }
      %parallel_loop3A = arith.constant 0 : i32
      %parallel_loop3A_376 = arith.constant 200 : i32
      %parallel_loop3A_377 = arith.constant 1 : i32
      scf.for %parallel_loop3A_433 = %parallel_loop3A to %parallel_loop3A_376 step %parallel_loop3A_377  : i32 {
        %parallel_loop3A_434 = arith.index_cast %parallel_loop3A_433 : i32 to index
        %parallel_loop3A_435 = arith.constant 0 : index
        %parallel_loop3A_436 = tpu.vector_load %arg10[%parallel_loop3A_434, %parallel_loop3A_435] {strides = array<i32>} : memref<200x32xf32, #tpu.memory_space<vmem>>, vector<1x16xf32>,
        %parallel_loop3A_437 = vector.shape_cast %parallel_loop3A_436 : vector<1x16xf32> to vector<16xf32>
        %parallel_loop3A_438 = arith.constant 0 : i32
        %parallel_loop3A_439 = arith.addi %parallel_loop3A_438, %parallel_loop3A_433 : i32
        %parallel_loop3A_440 = arith.index_cast %parallel_loop3A_439 : i32 to index
        %parallel_loop3A_441 = arith.constant 0 : index
        %parallel_loop3A_442 = tpu.vector_load %arg8[%parallel_loop3A_440, %parallel_loop3A_441] {strides = array<i32>} : memref<1600x32xf32, #tpu.memory_space<vmem>>, vector<1x16xf32>,
        %parallel_loop3A_443 = vector.shape_cast %parallel_loop3A_442 : vector<1x16xf32> to vector<16xf32>
        %parallel_loop3A_444 = arith.addf %parallel_loop3A_443, %parallel_loop3A_437 : vector<16xf32>
        %parallel_loop3A_445 = arith.index_cast %parallel_loop3A_439 : i32 to index
        %parallel_loop3A_446 = arith.constant 0 : index
        %parallel_loop3A_447 = tpu.vector_load %arg8[%parallel_loop3A_445, %parallel_loop3A_446] {strides = array<i32>} : memref<1600x32xf32, #tpu.memory_space<vmem>>, vector<1x16xf32>,
        %parallel_loop3A_448 = vector.shape_cast %parallel_loop3A_447 : vector<1x16xf32> to vector<16xf32>
        %parallel_loop3A_449 = vector.shape_cast %parallel_loop3A_444 : vector<16xf32> to vector<1x16xf32>
        tpu.vector_store %arg8[%parallel_loop3A_445, %parallel_loop3A_446], %parallel_loop3A_449 {strides = array<i32>} : memref<1600x32xf32, #tpu.memory_space<vmem>>, vector<1x16xf32>,
        %parallel_loop3A_450 = arith.constant 200 : i32
        %parallel_loop3A_451 = arith.addi %parallel_loop3A_450, %parallel_loop3A_433 : i32
        %parallel_loop3A_452 = arith.index_cast %parallel_loop3A_451 : i32 to index
        %parallel_loop3A_453 = arith.constant 0 : index
        %parallel_loop3A_454 = tpu.vector_load %arg8[%parallel_loop3A_452, %parallel_loop3A_453] {strides = array<i32>} : memref<1600x32xf32, #tpu.memory_space<vmem>>, vector<1x16xf32>,
        %parallel_loop3A_455 = vector.shape_cast %parallel_loop3A_454 : vector<1x16xf32> to vector<16xf32>
        %parallel_loop3A_456 = arith.addf %parallel_loop3A_455, %parallel_loop3A_437 : vector<16xf32>
        %parallel_loop3A_457 = arith.index_cast %parallel_loop3A_451 : i32 to index
        %parallel_loop3A_458 = arith.constant 0 : index
        %parallel_loop3A_459 = tpu.vector_load %arg8[%parallel_loop3A_457, %parallel_loop3A_458] {strides = array<i32>} : memref<1600x32xf32, #tpu.memory_space<vmem>>, vector<1x16xf32>,
        %parallel_loop3A_460 = vector.shape_cast %parallel_loop3A_459 : vector<1x16xf32> to vector<16xf32>
        %parallel_loop3A_461 = vector.shape_cast %parallel_loop3A_456 : vector<16xf32> to vector<1x16xf32>
        tpu.vector_store %arg8[%parallel_loop3A_457, %parallel_loop3A_458], %parallel_loop3A_461 {strides = array<i32>} : memref<1600x32xf32, #tpu.memory_space<vmem>>, vector<1x16xf32>,
        %parallel_loop3A_462 = arith.constant 400 : i32
        %parallel_loop3A_463 = arith.addi %parallel_loop3A_462, %parallel_loop3A_433 : i32
        %parallel_loop3A_464 = arith.index_cast %parallel_loop3A_463 : i32 to index
        %parallel_loop3A_465 = arith.constant 0 : index
        %parallel_loop3A_466 = tpu.vector_load %arg8[%parallel_loop3A_464, %parallel_loop3A_465] {strides = array<i32>} : memref<1600x32xf32, #tpu.memory_space<vmem>>, vector<1x16xf32>,
        %parallel_loop3A_467 = vector.shape_cast %parallel_loop3A_466 : vector<1x16xf32> to vector<16xf32>
        %parallel_loop3A_468 = arith.addf %parallel_loop3A_467, %parallel_loop3A_437 : vector<16xf32>
        %parallel_loop3A_469 = arith.index_cast %parallel_loop3A_463 : i32 to index
        %parallel_loop3A_470 = arith.constant 0 : index
        %parallel_loop3A_471 = tpu.vector_load %arg8[%parallel_loop3A_469, %parallel_loop3A_470] {strides = array<i32>} : memref<1600x32xf32, #tpu.memory_space<vmem>>, vector<1x16xf32>,
        %parallel_loop3A_472 = vector.shape_cast %parallel_loop3A_471 : vector<1x16xf32> to vector<16xf32>
        %parallel_loop3A_473 = vector.shape_cast %parallel_loop3A_468 : vector<16xf32> to vector<1x16xf32>
        tpu.vector_store %arg8[%parallel_loop3A_469, %parallel_loop3A_470], %parallel_loop3A_473 {strides = array<i32>} : memref<1600x32xf32, #tpu.memory_space<vmem>>, vector<1x16xf32>,
        %parallel_loop3A_474 = arith.constant 600 : i32
        %parallel_loop3A_475 = arith.addi %parallel_loop3A_474, %parallel_loop3A_433 : i32
        %parallel_loop3A_476 = arith.index_cast %parallel_loop3A_475 : i32 to index
        %parallel_loop3A_477 = arith.constant 0 : index
        %parallel_loop3A_478 = tpu.vector_load %arg8[%parallel_loop3A_476, %parallel_loop3A_477] {strides = array<i32>} : memref<1600x32xf32, #tpu.memory_space<vmem>>, vector<1x16xf32>,
        %parallel_loop3A_479 = vector.shape_cast %parallel_loop3A_478 : vector<1x16xf32> to vector<16xf32>
        %parallel_loop3A_480 = arith.addf %parallel_loop3A_479, %parallel_loop3A_437 : vector<16xf32>
        %parallel_loop3A_481 = arith.index_cast %parallel_loop3A_475 : i32 to index
        %parallel_loop3A_482 = arith.constant 0 : index
        %parallel_loop3A_483 = tpu.vector_load %arg8[%parallel_loop3A_481, %parallel_loop3A_482] {strides = array<i32>} : memref<1600x32xf32, #tpu.memory_space<vmem>>, vector<1x16xf32>,
        %parallel_loop3A_484 = vector.shape_cast %parallel_loop3A_483 : vector<1x16xf32> to vector<16xf32>
        %parallel_loop3A_485 = vector.shape_cast %parallel_loop3A_480 : vector<16xf32> to vector<1x16xf32>
        tpu.vector_store %arg8[%parallel_loop3A_481, %parallel_loop3A_482], %parallel_loop3A_485 {strides = array<i32>} : memref<1600x32xf32, #tpu.memory_space<vmem>>, vector<1x16xf32>,
        %parallel_loop3A_486 = arith.constant 800 : i32
        %parallel_loop3A_487 = arith.addi %parallel_loop3A_486, %parallel_loop3A_433 : i32
        %parallel_loop3A_488 = arith.index_cast %parallel_loop3A_487 : i32 to index
        %parallel_loop3A_489 = arith.constant 0 : index
        %parallel_loop3A_490 = tpu.vector_load %arg8[%parallel_loop3A_488, %parallel_loop3A_489] {strides = array<i32>} : memref<1600x32xf32, #tpu.memory_space<vmem>>, vector<1x16xf32>,
        %parallel_loop3A_491 = vector.shape_cast %parallel_loop3A_490 : vector<1x16xf32> to vector<16xf32>
        %parallel_loop3A_492 = arith.addf %parallel_loop3A_491, %parallel_loop3A_437 : vector<16xf32>
        %parallel_loop3A_493 = arith.index_cast %parallel_loop3A_487 : i32 to index
        %parallel_loop3A_494 = arith.constant 0 : index
        %parallel_loop3A_495 = tpu.vector_load %arg8[%parallel_loop3A_493, %parallel_loop3A_494] {strides = array<i32>} : memref<1600x32xf32, #tpu.memory_space<vmem>>, vector<1x16xf32>,
        %parallel_loop3A_496 = vector.shape_cast %parallel_loop3A_495 : vector<1x16xf32> to vector<16xf32>
        %parallel_loop3A_497 = vector.shape_cast %parallel_loop3A_492 : vector<16xf32> to vector<1x16xf32>
        tpu.vector_store %arg8[%parallel_loop3A_493, %parallel_loop3A_494], %parallel_loop3A_497 {strides = array<i32>} : memref<1600x32xf32, #tpu.memory_space<vmem>>, vector<1x16xf32>,
        %parallel_loop3A_498 = arith.constant 1000 : i32
        %parallel_loop3A_499 = arith.addi %parallel_loop3A_498, %parallel_loop3A_433 : i32
        %parallel_loop3A_500 = arith.index_cast %parallel_loop3A_499 : i32 to index
        %parallel_loop3A_501 = arith.constant 0 : index
        %parallel_loop3A_502 = tpu.vector_load %arg8[%parallel_loop3A_500, %parallel_loop3A_501] {strides = array<i32>} : memref<1600x32xf32, #tpu.memory_space<vmem>>, vector<1x16xf32>,
        %parallel_loop3A_503 = vector.shape_cast %parallel_loop3A_502 : vector<1x16xf32> to vector<16xf32>
        %parallel_loop3A_504 = arith.addf %parallel_loop3A_503, %parallel_loop3A_437 : vector<16xf32>
        %parallel_loop3A_505 = arith.index_cast %parallel_loop3A_499 : i32 to index
        %parallel_loop3A_506 = arith.constant 0 : index
        %parallel_loop3A_507 = tpu.vector_load %arg8[%parallel_loop3A_505, %parallel_loop3A_506] {strides = array<i32>} : memref<1600x32xf32, #tpu.memory_space<vmem>>, vector<1x16xf32>,
        %parallel_loop3A_508 = vector.shape_cast %parallel_loop3A_507 : vector<1x16xf32> to vector<16xf32>
        %parallel_loop3A_509 = vector.shape_cast %parallel_loop3A_504 : vector<16xf32> to vector<1x16xf32>
        tpu.vector_store %arg8[%parallel_loop3A_505, %parallel_loop3A_506], %parallel_loop3A_509 {strides = array<i32>} : memref<1600x32xf32, #tpu.memory_space<vmem>>, vector<1x16xf32>,
        %parallel_loop3A_510 = arith.constant 1200 : i32
        %parallel_loop3A_511 = arith.addi %parallel_loop3A_510, %parallel_loop3A_433 : i32
        %parallel_loop3A_512 = arith.index_cast %parallel_loop3A_511 : i32 to index
        %parallel_loop3A_513 = arith.constant 0 : index
        %parallel_loop3A_514 = tpu.vector_load %arg8[%parallel_loop3A_512, %parallel_loop3A_513] {strides = array<i32>} : memref<1600x32xf32, #tpu.memory_space<vmem>>, vector<1x16xf32>,
        %parallel_loop3A_515 = vector.shape_cast %parallel_loop3A_514 : vector<1x16xf32> to vector<16xf32>
        %parallel_loop3A_516 = arith.addf %parallel_loop3A_515, %parallel_loop3A_437 : vector<16xf32>
        %parallel_loop3A_517 = arith.index_cast %parallel_loop3A_511 : i32 to index
        %parallel_loop3A_518 = arith.constant 0 : index
        %parallel_loop3A_519 = tpu.vector_load %arg8[%parallel_loop3A_517, %parallel_loop3A_518] {strides = array<i32>} : memref<1600x32xf32, #tpu.memory_space<vmem>>, vector<1x16xf32>,
        %parallel_loop3A_520 = vector.shape_cast %parallel_loop3A_519 : vector<1x16xf32> to vector<16xf32>
        %parallel_loop3A_521 = vector.shape_cast %parallel_loop3A_516 : vector<16xf32> to vector<1x16xf32>
        tpu.vector_store %arg8[%parallel_loop3A_517, %parallel_loop3A_518], %parallel_loop3A_521 {strides = array<i32>} : memref<1600x32xf32, #tpu.memory_space<vmem>>, vector<1x16xf32>,
        %parallel_loop3A_522 = arith.constant 1400 : i32
        %parallel_loop3A_523 = arith.addi %parallel_loop3A_522, %parallel_loop3A_433 : i32
        %parallel_loop3A_524 = arith.index_cast %parallel_loop3A_523 : i32 to index
        %parallel_loop3A_525 = arith.constant 0 : index
        %parallel_loop3A_526 = tpu.vector_load %arg8[%parallel_loop3A_524, %parallel_loop3A_525] {strides = array<i32>} : memref<1600x32xf32, #tpu.memory_space<vmem>>, vector<1x16xf32>,
        %parallel_loop3A_527 = vector.shape_cast %parallel_loop3A_526 : vector<1x16xf32> to vector<16xf32>
        %parallel_loop3A_528 = arith.addf %parallel_loop3A_527, %parallel_loop3A_437 : vector<16xf32>
        %parallel_loop3A_529 = arith.index_cast %parallel_loop3A_523 : i32 to index
        %parallel_loop3A_530 = arith.constant 0 : index
        %parallel_loop3A_531 = tpu.vector_load %arg8[%parallel_loop3A_529, %parallel_loop3A_530] {strides = array<i32>} : memref<1600x32xf32, #tpu.memory_space<vmem>>, vector<1x16xf32>,
        %parallel_loop3A_532 = vector.shape_cast %parallel_loop3A_531 : vector<1x16xf32> to vector<16xf32>
        %parallel_loop3A_533 = vector.shape_cast %parallel_loop3A_528 : vector<16xf32> to vector<1x16xf32>
        tpu.vector_store %arg8[%parallel_loop3A_529, %parallel_loop3A_530], %parallel_loop3A_533 {strides = array<i32>} : memref<1600x32xf32, #tpu.memory_space<vmem>>, vector<1x16xf32>,
      } {sc.loop_unroll_factor = 8 : i64, sc.parallel_access}
      %parallel_loop3A_378 = arith.constant 0 : i32
      %parallel_loop3A_379 = arith.constant 200 : i32
      %parallel_loop3A_380 = arith.constant 1 : i32
      scf.for %parallel_loop3A_433 = %parallel_loop3A_378 to %parallel_loop3A_379 step %parallel_loop3A_380  : i32 {
        %parallel_loop3A_434 = arith.index_cast %parallel_loop3A_433 : i32 to index
        %parallel_loop3A_435 = arith.constant 16 : index
        %parallel_loop3A_436 = tpu.vector_load %arg10[%parallel_loop3A_434, %parallel_loop3A_435] {strides = array<i32>} : memref<200x32xf32, #tpu.memory_space<vmem>>, vector<1x16xf32>,
        %parallel_loop3A_437 = vector.shape_cast %parallel_loop3A_436 : vector<1x16xf32> to vector<16xf32>
        %parallel_loop3A_438 = arith.constant 0 : i32
        %parallel_loop3A_439 = arith.addi %parallel_loop3A_438, %parallel_loop3A_433 : i32
        %parallel_loop3A_440 = arith.index_cast %parallel_loop3A_439 : i32 to index
        %parallel_loop3A_441 = arith.constant 16 : index
        %parallel_loop3A_442 = tpu.vector_load %arg8[%parallel_loop3A_440, %parallel_loop3A_441] {strides = array<i32>} : memref<1600x32xf32, #tpu.memory_space<vmem>>, vector<1x16xf32>,
        %parallel_loop3A_443 = vector.shape_cast %parallel_loop3A_442 : vector<1x16xf32> to vector<16xf32>
        %parallel_loop3A_444 = arith.addf %parallel_loop3A_443, %parallel_loop3A_437 : vector<16xf32>
        %parallel_loop3A_445 = arith.index_cast %parallel_loop3A_439 : i32 to index
        %parallel_loop3A_446 = arith.constant 16 : index
        %parallel_loop3A_447 = tpu.vector_load %arg8[%parallel_loop3A_445, %parallel_loop3A_446] {strides = array<i32>} : memref<1600x32xf32, #tpu.memory_space<vmem>>, vector<1x16xf32>,
        %parallel_loop3A_448 = vector.shape_cast %parallel_loop3A_447 : vector<1x16xf32> to vector<16xf32>
        %parallel_loop3A_449 = vector.shape_cast %parallel_loop3A_444 : vector<16xf32> to vector<1x16xf32>
        tpu.vector_store %arg8[%parallel_loop3A_445, %parallel_loop3A_446], %parallel_loop3A_449 {strides = array<i32>} : memref<1600x32xf32, #tpu.memory_space<vmem>>, vector<1x16xf32>,
        %parallel_loop3A_450 = arith.constant 200 : i32
        %parallel_loop3A_451 = arith.addi %parallel_loop3A_450, %parallel_loop3A_433 : i32
        %parallel_loop3A_452 = arith.index_cast %parallel_loop3A_451 : i32 to index
        %parallel_loop3A_453 = arith.constant 16 : index
        %parallel_loop3A_454 = tpu.vector_load %arg8[%parallel_loop3A_452, %parallel_loop3A_453] {strides = array<i32>} : memref<1600x32xf32, #tpu.memory_space<vmem>>, vector<1x16xf32>,
        %parallel_loop3A_455 = vector.shape_cast %parallel_loop3A_454 : vector<1x16xf32> to vector<16xf32>
        %parallel_loop3A_456 = arith.addf %parallel_loop3A_455, %parallel_loop3A_437 : vector<16xf32>
        %parallel_loop3A_457 = arith.index_cast %parallel_loop3A_451 : i32 to index
        %parallel_loop3A_458 = arith.constant 16 : index
        %parallel_loop3A_459 = tpu.vector_load %arg8[%parallel_loop3A_457, %parallel_loop3A_458] {strides = array<i32>} : memref<1600x32xf32, #tpu.memory_space<vmem>>, vector<1x16xf32>,
        %parallel_loop3A_460 = vector.shape_cast %parallel_loop3A_459 : vector<1x16xf32> to vector<16xf32>
        %parallel_loop3A_461 = vector.shape_cast %parallel_loop3A_456 : vector<16xf32> to vector<1x16xf32>
        tpu.vector_store %arg8[%parallel_loop3A_457, %parallel_loop3A_458], %parallel_loop3A_461 {strides = array<i32>} : memref<1600x32xf32, #tpu.memory_space<vmem>>, vector<1x16xf32>,
        %parallel_loop3A_462 = arith.constant 400 : i32
        %parallel_loop3A_463 = arith.addi %parallel_loop3A_462, %parallel_loop3A_433 : i32
        %parallel_loop3A_464 = arith.index_cast %parallel_loop3A_463 : i32 to index
        %parallel_loop3A_465 = arith.constant 16 : index
        %parallel_loop3A_466 = tpu.vector_load %arg8[%parallel_loop3A_464, %parallel_loop3A_465] {strides = array<i32>} : memref<1600x32xf32, #tpu.memory_space<vmem>>, vector<1x16xf32>,
        %parallel_loop3A_467 = vector.shape_cast %parallel_loop3A_466 : vector<1x16xf32> to vector<16xf32>
        %parallel_loop3A_468 = arith.addf %parallel_loop3A_467, %parallel_loop3A_437 : vector<16xf32>
        %parallel_loop3A_469 = arith.index_cast %parallel_loop3A_463 : i32 to index
        %parallel_loop3A_470 = arith.constant 16 : index
        %parallel_loop3A_471 = tpu.vector_load %arg8[%parallel_loop3A_469, %parallel_loop3A_470] {strides = array<i32>} : memref<1600x32xf32, #tpu.memory_space<vmem>>, vector<1x16xf32>,
        %parallel_loop3A_472 = vector.shape_cast %parallel_loop3A_471 : vector<1x16xf32> to vector<16xf32>
        %parallel_loop3A_473 = vector.shape_cast %parallel_loop3A_468 : vector<16xf32> to vector<1x16xf32>
        tpu.vector_store %arg8[%parallel_loop3A_469, %parallel_loop3A_470], %parallel_loop3A_473 {strides = array<i32>} : memref<1600x32xf32, #tpu.memory_space<vmem>>, vector<1x16xf32>,
        %parallel_loop3A_474 = arith.constant 600 : i32
        %parallel_loop3A_475 = arith.addi %parallel_loop3A_474, %parallel_loop3A_433 : i32
        %parallel_loop3A_476 = arith.index_cast %parallel_loop3A_475 : i32 to index
        %parallel_loop3A_477 = arith.constant 16 : index
        %parallel_loop3A_478 = tpu.vector_load %arg8[%parallel_loop3A_476, %parallel_loop3A_477] {strides = array<i32>} : memref<1600x32xf32, #tpu.memory_space<vmem>>, vector<1x16xf32>,
        %parallel_loop3A_479 = vector.shape_cast %parallel_loop3A_478 : vector<1x16xf32> to vector<16xf32>
        %parallel_loop3A_480 = arith.addf %parallel_loop3A_479, %parallel_loop3A_437 : vector<16xf32>
        %parallel_loop3A_481 = arith.index_cast %parallel_loop3A_475 : i32 to index
        %parallel_loop3A_482 = arith.constant 16 : index
        %parallel_loop3A_483 = tpu.vector_load %arg8[%parallel_loop3A_481, %parallel_loop3A_482] {strides = array<i32>} : memref<1600x32xf32, #tpu.memory_space<vmem>>, vector<1x16xf32>,
        %parallel_loop3A_484 = vector.shape_cast %parallel_loop3A_483 : vector<1x16xf32> to vector<16xf32>
        %parallel_loop3A_485 = vector.shape_cast %parallel_loop3A_480 : vector<16xf32> to vector<1x16xf32>
        tpu.vector_store %arg8[%parallel_loop3A_481, %parallel_loop3A_482], %parallel_loop3A_485 {strides = array<i32>} : memref<1600x32xf32, #tpu.memory_space<vmem>>, vector<1x16xf32>,
        %parallel_loop3A_486 = arith.constant 800 : i32
        %parallel_loop3A_487 = arith.addi %parallel_loop3A_486, %parallel_loop3A_433 : i32
        %parallel_loop3A_488 = arith.index_cast %parallel_loop3A_487 : i32 to index
        %parallel_loop3A_489 = arith.constant 16 : index
        %parallel_loop3A_490 = tpu.vector_load %arg8[%parallel_loop3A_488, %parallel_loop3A_489] {strides = array<i32>} : memref<1600x32xf32, #tpu.memory_space<vmem>>, vector<1x16xf32>,
        %parallel_loop3A_491 = vector.shape_cast %parallel_loop3A_490 : vector<1x16xf32> to vector<16xf32>
        %parallel_loop3A_492 = arith.addf %parallel_loop3A_491, %parallel_loop3A_437 : vector<16xf32>
        %parallel_loop3A_493 = arith.index_cast %parallel_loop3A_487 : i32 to index
        %parallel_loop3A_494 = arith.constant 16 : index
        %parallel_loop3A_495 = tpu.vector_load %arg8[%parallel_loop3A_493, %parallel_loop3A_494] {strides = array<i32>} : memref<1600x32xf32, #tpu.memory_space<vmem>>, vector<1x16xf32>,
        %parallel_loop3A_496 = vector.shape_cast %parallel_loop3A_495 : vector<1x16xf32> to vector<16xf32>
        %parallel_loop3A_497 = vector.shape_cast %parallel_loop3A_492 : vector<16xf32> to vector<1x16xf32>
        tpu.vector_store %arg8[%parallel_loop3A_493, %parallel_loop3A_494], %parallel_loop3A_497 {strides = array<i32>} : memref<1600x32xf32, #tpu.memory_space<vmem>>, vector<1x16xf32>,
        %parallel_loop3A_498 = arith.constant 1000 : i32
        %parallel_loop3A_499 = arith.addi %parallel_loop3A_498, %parallel_loop3A_433 : i32
        %parallel_loop3A_500 = arith.index_cast %parallel_loop3A_499 : i32 to index
        %parallel_loop3A_501 = arith.constant 16 : index
        %parallel_loop3A_502 = tpu.vector_load %arg8[%parallel_loop3A_500, %parallel_loop3A_501] {strides = array<i32>} : memref<1600x32xf32, #tpu.memory_space<vmem>>, vector<1x16xf32>,
        %parallel_loop3A_503 = vector.shape_cast %parallel_loop3A_502 : vector<1x16xf32> to vector<16xf32>
        %parallel_loop3A_504 = arith.addf %parallel_loop3A_503, %parallel_loop3A_437 : vector<16xf32>
        %parallel_loop3A_505 = arith.index_cast %parallel_loop3A_499 : i32 to index
        %parallel_loop3A_506 = arith.constant 16 : index
        %parallel_loop3A_507 = tpu.vector_load %arg8[%parallel_loop3A_505, %parallel_loop3A_506] {strides = array<i32>} : memref<1600x32xf32, #tpu.memory_space<vmem>>, vector<1x16xf32>,
        %parallel_loop3A_508 = vector.shape_cast %parallel_loop3A_507 : vector<1x16xf32> to vector<16xf32>
        %parallel_loop3A_509 = vector.shape_cast %parallel_loop3A_504 : vector<16xf32> to vector<1x16xf32>
        tpu.vector_store %arg8[%parallel_loop3A_505, %parallel_loop3A_506], %parallel_loop3A_509 {strides = array<i32>} : memref<1600x32xf32, #tpu.memory_space<vmem>>, vector<1x16xf32>,
        %parallel_loop3A_510 = arith.constant 1200 : i32
        %parallel_loop3A_511 = arith.addi %parallel_loop3A_510, %parallel_loop3A_433 : i32
        %parallel_loop3A_512 = arith.index_cast %parallel_loop3A_511 : i32 to index
        %parallel_loop3A_513 = arith.constant 16 : index
        %parallel_loop3A_514 = tpu.vector_load %arg8[%parallel_loop3A_512, %parallel_loop3A_513] {strides = array<i32>} : memref<1600x32xf32, #tpu.memory_space<vmem>>, vector<1x16xf32>,
        %parallel_loop3A_515 = vector.shape_cast %parallel_loop3A_514 : vector<1x16xf32> to vector<16xf32>
        %parallel_loop3A_516 = arith.addf %parallel_loop3A_515, %parallel_loop3A_437 : vector<16xf32>
        %parallel_loop3A_517 = arith.index_cast %parallel_loop3A_511 : i32 to index
        %parallel_loop3A_518 = arith.constant 16 : index
        %parallel_loop3A_519 = tpu.vector_load %arg8[%parallel_loop3A_517, %parallel_loop3A_518] {strides = array<i32>} : memref<1600x32xf32, #tpu.memory_space<vmem>>, vector<1x16xf32>,
        %parallel_loop3A_520 = vector.shape_cast %parallel_loop3A_519 : vector<1x16xf32> to vector<16xf32>
        %parallel_loop3A_521 = vector.shape_cast %parallel_loop3A_516 : vector<16xf32> to vector<1x16xf32>
        tpu.vector_store %arg8[%parallel_loop3A_517, %parallel_loop3A_518], %parallel_loop3A_521 {strides = array<i32>} : memref<1600x32xf32, #tpu.memory_space<vmem>>, vector<1x16xf32>,
        %parallel_loop3A_522 = arith.constant 1400 : i32
        %parallel_loop3A_523 = arith.addi %parallel_loop3A_522, %parallel_loop3A_433 : i32
        %parallel_loop3A_524 = arith.index_cast %parallel_loop3A_523 : i32 to index
        %parallel_loop3A_525 = arith.constant 16 : index
        %parallel_loop3A_526 = tpu.vector_load %arg8[%parallel_loop3A_524, %parallel_loop3A_525] {strides = array<i32>} : memref<1600x32xf32, #tpu.memory_space<vmem>>, vector<1x16xf32>,
        %parallel_loop3A_527 = vector.shape_cast %parallel_loop3A_526 : vector<1x16xf32> to vector<16xf32>
        %parallel_loop3A_528 = arith.addf %parallel_loop3A_527, %parallel_loop3A_437 : vector<16xf32>
        %parallel_loop3A_529 = arith.index_cast %parallel_loop3A_523 : i32 to index
        %parallel_loop3A_530 = arith.constant 16 : index
        %parallel_loop3A_531 = tpu.vector_load %arg8[%parallel_loop3A_529, %parallel_loop3A_530] {strides = array<i32>} : memref<1600x32xf32, #tpu.memory_space<vmem>>, vector<1x16xf32>,
        %parallel_loop3A_532 = vector.shape_cast %parallel_loop3A_531 : vector<1x16xf32> to vector<16xf32>
        %parallel_loop3A_533 = vector.shape_cast %parallel_loop3A_528 : vector<16xf32> to vector<1x16xf32>
        tpu.vector_store %arg8[%parallel_loop3A_529, %parallel_loop3A_530], %parallel_loop3A_533 {strides = array<i32>} : memref<1600x32xf32, #tpu.memory_space<vmem>>, vector<1x16xf32>,
      } {sc.loop_unroll_factor = 8 : i64, sc.parallel_access}
      %mul3A_381 = arith.constant 256 : i32
      %mul3A_382 = arith.muli %add3A, %mul3A_381 : i32
      %mul3A_383 = arith.constant 16 : i32
      %mul3A_384 = arith.muli %mul3A_197, %mul3A_383 : i32
      %add3A_385 = arith.addi %mul3A_382, %mul3A_384 : i32
      %mul3A_386 = arith.constant 100 : i32
      %mul3A_387 = arith.muli %add3A_385, %mul3A_386 : i32
      %dma_start3A_388 = arith.constant 0 : i32
      %dma_start3A_389 = tpu.memref_slice %arg5[%mul3A_387, %dma_start3A_388] : memref<819200x32xf32, #tpu.memory_space<hbm>> -> memref<1600x32xf32, #tpu.memory_space<hbm>>
      %dma_start3A_390 = arith.constant 0 : i32
      %dma_start3A_391 = tpu.memref_slice %arg5[%mul3A_387, %dma_start3A_390] : memref<819200x32xf32, #tpu.memory_space<hbm>> -> memref<1600x32xf32, #tpu.memory_space<hbm>>
      tpu.enqueue_dma source(%arg8 : memref<1600x32xf32, #tpu.memory_space<vmem>>) target(%dma_start3A_391 : memref<1600x32xf32, #tpu.memory_space<hbm>>) target_semaphore(%arg15 : memref<!tpu.dma_semaphore, #tpu.memory_space<semaphore_mem>>)
      %dma_wait3A_392 = arith.constant 0 : i32
      %dma_wait3A_393 = arith.constant 0 : i32
      %dma_wait3A_394 = tpu.memref_slice %arg3[%dma_wait3A_392, %dma_wait3A_393] : memref<1000000x32xf32, #tpu.memory_space<hbm>> -> memref<1600x32xf32, #tpu.memory_space<hbm>>
      %dma_wait3A_395 = arith.constant 0 : i32
      %dma_wait3A_396 = arith.constant 0 : i32
      %dma_wait3A_397 = tpu.memref_slice %arg3[%dma_wait3A_395, %dma_wait3A_396] : memref<1000000x32xf32, #tpu.memory_space<hbm>> -> memref<1600x32xf32, #tpu.memory_space<hbm>>
      tpu.wait_dma2 semaphore(%arg14 : memref<!tpu.dma_semaphore, #tpu.memory_space<semaphore_mem>>) src(%dma_wait3A_397 : memref<1600x32xf32, #tpu.memory_space<hbm>>) dst(%arg9 : memref<1600x32xf32, #tpu.memory_space<vmem>>)
      %lt3A_398 = arith.constant 7 : i32
      %lt3A_399 = arith.cmpi slt, %add3A_195, %lt3A_398 : i32
      %convert_element_type3A_400 = arith.extui %lt3A_399 : i1 to i32
      %cond3A_401 = arith.constant 0 : i32
      %cond3A_402 = arith.cmpi ne, %convert_element_type3A_400, %cond3A_401 : i32
      scf.if %cond3A_402 {
        %dma_wait3A_433 = arith.constant 0 : i32
        %dma_wait3A_434 = arith.constant 0 : i32
        %dma_wait3A_435 = tpu.memref_slice %arg2[%dma_wait3A_433, %dma_wait3A_434] : memref<8192x100xi32, #tpu.memory_space<hbm>> -> memref<16x100xi32, #tpu.memory_space<hbm>>
        %dma_wait3A_436 = arith.constant 0 : i32
        %dma_wait3A_437 = arith.constant 0 : i32
        %dma_wait3A_438 = tpu.memref_slice %arg2[%dma_wait3A_436, %dma_wait3A_437] : memref<8192x100xi32, #tpu.memory_space<hbm>> -> memref<16x100xi32, #tpu.memory_space<hbm>>
        tpu.wait_dma2 semaphore(%arg11 : memref<!tpu.dma_semaphore, #tpu.memory_space<semaphore_mem>>) src(%dma_wait3A_438 : memref<16x100xi32, #tpu.memory_space<hbm>>) dst(%arg6 : memref<16x100xi32, #tpu.memory_space<vmem>>)
      } else {
      }
      %dma_wait3A_403 = arith.constant 0 : i32
      %dma_wait3A_404 = arith.constant 0 : i32
      %dma_wait3A_405 = tpu.memref_slice %arg5[%dma_wait3A_403, %dma_wait3A_404] : memref<819200x32xf32, #tpu.memory_space<hbm>> -> memref<1600x32xf32, #tpu.memory_space<hbm>>
      %dma_wait3A_406 = arith.constant 0 : i32
      %dma_wait3A_407 = arith.constant 0 : i32
      %dma_wait3A_408 = tpu.memref_slice %arg5[%dma_wait3A_406, %dma_wait3A_407] : memref<819200x32xf32, #tpu.memory_space<hbm>> -> memref<1600x32xf32, #tpu.memory_space<hbm>>
      tpu.wait_dma2 semaphore(%arg15 : memref<!tpu.dma_semaphore, #tpu.memory_space<semaphore_mem>>) src(%arg8 : memref<1600x32xf32, #tpu.memory_space<vmem>>) dst(%dma_wait3A_408 : memref<1600x32xf32, #tpu.memory_space<hbm>>)
      %lt3A_409 = arith.constant 7 : i32
      %lt3A_410 = arith.cmpi slt, %add3A_195, %lt3A_409 : i32
      %convert_element_type3A_411 = arith.extui %lt3A_410 : i1 to i32
      %cond3A_412 = arith.constant 0 : i32
      %cond3A_413 = arith.cmpi ne, %convert_element_type3A_411, %cond3A_412 : i32
      scf.if %cond3A_413 {
        %dma_start3A_433 = arith.constant 0 : i32
        %dma_start3A_434 = arith.constant 0 : i32
        %dma_start3A_435 = arith.constant 0 : i32
        %dma_start3A_436 = tpu.memref_slice %arg8[%dma_start3A_434, %dma_start3A_435] : memref<1600x32xf32, #tpu.memory_space<vmem>> -> memref<100x32xf32, #tpu.memory_space<vmem>>
        %dma_start3A_437 = arith.constant 0 : i32
        %dma_start3A_438 = tpu.memref_slice %arg6[%dma_start3A_433, %dma_start3A_437] : memref<16x100xi32, #tpu.memory_space<vmem>> -> memref<1x100xi32, #tpu.memory_space<vmem>>
        %dma_start3A_439 = tpu.memref_squeeze %dma_start3A_438 : memref<1x100xi32, #tpu.memory_space<vmem>> -> memref<100xi32, #tpu.memory_space<vmem>>
        %dma_start3A_440 = arith.constant 0 : i32
        %dma_start3A_441 = arith.constant 0 : i32
        %dma_start3A_442 = tpu.memref_slice %arg3[%dma_start3A_440, %dma_start3A_441] : memref<1000000x32xf32, #tpu.memory_space<hbm>> -> memref<1000000x32xf32, #tpu.memory_space<hbm>>
        tpu.enqueue_indirect_dma source(%dma_start3A_442 : memref<1000000x32xf32, #tpu.memory_space<hbm>>) target(%dma_start3A_436 : memref<100x32xf32, #tpu.memory_space<vmem>>) offsets(%dma_start3A_439 : memref<100xi32, #tpu.memory_space<vmem>>) semaphore(%arg13 : memref<!tpu.dma_semaphore, #tpu.memory_space<semaphore_mem>>)
        %dma_start3A_443 = arith.constant 1 : i32
        %dma_start3A_444 = arith.constant 100 : i32
        %dma_start3A_445 = arith.constant 0 : i32
        %dma_start3A_446 = tpu.memref_slice %arg8[%dma_start3A_444, %dma_start3A_445] : memref<1600x32xf32, #tpu.memory_space<vmem>> -> memref<100x32xf32, #tpu.memory_space<vmem>>
        %dma_start3A_447 = arith.constant 0 : i32
        %dma_start3A_448 = tpu.memref_slice %arg6[%dma_start3A_443, %dma_start3A_447] : memref<16x100xi32, #tpu.memory_space<vmem>> -> memref<1x100xi32, #tpu.memory_space<vmem>>
        %dma_start3A_449 = tpu.memref_squeeze %dma_start3A_448 : memref<1x100xi32, #tpu.memory_space<vmem>> -> memref<100xi32, #tpu.memory_space<vmem>>
        %dma_start3A_450 = arith.constant 0 : i32
        %dma_start3A_451 = arith.constant 0 : i32
        %dma_start3A_452 = tpu.memref_slice %arg3[%dma_start3A_450, %dma_start3A_451] : memref<1000000x32xf32, #tpu.memory_space<hbm>> -> memref<1000000x32xf32, #tpu.memory_space<hbm>>
        tpu.enqueue_indirect_dma source(%dma_start3A_452 : memref<1000000x32xf32, #tpu.memory_space<hbm>>) target(%dma_start3A_446 : memref<100x32xf32, #tpu.memory_space<vmem>>) offsets(%dma_start3A_449 : memref<100xi32, #tpu.memory_space<vmem>>) semaphore(%arg13 : memref<!tpu.dma_semaphore, #tpu.memory_space<semaphore_mem>>)
        %dma_start3A_453 = arith.constant 2 : i32
        %dma_start3A_454 = arith.constant 200 : i32
        %dma_start3A_455 = arith.constant 0 : i32
        %dma_start3A_456 = tpu.memref_slice %arg8[%dma_start3A_454, %dma_start3A_455] : memref<1600x32xf32, #tpu.memory_space<vmem>> -> memref<100x32xf32, #tpu.memory_space<vmem>>
        %dma_start3A_457 = arith.constant 0 : i32
        %dma_start3A_458 = tpu.memref_slice %arg6[%dma_start3A_453, %dma_start3A_457] : memref<16x100xi32, #tpu.memory_space<vmem>> -> memref<1x100xi32, #tpu.memory_space<vmem>>
        %dma_start3A_459 = tpu.memref_squeeze %dma_start3A_458 : memref<1x100xi32, #tpu.memory_space<vmem>> -> memref<100xi32, #tpu.memory_space<vmem>>
        %dma_start3A_460 = arith.constant 0 : i32
        %dma_start3A_461 = arith.constant 0 : i32
        %dma_start3A_462 = tpu.memref_slice %arg3[%dma_start3A_460, %dma_start3A_461] : memref<1000000x32xf32, #tpu.memory_space<hbm>> -> memref<1000000x32xf32, #tpu.memory_space<hbm>>
        tpu.enqueue_indirect_dma source(%dma_start3A_462 : memref<1000000x32xf32, #tpu.memory_space<hbm>>) target(%dma_start3A_456 : memref<100x32xf32, #tpu.memory_space<vmem>>) offsets(%dma_start3A_459 : memref<100xi32, #tpu.memory_space<vmem>>) semaphore(%arg13 : memref<!tpu.dma_semaphore, #tpu.memory_space<semaphore_mem>>)
        %dma_start3A_463 = arith.constant 3 : i32
        %dma_start3A_464 = arith.constant 300 : i32
        %dma_start3A_465 = arith.constant 0 : i32
        %dma_start3A_466 = tpu.memref_slice %arg8[%dma_start3A_464, %dma_start3A_465] : memref<1600x32xf32, #tpu.memory_space<vmem>> -> memref<100x32xf32, #tpu.memory_space<vmem>>
        %dma_start3A_467 = arith.constant 0 : i32
        %dma_start3A_468 = tpu.memref_slice %arg6[%dma_start3A_463, %dma_start3A_467] : memref<16x100xi32, #tpu.memory_space<vmem>> -> memref<1x100xi32, #tpu.memory_space<vmem>>
        %dma_start3A_469 = tpu.memref_squeeze %dma_start3A_468 : memref<1x100xi32, #tpu.memory_space<vmem>> -> memref<100xi32, #tpu.memory_space<vmem>>
        %dma_start3A_470 = arith.constant 0 : i32
        %dma_start3A_471 = arith.constant 0 : i32
        %dma_start3A_472 = tpu.memref_slice %arg3[%dma_start3A_470, %dma_start3A_471] : memref<1000000x32xf32, #tpu.memory_space<hbm>> -> memref<1000000x32xf32, #tpu.memory_space<hbm>>
        tpu.enqueue_indirect_dma source(%dma_start3A_472 : memref<1000000x32xf32, #tpu.memory_space<hbm>>) target(%dma_start3A_466 : memref<100x32xf32, #tpu.memory_space<vmem>>) offsets(%dma_start3A_469 : memref<100xi32, #tpu.memory_space<vmem>>) semaphore(%arg13 : memref<!tpu.dma_semaphore, #tpu.memory_space<semaphore_mem>>)
        %dma_start3A_473 = arith.constant 4 : i32
        %dma_start3A_474 = arith.constant 400 : i32
        %dma_start3A_475 = arith.constant 0 : i32
        %dma_start3A_476 = tpu.memref_slice %arg8[%dma_start3A_474, %dma_start3A_475] : memref<1600x32xf32, #tpu.memory_space<vmem>> -> memref<100x32xf32, #tpu.memory_space<vmem>>
        %dma_start3A_477 = arith.constant 0 : i32
        %dma_start3A_478 = tpu.memref_slice %arg6[%dma_start3A_473, %dma_start3A_477] : memref<16x100xi32, #tpu.memory_space<vmem>> -> memref<1x100xi32, #tpu.memory_space<vmem>>
        %dma_start3A_479 = tpu.memref_squeeze %dma_start3A_478 : memref<1x100xi32, #tpu.memory_space<vmem>> -> memref<100xi32, #tpu.memory_space<vmem>>
        %dma_start3A_480 = arith.constant 0 : i32
        %dma_start3A_481 = arith.constant 0 : i32
        %dma_start3A_482 = tpu.memref_slice %arg3[%dma_start3A_480, %dma_start3A_481] : memref<1000000x32xf32, #tpu.memory_space<hbm>> -> memref<1000000x32xf32, #tpu.memory_space<hbm>>
        tpu.enqueue_indirect_dma source(%dma_start3A_482 : memref<1000000x32xf32, #tpu.memory_space<hbm>>) target(%dma_start3A_476 : memref<100x32xf32, #tpu.memory_space<vmem>>) offsets(%dma_start3A_479 : memref<100xi32, #tpu.memory_space<vmem>>) semaphore(%arg13 : memref<!tpu.dma_semaphore, #tpu.memory_space<semaphore_mem>>)
        %dma_start3A_483 = arith.constant 5 : i32
        %dma_start3A_484 = arith.constant 500 : i32
        %dma_start3A_485 = arith.constant 0 : i32
        %dma_start3A_486 = tpu.memref_slice %arg8[%dma_start3A_484, %dma_start3A_485] : memref<1600x32xf32, #tpu.memory_space<vmem>> -> memref<100x32xf32, #tpu.memory_space<vmem>>
        %dma_start3A_487 = arith.constant 0 : i32
        %dma_start3A_488 = tpu.memref_slice %arg6[%dma_start3A_483, %dma_start3A_487] : memref<16x100xi32, #tpu.memory_space<vmem>> -> memref<1x100xi32, #tpu.memory_space<vmem>>
        %dma_start3A_489 = tpu.memref_squeeze %dma_start3A_488 : memref<1x100xi32, #tpu.memory_space<vmem>> -> memref<100xi32, #tpu.memory_space<vmem>>
        %dma_start3A_490 = arith.constant 0 : i32
        %dma_start3A_491 = arith.constant 0 : i32
        %dma_start3A_492 = tpu.memref_slice %arg3[%dma_start3A_490, %dma_start3A_491] : memref<1000000x32xf32, #tpu.memory_space<hbm>> -> memref<1000000x32xf32, #tpu.memory_space<hbm>>
        tpu.enqueue_indirect_dma source(%dma_start3A_492 : memref<1000000x32xf32, #tpu.memory_space<hbm>>) target(%dma_start3A_486 : memref<100x32xf32, #tpu.memory_space<vmem>>) offsets(%dma_start3A_489 : memref<100xi32, #tpu.memory_space<vmem>>) semaphore(%arg13 : memref<!tpu.dma_semaphore, #tpu.memory_space<semaphore_mem>>)
        %dma_start3A_493 = arith.constant 6 : i32
        %dma_start3A_494 = arith.constant 600 : i32
        %dma_start3A_495 = arith.constant 0 : i32
        %dma_start3A_496 = tpu.memref_slice %arg8[%dma_start3A_494, %dma_start3A_495] : memref<1600x32xf32, #tpu.memory_space<vmem>> -> memref<100x32xf32, #tpu.memory_space<vmem>>
        %dma_start3A_497 = arith.constant 0 : i32
        %dma_start3A_498 = tpu.memref_slice %arg6[%dma_start3A_493, %dma_start3A_497] : memref<16x100xi32, #tpu.memory_space<vmem>> -> memref<1x100xi32, #tpu.memory_space<vmem>>
        %dma_start3A_499 = tpu.memref_squeeze %dma_start3A_498 : memref<1x100xi32, #tpu.memory_space<vmem>> -> memref<100xi32, #tpu.memory_space<vmem>>
        %dma_start3A_500 = arith.constant 0 : i32
        %dma_start3A_501 = arith.constant 0 : i32
        %dma_start3A_502 = tpu.memref_slice %arg3[%dma_start3A_500, %dma_start3A_501] : memref<1000000x32xf32, #tpu.memory_space<hbm>> -> memref<1000000x32xf32, #tpu.memory_space<hbm>>
        tpu.enqueue_indirect_dma source(%dma_start3A_502 : memref<1000000x32xf32, #tpu.memory_space<hbm>>) target(%dma_start3A_496 : memref<100x32xf32, #tpu.memory_space<vmem>>) offsets(%dma_start3A_499 : memref<100xi32, #tpu.memory_space<vmem>>) semaphore(%arg13 : memref<!tpu.dma_semaphore, #tpu.memory_space<semaphore_mem>>)
        %dma_start3A_503 = arith.constant 7 : i32
        %dma_start3A_504 = arith.constant 700 : i32
        %dma_start3A_505 = arith.constant 0 : i32
        %dma_start3A_506 = tpu.memref_slice %arg8[%dma_start3A_504, %dma_start3A_505] : memref<1600x32xf32, #tpu.memory_space<vmem>> -> memref<100x32xf32, #tpu.memory_space<vmem>>
        %dma_start3A_507 = arith.constant 0 : i32
        %dma_start3A_508 = tpu.memref_slice %arg6[%dma_start3A_503, %dma_start3A_507] : memref<16x100xi32, #tpu.memory_space<vmem>> -> memref<1x100xi32, #tpu.memory_space<vmem>>
        %dma_start3A_509 = tpu.memref_squeeze %dma_start3A_508 : memref<1x100xi32, #tpu.memory_space<vmem>> -> memref<100xi32, #tpu.memory_space<vmem>>
        %dma_start3A_510 = arith.constant 0 : i32
        %dma_start3A_511 = arith.constant 0 : i32
        %dma_start3A_512 = tpu.memref_slice %arg3[%dma_start3A_510, %dma_start3A_511] : memref<1000000x32xf32, #tpu.memory_space<hbm>> -> memref<1000000x32xf32, #tpu.memory_space<hbm>>
        tpu.enqueue_indirect_dma source(%dma_start3A_512 : memref<1000000x32xf32, #tpu.memory_space<hbm>>) target(%dma_start3A_506 : memref<100x32xf32, #tpu.memory_space<vmem>>) offsets(%dma_start3A_509 : memref<100xi32, #tpu.memory_space<vmem>>) semaphore(%arg13 : memref<!tpu.dma_semaphore, #tpu.memory_space<semaphore_mem>>)
        %dma_start3A_513 = arith.constant 8 : i32
        %dma_start3A_514 = arith.constant 800 : i32
        %dma_start3A_515 = arith.constant 0 : i32
        %dma_start3A_516 = tpu.memref_slice %arg8[%dma_start3A_514, %dma_start3A_515] : memref<1600x32xf32, #tpu.memory_space<vmem>> -> memref<100x32xf32, #tpu.memory_space<vmem>>
        %dma_start3A_517 = arith.constant 0 : i32
        %dma_start3A_518 = tpu.memref_slice %arg6[%dma_start3A_513, %dma_start3A_517] : memref<16x100xi32, #tpu.memory_space<vmem>> -> memref<1x100xi32, #tpu.memory_space<vmem>>
        %dma_start3A_519 = tpu.memref_squeeze %dma_start3A_518 : memref<1x100xi32, #tpu.memory_space<vmem>> -> memref<100xi32, #tpu.memory_space<vmem>>
        %dma_start3A_520 = arith.constant 0 : i32
        %dma_start3A_521 = arith.constant 0 : i32
        %dma_start3A_522 = tpu.memref_slice %arg3[%dma_start3A_520, %dma_start3A_521] : memref<1000000x32xf32, #tpu.memory_space<hbm>> -> memref<1000000x32xf32, #tpu.memory_space<hbm>>
        tpu.enqueue_indirect_dma source(%dma_start3A_522 : memref<1000000x32xf32, #tpu.memory_space<hbm>>) target(%dma_start3A_516 : memref<100x32xf32, #tpu.memory_space<vmem>>) offsets(%dma_start3A_519 : memref<100xi32, #tpu.memory_space<vmem>>) semaphore(%arg13 : memref<!tpu.dma_semaphore, #tpu.memory_space<semaphore_mem>>)
        %dma_start3A_523 = arith.constant 9 : i32
        %dma_start3A_524 = arith.constant 900 : i32
        %dma_start3A_525 = arith.constant 0 : i32
        %dma_start3A_526 = tpu.memref_slice %arg8[%dma_start3A_524, %dma_start3A_525] : memref<1600x32xf32, #tpu.memory_space<vmem>> -> memref<100x32xf32, #tpu.memory_space<vmem>>
        %dma_start3A_527 = arith.constant 0 : i32
        %dma_start3A_528 = tpu.memref_slice %arg6[%dma_start3A_523, %dma_start3A_527] : memref<16x100xi32, #tpu.memory_space<vmem>> -> memref<1x100xi32, #tpu.memory_space<vmem>>
        %dma_start3A_529 = tpu.memref_squeeze %dma_start3A_528 : memref<1x100xi32, #tpu.memory_space<vmem>> -> memref<100xi32, #tpu.memory_space<vmem>>
        %dma_start3A_530 = arith.constant 0 : i32
        %dma_start3A_531 = arith.constant 0 : i32
        %dma_start3A_532 = tpu.memref_slice %arg3[%dma_start3A_530, %dma_start3A_531] : memref<1000000x32xf32, #tpu.memory_space<hbm>> -> memref<1000000x32xf32, #tpu.memory_space<hbm>>
        tpu.enqueue_indirect_dma source(%dma_start3A_532 : memref<1000000x32xf32, #tpu.memory_space<hbm>>) target(%dma_start3A_526 : memref<100x32xf32, #tpu.memory_space<vmem>>) offsets(%dma_start3A_529 : memref<100xi32, #tpu.memory_space<vmem>>) semaphore(%arg13 : memref<!tpu.dma_semaphore, #tpu.memory_space<semaphore_mem>>)
        %dma_start3A_533 = arith.constant 10 : i32
        %dma_start3A_534 = arith.constant 1000 : i32
        %dma_start3A_535 = arith.constant 0 : i32
        %dma_start3A_536 = tpu.memref_slice %arg8[%dma_start3A_534, %dma_start3A_535] : memref<1600x32xf32, #tpu.memory_space<vmem>> -> memref<100x32xf32, #tpu.memory_space<vmem>>
        %dma_start3A_537 = arith.constant 0 : i32
        %dma_start3A_538 = tpu.memref_slice %arg6[%dma_start3A_533, %dma_start3A_537] : memref<16x100xi32, #tpu.memory_space<vmem>> -> memref<1x100xi32, #tpu.memory_space<vmem>>
        %dma_start3A_539 = tpu.memref_squeeze %dma_start3A_538 : memref<1x100xi32, #tpu.memory_space<vmem>> -> memref<100xi32, #tpu.memory_space<vmem>>
        %dma_start3A_540 = arith.constant 0 : i32
        %dma_start3A_541 = arith.constant 0 : i32
        %dma_start3A_542 = tpu.memref_slice %arg3[%dma_start3A_540, %dma_start3A_541] : memref<1000000x32xf32, #tpu.memory_space<hbm>> -> memref<1000000x32xf32, #tpu.memory_space<hbm>>
        tpu.enqueue_indirect_dma source(%dma_start3A_542 : memref<1000000x32xf32, #tpu.memory_space<hbm>>) target(%dma_start3A_536 : memref<100x32xf32, #tpu.memory_space<vmem>>) offsets(%dma_start3A_539 : memref<100xi32, #tpu.memory_space<vmem>>) semaphore(%arg13 : memref<!tpu.dma_semaphore, #tpu.memory_space<semaphore_mem>>)
        %dma_start3A_543 = arith.constant 11 : i32
        %dma_start3A_544 = arith.constant 1100 : i32
        %dma_start3A_545 = arith.constant 0 : i32
        %dma_start3A_546 = tpu.memref_slice %arg8[%dma_start3A_544, %dma_start3A_545] : memref<1600x32xf32, #tpu.memory_space<vmem>> -> memref<100x32xf32, #tpu.memory_space<vmem>>
        %dma_start3A_547 = arith.constant 0 : i32
        %dma_start3A_548 = tpu.memref_slice %arg6[%dma_start3A_543, %dma_start3A_547] : memref<16x100xi32, #tpu.memory_space<vmem>> -> memref<1x100xi32, #tpu.memory_space<vmem>>
        %dma_start3A_549 = tpu.memref_squeeze %dma_start3A_548 : memref<1x100xi32, #tpu.memory_space<vmem>> -> memref<100xi32, #tpu.memory_space<vmem>>
        %dma_start3A_550 = arith.constant 0 : i32
        %dma_start3A_551 = arith.constant 0 : i32
        %dma_start3A_552 = tpu.memref_slice %arg3[%dma_start3A_550, %dma_start3A_551] : memref<1000000x32xf32, #tpu.memory_space<hbm>> -> memref<1000000x32xf32, #tpu.memory_space<hbm>>
        tpu.enqueue_indirect_dma source(%dma_start3A_552 : memref<1000000x32xf32, #tpu.memory_space<hbm>>) target(%dma_start3A_546 : memref<100x32xf32, #tpu.memory_space<vmem>>) offsets(%dma_start3A_549 : memref<100xi32, #tpu.memory_space<vmem>>) semaphore(%arg13 : memref<!tpu.dma_semaphore, #tpu.memory_space<semaphore_mem>>)
        %dma_start3A_553 = arith.constant 12 : i32
        %dma_start3A_554 = arith.constant 1200 : i32
        %dma_start3A_555 = arith.constant 0 : i32
        %dma_start3A_556 = tpu.memref_slice %arg8[%dma_start3A_554, %dma_start3A_555] : memref<1600x32xf32, #tpu.memory_space<vmem>> -> memref<100x32xf32, #tpu.memory_space<vmem>>
        %dma_start3A_557 = arith.constant 0 : i32
        %dma_start3A_558 = tpu.memref_slice %arg6[%dma_start3A_553, %dma_start3A_557] : memref<16x100xi32, #tpu.memory_space<vmem>> -> memref<1x100xi32, #tpu.memory_space<vmem>>
        %dma_start3A_559 = tpu.memref_squeeze %dma_start3A_558 : memref<1x100xi32, #tpu.memory_space<vmem>> -> memref<100xi32, #tpu.memory_space<vmem>>
        %dma_start3A_560 = arith.constant 0 : i32
        %dma_start3A_561 = arith.constant 0 : i32
        %dma_start3A_562 = tpu.memref_slice %arg3[%dma_start3A_560, %dma_start3A_561] : memref<1000000x32xf32, #tpu.memory_space<hbm>> -> memref<1000000x32xf32, #tpu.memory_space<hbm>>
        tpu.enqueue_indirect_dma source(%dma_start3A_562 : memref<1000000x32xf32, #tpu.memory_space<hbm>>) target(%dma_start3A_556 : memref<100x32xf32, #tpu.memory_space<vmem>>) offsets(%dma_start3A_559 : memref<100xi32, #tpu.memory_space<vmem>>) semaphore(%arg13 : memref<!tpu.dma_semaphore, #tpu.memory_space<semaphore_mem>>)
        %dma_start3A_563 = arith.constant 13 : i32
        %dma_start3A_564 = arith.constant 1300 : i32
        %dma_start3A_565 = arith.constant 0 : i32
        %dma_start3A_566 = tpu.memref_slice %arg8[%dma_start3A_564, %dma_start3A_565] : memref<1600x32xf32, #tpu.memory_space<vmem>> -> memref<100x32xf32, #tpu.memory_space<vmem>>
        %dma_start3A_567 = arith.constant 0 : i32
        %dma_start3A_568 = tpu.memref_slice %arg6[%dma_start3A_563, %dma_start3A_567] : memref<16x100xi32, #tpu.memory_space<vmem>> -> memref<1x100xi32, #tpu.memory_space<vmem>>
        %dma_start3A_569 = tpu.memref_squeeze %dma_start3A_568 : memref<1x100xi32, #tpu.memory_space<vmem>> -> memref<100xi32, #tpu.memory_space<vmem>>
        %dma_start3A_570 = arith.constant 0 : i32
        %dma_start3A_571 = arith.constant 0 : i32
        %dma_start3A_572 = tpu.memref_slice %arg3[%dma_start3A_570, %dma_start3A_571] : memref<1000000x32xf32, #tpu.memory_space<hbm>> -> memref<1000000x32xf32, #tpu.memory_space<hbm>>
        tpu.enqueue_indirect_dma source(%dma_start3A_572 : memref<1000000x32xf32, #tpu.memory_space<hbm>>) target(%dma_start3A_566 : memref<100x32xf32, #tpu.memory_space<vmem>>) offsets(%dma_start3A_569 : memref<100xi32, #tpu.memory_space<vmem>>) semaphore(%arg13 : memref<!tpu.dma_semaphore, #tpu.memory_space<semaphore_mem>>)
        %dma_start3A_573 = arith.constant 14 : i32
        %dma_start3A_574 = arith.constant 1400 : i32
        %dma_start3A_575 = arith.constant 0 : i32
        %dma_start3A_576 = tpu.memref_slice %arg8[%dma_start3A_574, %dma_start3A_575] : memref<1600x32xf32, #tpu.memory_space<vmem>> -> memref<100x32xf32, #tpu.memory_space<vmem>>
        %dma_start3A_577 = arith.constant 0 : i32
        %dma_start3A_578 = tpu.memref_slice %arg6[%dma_start3A_573, %dma_start3A_577] : memref<16x100xi32, #tpu.memory_space<vmem>> -> memref<1x100xi32, #tpu.memory_space<vmem>>
        %dma_start3A_579 = tpu.memref_squeeze %dma_start3A_578 : memref<1x100xi32, #tpu.memory_space<vmem>> -> memref<100xi32, #tpu.memory_space<vmem>>
        %dma_start3A_580 = arith.constant 0 : i32
        %dma_start3A_581 = arith.constant 0 : i32
        %dma_start3A_582 = tpu.memref_slice %arg3[%dma_start3A_580, %dma_start3A_581] : memref<1000000x32xf32, #tpu.memory_space<hbm>> -> memref<1000000x32xf32, #tpu.memory_space<hbm>>
        tpu.enqueue_indirect_dma source(%dma_start3A_582 : memref<1000000x32xf32, #tpu.memory_space<hbm>>) target(%dma_start3A_576 : memref<100x32xf32, #tpu.memory_space<vmem>>) offsets(%dma_start3A_579 : memref<100xi32, #tpu.memory_space<vmem>>) semaphore(%arg13 : memref<!tpu.dma_semaphore, #tpu.memory_space<semaphore_mem>>)
        %dma_start3A_583 = arith.constant 15 : i32
        %dma_start3A_584 = arith.constant 1500 : i32
        %dma_start3A_585 = arith.constant 0 : i32
        %dma_start3A_586 = tpu.memref_slice %arg8[%dma_start3A_584, %dma_start3A_585] : memref<1600x32xf32, #tpu.memory_space<vmem>> -> memref<100x32xf32, #tpu.memory_space<vmem>>
        %dma_start3A_587 = arith.constant 0 : i32
        %dma_start3A_588 = tpu.memref_slice %arg6[%dma_start3A_583, %dma_start3A_587] : memref<16x100xi32, #tpu.memory_space<vmem>> -> memref<1x100xi32, #tpu.memory_space<vmem>>
        %dma_start3A_589 = tpu.memref_squeeze %dma_start3A_588 : memref<1x100xi32, #tpu.memory_space<vmem>> -> memref<100xi32, #tpu.memory_space<vmem>>
        %dma_start3A_590 = arith.constant 0 : i32
        %dma_start3A_591 = arith.constant 0 : i32
        %dma_start3A_592 = tpu.memref_slice %arg3[%dma_start3A_590, %dma_start3A_591] : memref<1000000x32xf32, #tpu.memory_space<hbm>> -> memref<1000000x32xf32, #tpu.memory_space<hbm>>
        tpu.enqueue_indirect_dma source(%dma_start3A_592 : memref<1000000x32xf32, #tpu.memory_space<hbm>>) target(%dma_start3A_586 : memref<100x32xf32, #tpu.memory_space<vmem>>) offsets(%dma_start3A_589 : memref<100xi32, #tpu.memory_space<vmem>>) semaphore(%arg13 : memref<!tpu.dma_semaphore, #tpu.memory_space<semaphore_mem>>)
        %add3A_593 = arith.constant 3 : i32
        %add3A_594 = arith.addi %mul3A_197, %add3A_593 : i32
        %mul3A_595 = arith.constant 256 : i32
        %mul3A_596 = arith.muli %add3A, %mul3A_595 : i32
        %mul3A_597 = arith.constant 16 : i32
        %mul3A_598 = arith.muli %add3A_594, %mul3A_597 : i32
        %add3A_599 = arith.addi %mul3A_596, %mul3A_598 : i32
        %dma_start3A_600 = arith.constant 0 : i32
        %dma_start3A_601 = tpu.memref_slice %arg2[%add3A_599, %dma_start3A_600] : memref<8192x100xi32, #tpu.memory_space<hbm>> -> memref<16x100xi32, #tpu.memory_space<hbm>>
        %dma_start3A_602 = arith.constant 0 : i32
        %dma_start3A_603 = tpu.memref_slice %arg2[%add3A_599, %dma_start3A_602] : memref<8192x100xi32, #tpu.memory_space<hbm>> -> memref<16x100xi32, #tpu.memory_space<hbm>>
        tpu.enqueue_dma source(%dma_start3A_603 : memref<16x100xi32, #tpu.memory_space<hbm>>) target(%arg7 : memref<16x100xi32, #tpu.memory_space<vmem>>) target_semaphore(%arg12 : memref<!tpu.dma_semaphore, #tpu.memory_space<semaphore_mem>>)
      } else {
      }
      %parallel_loop3A_414 = arith.constant 0 : i32
      %parallel_loop3A_415 = arith.constant 200 : i32
      %parallel_loop3A_416 = arith.constant 1 : i32
      scf.for %parallel_loop3A_433 = %parallel_loop3A_414 to %parallel_loop3A_415 step %parallel_loop3A_416  : i32 {
        %parallel_loop3A_434 = arith.index_cast %parallel_loop3A_433 : i32 to index
        %parallel_loop3A_435 = arith.constant 0 : index
        %parallel_loop3A_436 = tpu.vector_load %arg10[%parallel_loop3A_434, %parallel_loop3A_435] {strides = array<i32>} : memref<200x32xf32, #tpu.memory_space<vmem>>, vector<1x16xf32>,
        %parallel_loop3A_437 = vector.shape_cast %parallel_loop3A_436 : vector<1x16xf32> to vector<16xf32>
        %parallel_loop3A_438 = arith.constant 0 : i32
        %parallel_loop3A_439 = arith.addi %parallel_loop3A_438, %parallel_loop3A_433 : i32
        %parallel_loop3A_440 = arith.index_cast %parallel_loop3A_439 : i32 to index
        %parallel_loop3A_441 = arith.constant 0 : index
        %parallel_loop3A_442 = tpu.vector_load %arg9[%parallel_loop3A_440, %parallel_loop3A_441] {strides = array<i32>} : memref<1600x32xf32, #tpu.memory_space<vmem>>, vector<1x16xf32>,
        %parallel_loop3A_443 = vector.shape_cast %parallel_loop3A_442 : vector<1x16xf32> to vector<16xf32>
        %parallel_loop3A_444 = arith.addf %parallel_loop3A_443, %parallel_loop3A_437 : vector<16xf32>
        %parallel_loop3A_445 = arith.index_cast %parallel_loop3A_439 : i32 to index
        %parallel_loop3A_446 = arith.constant 0 : index
        %parallel_loop3A_447 = tpu.vector_load %arg9[%parallel_loop3A_445, %parallel_loop3A_446] {strides = array<i32>} : memref<1600x32xf32, #tpu.memory_space<vmem>>, vector<1x16xf32>,
        %parallel_loop3A_448 = vector.shape_cast %parallel_loop3A_447 : vector<1x16xf32> to vector<16xf32>
        %parallel_loop3A_449 = vector.shape_cast %parallel_loop3A_444 : vector<16xf32> to vector<1x16xf32>
        tpu.vector_store %arg9[%parallel_loop3A_445, %parallel_loop3A_446], %parallel_loop3A_449 {strides = array<i32>} : memref<1600x32xf32, #tpu.memory_space<vmem>>, vector<1x16xf32>,
        %parallel_loop3A_450 = arith.constant 200 : i32
        %parallel_loop3A_451 = arith.addi %parallel_loop3A_450, %parallel_loop3A_433 : i32
        %parallel_loop3A_452 = arith.index_cast %parallel_loop3A_451 : i32 to index
        %parallel_loop3A_453 = arith.constant 0 : index
        %parallel_loop3A_454 = tpu.vector_load %arg9[%parallel_loop3A_452, %parallel_loop3A_453] {strides = array<i32>} : memref<1600x32xf32, #tpu.memory_space<vmem>>, vector<1x16xf32>,
        %parallel_loop3A_455 = vector.shape_cast %parallel_loop3A_454 : vector<1x16xf32> to vector<16xf32>
        %parallel_loop3A_456 = arith.addf %parallel_loop3A_455, %parallel_loop3A_437 : vector<16xf32>
        %parallel_loop3A_457 = arith.index_cast %parallel_loop3A_451 : i32 to index
        %parallel_loop3A_458 = arith.constant 0 : index
        %parallel_loop3A_459 = tpu.vector_load %arg9[%parallel_loop3A_457, %parallel_loop3A_458] {strides = array<i32>} : memref<1600x32xf32, #tpu.memory_space<vmem>>, vector<1x16xf32>,
        %parallel_loop3A_460 = vector.shape_cast %parallel_loop3A_459 : vector<1x16xf32> to vector<16xf32>
        %parallel_loop3A_461 = vector.shape_cast %parallel_loop3A_456 : vector<16xf32> to vector<1x16xf32>
        tpu.vector_store %arg9[%parallel_loop3A_457, %parallel_loop3A_458], %parallel_loop3A_461 {strides = array<i32>} : memref<1600x32xf32, #tpu.memory_space<vmem>>, vector<1x16xf32>,
        %parallel_loop3A_462 = arith.constant 400 : i32
        %parallel_loop3A_463 = arith.addi %parallel_loop3A_462, %parallel_loop3A_433 : i32
        %parallel_loop3A_464 = arith.index_cast %parallel_loop3A_463 : i32 to index
        %parallel_loop3A_465 = arith.constant 0 : index
        %parallel_loop3A_466 = tpu.vector_load %arg9[%parallel_loop3A_464, %parallel_loop3A_465] {strides = array<i32>} : memref<1600x32xf32, #tpu.memory_space<vmem>>, vector<1x16xf32>,
        %parallel_loop3A_467 = vector.shape_cast %parallel_loop3A_466 : vector<1x16xf32> to vector<16xf32>
        %parallel_loop3A_468 = arith.addf %parallel_loop3A_467, %parallel_loop3A_437 : vector<16xf32>
        %parallel_loop3A_469 = arith.index_cast %parallel_loop3A_463 : i32 to index
        %parallel_loop3A_470 = arith.constant 0 : index
        %parallel_loop3A_471 = tpu.vector_load %arg9[%parallel_loop3A_469, %parallel_loop3A_470] {strides = array<i32>} : memref<1600x32xf32, #tpu.memory_space<vmem>>, vector<1x16xf32>,
        %parallel_loop3A_472 = vector.shape_cast %parallel_loop3A_471 : vector<1x16xf32> to vector<16xf32>
        %parallel_loop3A_473 = vector.shape_cast %parallel_loop3A_468 : vector<16xf32> to vector<1x16xf32>
        tpu.vector_store %arg9[%parallel_loop3A_469, %parallel_loop3A_470], %parallel_loop3A_473 {strides = array<i32>} : memref<1600x32xf32, #tpu.memory_space<vmem>>, vector<1x16xf32>,
        %parallel_loop3A_474 = arith.constant 600 : i32
        %parallel_loop3A_475 = arith.addi %parallel_loop3A_474, %parallel_loop3A_433 : i32
        %parallel_loop3A_476 = arith.index_cast %parallel_loop3A_475 : i32 to index
        %parallel_loop3A_477 = arith.constant 0 : index
        %parallel_loop3A_478 = tpu.vector_load %arg9[%parallel_loop3A_476, %parallel_loop3A_477] {strides = array<i32>} : memref<1600x32xf32, #tpu.memory_space<vmem>>, vector<1x16xf32>,
        %parallel_loop3A_479 = vector.shape_cast %parallel_loop3A_478 : vector<1x16xf32> to vector<16xf32>
        %parallel_loop3A_480 = arith.addf %parallel_loop3A_479, %parallel_loop3A_437 : vector<16xf32>
        %parallel_loop3A_481 = arith.index_cast %parallel_loop3A_475 : i32 to index
        %parallel_loop3A_482 = arith.constant 0 : index
        %parallel_loop3A_483 = tpu.vector_load %arg9[%parallel_loop3A_481, %parallel_loop3A_482] {strides = array<i32>} : memref<1600x32xf32, #tpu.memory_space<vmem>>, vector<1x16xf32>,
        %parallel_loop3A_484 = vector.shape_cast %parallel_loop3A_483 : vector<1x16xf32> to vector<16xf32>
        %parallel_loop3A_485 = vector.shape_cast %parallel_loop3A_480 : vector<16xf32> to vector<1x16xf32>
        tpu.vector_store %arg9[%parallel_loop3A_481, %parallel_loop3A_482], %parallel_loop3A_485 {strides = array<i32>} : memref<1600x32xf32, #tpu.memory_space<vmem>>, vector<1x16xf32>,
        %parallel_loop3A_486 = arith.constant 800 : i32
        %parallel_loop3A_487 = arith.addi %parallel_loop3A_486, %parallel_loop3A_433 : i32
        %parallel_loop3A_488 = arith.index_cast %parallel_loop3A_487 : i32 to index
        %parallel_loop3A_489 = arith.constant 0 : index
        %parallel_loop3A_490 = tpu.vector_load %arg9[%parallel_loop3A_488, %parallel_loop3A_489] {strides = array<i32>} : memref<1600x32xf32, #tpu.memory_space<vmem>>, vector<1x16xf32>,
        %parallel_loop3A_491 = vector.shape_cast %parallel_loop3A_490 : vector<1x16xf32> to vector<16xf32>
        %parallel_loop3A_492 = arith.addf %parallel_loop3A_491, %parallel_loop3A_437 : vector<16xf32>
        %parallel_loop3A_493 = arith.index_cast %parallel_loop3A_487 : i32 to index
        %parallel_loop3A_494 = arith.constant 0 : index
        %parallel_loop3A_495 = tpu.vector_load %arg9[%parallel_loop3A_493, %parallel_loop3A_494] {strides = array<i32>} : memref<1600x32xf32, #tpu.memory_space<vmem>>, vector<1x16xf32>,
        %parallel_loop3A_496 = vector.shape_cast %parallel_loop3A_495 : vector<1x16xf32> to vector<16xf32>
        %parallel_loop3A_497 = vector.shape_cast %parallel_loop3A_492 : vector<16xf32> to vector<1x16xf32>
        tpu.vector_store %arg9[%parallel_loop3A_493, %parallel_loop3A_494], %parallel_loop3A_497 {strides = array<i32>} : memref<1600x32xf32, #tpu.memory_space<vmem>>, vector<1x16xf32>,
        %parallel_loop3A_498 = arith.constant 1000 : i32
        %parallel_loop3A_499 = arith.addi %parallel_loop3A_498, %parallel_loop3A_433 : i32
        %parallel_loop3A_500 = arith.index_cast %parallel_loop3A_499 : i32 to index
        %parallel_loop3A_501 = arith.constant 0 : index
        %parallel_loop3A_502 = tpu.vector_load %arg9[%parallel_loop3A_500, %parallel_loop3A_501] {strides = array<i32>} : memref<1600x32xf32, #tpu.memory_space<vmem>>, vector<1x16xf32>,
        %parallel_loop3A_503 = vector.shape_cast %parallel_loop3A_502 : vector<1x16xf32> to vector<16xf32>
        %parallel_loop3A_504 = arith.addf %parallel_loop3A_503, %parallel_loop3A_437 : vector<16xf32>
        %parallel_loop3A_505 = arith.index_cast %parallel_loop3A_499 : i32 to index
        %parallel_loop3A_506 = arith.constant 0 : index
        %parallel_loop3A_507 = tpu.vector_load %arg9[%parallel_loop3A_505, %parallel_loop3A_506] {strides = array<i32>} : memref<1600x32xf32, #tpu.memory_space<vmem>>, vector<1x16xf32>,
        %parallel_loop3A_508 = vector.shape_cast %parallel_loop3A_507 : vector<1x16xf32> to vector<16xf32>
        %parallel_loop3A_509 = vector.shape_cast %parallel_loop3A_504 : vector<16xf32> to vector<1x16xf32>
        tpu.vector_store %arg9[%parallel_loop3A_505, %parallel_loop3A_506], %parallel_loop3A_509 {strides = array<i32>} : memref<1600x32xf32, #tpu.memory_space<vmem>>, vector<1x16xf32>,
        %parallel_loop3A_510 = arith.constant 1200 : i32
        %parallel_loop3A_511 = arith.addi %parallel_loop3A_510, %parallel_loop3A_433 : i32
        %parallel_loop3A_512 = arith.index_cast %parallel_loop3A_511 : i32 to index
        %parallel_loop3A_513 = arith.constant 0 : index
        %parallel_loop3A_514 = tpu.vector_load %arg9[%parallel_loop3A_512, %parallel_loop3A_513] {strides = array<i32>} : memref<1600x32xf32, #tpu.memory_space<vmem>>, vector<1x16xf32>,
        %parallel_loop3A_515 = vector.shape_cast %parallel_loop3A_514 : vector<1x16xf32> to vector<16xf32>
        %parallel_loop3A_516 = arith.addf %parallel_loop3A_515, %parallel_loop3A_437 : vector<16xf32>
        %parallel_loop3A_517 = arith.index_cast %parallel_loop3A_511 : i32 to index
        %parallel_loop3A_518 = arith.constant 0 : index
        %parallel_loop3A_519 = tpu.vector_load %arg9[%parallel_loop3A_517, %parallel_loop3A_518] {strides = array<i32>} : memref<1600x32xf32, #tpu.memory_space<vmem>>, vector<1x16xf32>,
        %parallel_loop3A_520 = vector.shape_cast %parallel_loop3A_519 : vector<1x16xf32> to vector<16xf32>
        %parallel_loop3A_521 = vector.shape_cast %parallel_loop3A_516 : vector<16xf32> to vector<1x16xf32>
        tpu.vector_store %arg9[%parallel_loop3A_517, %parallel_loop3A_518], %parallel_loop3A_521 {strides = array<i32>} : memref<1600x32xf32, #tpu.memory_space<vmem>>, vector<1x16xf32>,
        %parallel_loop3A_522 = arith.constant 1400 : i32
        %parallel_loop3A_523 = arith.addi %parallel_loop3A_522, %parallel_loop3A_433 : i32
        %parallel_loop3A_524 = arith.index_cast %parallel_loop3A_523 : i32 to index
        %parallel_loop3A_525 = arith.constant 0 : index
        %parallel_loop3A_526 = tpu.vector_load %arg9[%parallel_loop3A_524, %parallel_loop3A_525] {strides = array<i32>} : memref<1600x32xf32, #tpu.memory_space<vmem>>, vector<1x16xf32>,
        %parallel_loop3A_527 = vector.shape_cast %parallel_loop3A_526 : vector<1x16xf32> to vector<16xf32>
        %parallel_loop3A_528 = arith.addf %parallel_loop3A_527, %parallel_loop3A_437 : vector<16xf32>
        %parallel_loop3A_529 = arith.index_cast %parallel_loop3A_523 : i32 to index
        %parallel_loop3A_530 = arith.constant 0 : index
        %parallel_loop3A_531 = tpu.vector_load %arg9[%parallel_loop3A_529, %parallel_loop3A_530] {strides = array<i32>} : memref<1600x32xf32, #tpu.memory_space<vmem>>, vector<1x16xf32>,
        %parallel_loop3A_532 = vector.shape_cast %parallel_loop3A_531 : vector<1x16xf32> to vector<16xf32>
        %parallel_loop3A_533 = vector.shape_cast %parallel_loop3A_528 : vector<16xf32> to vector<1x16xf32>
        tpu.vector_store %arg9[%parallel_loop3A_529, %parallel_loop3A_530], %parallel_loop3A_533 {strides = array<i32>} : memref<1600x32xf32, #tpu.memory_space<vmem>>, vector<1x16xf32>,
      } {sc.loop_unroll_factor = 8 : i64, sc.parallel_access}
      %parallel_loop3A_417 = arith.constant 0 : i32
      %parallel_loop3A_418 = arith.constant 200 : i32
      %parallel_loop3A_419 = arith.constant 1 : i32
      scf.for %parallel_loop3A_433 = %parallel_loop3A_417 to %parallel_loop3A_418 step %parallel_loop3A_419  : i32 {
        %parallel_loop3A_434 = arith.index_cast %parallel_loop3A_433 : i32 to index
        %parallel_loop3A_435 = arith.constant 16 : index
        %parallel_loop3A_436 = tpu.vector_load %arg10[%parallel_loop3A_434, %parallel_loop3A_435] {strides = array<i32>} : memref<200x32xf32, #tpu.memory_space<vmem>>, vector<1x16xf32>,
        %parallel_loop3A_437 = vector.shape_cast %parallel_loop3A_436 : vector<1x16xf32> to vector<16xf32>
        %parallel_loop3A_438 = arith.constant 0 : i32
        %parallel_loop3A_439 = arith.addi %parallel_loop3A_438, %parallel_loop3A_433 : i32
        %parallel_loop3A_440 = arith.index_cast %parallel_loop3A_439 : i32 to index
        %parallel_loop3A_441 = arith.constant 16 : index
        %parallel_loop3A_442 = tpu.vector_load %arg9[%parallel_loop3A_440, %parallel_loop3A_441] {strides = array<i32>} : memref<1600x32xf32, #tpu.memory_space<vmem>>, vector<1x16xf32>,
        %parallel_loop3A_443 = vector.shape_cast %parallel_loop3A_442 : vector<1x16xf32> to vector<16xf32>
        %parallel_loop3A_444 = arith.addf %parallel_loop3A_443, %parallel_loop3A_437 : vector<16xf32>
        %parallel_loop3A_445 = arith.index_cast %parallel_loop3A_439 : i32 to index
        %parallel_loop3A_446 = arith.constant 16 : index
        %parallel_loop3A_447 = tpu.vector_load %arg9[%parallel_loop3A_445, %parallel_loop3A_446] {strides = array<i32>} : memref<1600x32xf32, #tpu.memory_space<vmem>>, vector<1x16xf32>,
        %parallel_loop3A_448 = vector.shape_cast %parallel_loop3A_447 : vector<1x16xf32> to vector<16xf32>
        %parallel_loop3A_449 = vector.shape_cast %parallel_loop3A_444 : vector<16xf32> to vector<1x16xf32>
        tpu.vector_store %arg9[%parallel_loop3A_445, %parallel_loop3A_446], %parallel_loop3A_449 {strides = array<i32>} : memref<1600x32xf32, #tpu.memory_space<vmem>>, vector<1x16xf32>,
        %parallel_loop3A_450 = arith.constant 200 : i32
        %parallel_loop3A_451 = arith.addi %parallel_loop3A_450, %parallel_loop3A_433 : i32
        %parallel_loop3A_452 = arith.index_cast %parallel_loop3A_451 : i32 to index
        %parallel_loop3A_453 = arith.constant 16 : index
        %parallel_loop3A_454 = tpu.vector_load %arg9[%parallel_loop3A_452, %parallel_loop3A_453] {strides = array<i32>} : memref<1600x32xf32, #tpu.memory_space<vmem>>, vector<1x16xf32>,
        %parallel_loop3A_455 = vector.shape_cast %parallel_loop3A_454 : vector<1x16xf32> to vector<16xf32>
        %parallel_loop3A_456 = arith.addf %parallel_loop3A_455, %parallel_loop3A_437 : vector<16xf32>
        %parallel_loop3A_457 = arith.index_cast %parallel_loop3A_451 : i32 to index
        %parallel_loop3A_458 = arith.constant 16 : index
        %parallel_loop3A_459 = tpu.vector_load %arg9[%parallel_loop3A_457, %parallel_loop3A_458] {strides = array<i32>} : memref<1600x32xf32, #tpu.memory_space<vmem>>, vector<1x16xf32>,
        %parallel_loop3A_460 = vector.shape_cast %parallel_loop3A_459 : vector<1x16xf32> to vector<16xf32>
        %parallel_loop3A_461 = vector.shape_cast %parallel_loop3A_456 : vector<16xf32> to vector<1x16xf32>
        tpu.vector_store %arg9[%parallel_loop3A_457, %parallel_loop3A_458], %parallel_loop3A_461 {strides = array<i32>} : memref<1600x32xf32, #tpu.memory_space<vmem>>, vector<1x16xf32>,
        %parallel_loop3A_462 = arith.constant 400 : i32
        %parallel_loop3A_463 = arith.addi %parallel_loop3A_462, %parallel_loop3A_433 : i32
        %parallel_loop3A_464 = arith.index_cast %parallel_loop3A_463 : i32 to index
        %parallel_loop3A_465 = arith.constant 16 : index
        %parallel_loop3A_466 = tpu.vector_load %arg9[%parallel_loop3A_464, %parallel_loop3A_465] {strides = array<i32>} : memref<1600x32xf32, #tpu.memory_space<vmem>>, vector<1x16xf32>,
        %parallel_loop3A_467 = vector.shape_cast %parallel_loop3A_466 : vector<1x16xf32> to vector<16xf32>
        %parallel_loop3A_468 = arith.addf %parallel_loop3A_467, %parallel_loop3A_437 : vector<16xf32>
        %parallel_loop3A_469 = arith.index_cast %parallel_loop3A_463 : i32 to index
        %parallel_loop3A_470 = arith.constant 16 : index
        %parallel_loop3A_471 = tpu.vector_load %arg9[%parallel_loop3A_469, %parallel_loop3A_470] {strides = array<i32>} : memref<1600x32xf32, #tpu.memory_space<vmem>>, vector<1x16xf32>,
        %parallel_loop3A_472 = vector.shape_cast %parallel_loop3A_471 : vector<1x16xf32> to vector<16xf32>
        %parallel_loop3A_473 = vector.shape_cast %parallel_loop3A_468 : vector<16xf32> to vector<1x16xf32>
        tpu.vector_store %arg9[%parallel_loop3A_469, %parallel_loop3A_470], %parallel_loop3A_473 {strides = array<i32>} : memref<1600x32xf32, #tpu.memory_space<vmem>>, vector<1x16xf32>,
        %parallel_loop3A_474 = arith.constant 600 : i32
        %parallel_loop3A_475 = arith.addi %parallel_loop3A_474, %parallel_loop3A_433 : i32
        %parallel_loop3A_476 = arith.index_cast %parallel_loop3A_475 : i32 to index
        %parallel_loop3A_477 = arith.constant 16 : index
        %parallel_loop3A_478 = tpu.vector_load %arg9[%parallel_loop3A_476, %parallel_loop3A_477] {strides = array<i32>} : memref<1600x32xf32, #tpu.memory_space<vmem>>, vector<1x16xf32>,
        %parallel_loop3A_479 = vector.shape_cast %parallel_loop3A_478 : vector<1x16xf32> to vector<16xf32>
        %parallel_loop3A_480 = arith.addf %parallel_loop3A_479, %parallel_loop3A_437 : vector<16xf32>
        %parallel_loop3A_481 = arith.index_cast %parallel_loop3A_475 : i32 to index
        %parallel_loop3A_482 = arith.constant 16 : index
        %parallel_loop3A_483 = tpu.vector_load %arg9[%parallel_loop3A_481, %parallel_loop3A_482] {strides = array<i32>} : memref<1600x32xf32, #tpu.memory_space<vmem>>, vector<1x16xf32>,
        %parallel_loop3A_484 = vector.shape_cast %parallel_loop3A_483 : vector<1x16xf32> to vector<16xf32>
        %parallel_loop3A_485 = vector.shape_cast %parallel_loop3A_480 : vector<16xf32> to vector<1x16xf32>
        tpu.vector_store %arg9[%parallel_loop3A_481, %parallel_loop3A_482], %parallel_loop3A_485 {strides = array<i32>} : memref<1600x32xf32, #tpu.memory_space<vmem>>, vector<1x16xf32>,
        %parallel_loop3A_486 = arith.constant 800 : i32
        %parallel_loop3A_487 = arith.addi %parallel_loop3A_486, %parallel_loop3A_433 : i32
        %parallel_loop3A_488 = arith.index_cast %parallel_loop3A_487 : i32 to index
        %parallel_loop3A_489 = arith.constant 16 : index
        %parallel_loop3A_490 = tpu.vector_load %arg9[%parallel_loop3A_488, %parallel_loop3A_489] {strides = array<i32>} : memref<1600x32xf32, #tpu.memory_space<vmem>>, vector<1x16xf32>,
        %parallel_loop3A_491 = vector.shape_cast %parallel_loop3A_490 : vector<1x16xf32> to vector<16xf32>
        %parallel_loop3A_492 = arith.addf %parallel_loop3A_491, %parallel_loop3A_437 : vector<16xf32>
        %parallel_loop3A_493 = arith.index_cast %parallel_loop3A_487 : i32 to index
        %parallel_loop3A_494 = arith.constant 16 : index
        %parallel_loop3A_495 = tpu.vector_load %arg9[%parallel_loop3A_493, %parallel_loop3A_494] {strides = array<i32>} : memref<1600x32xf32, #tpu.memory_space<vmem>>, vector<1x16xf32>,
        %parallel_loop3A_496 = vector.shape_cast %parallel_loop3A_495 : vector<1x16xf32> to vector<16xf32>
        %parallel_loop3A_497 = vector.shape_cast %parallel_loop3A_492 : vector<16xf32> to vector<1x16xf32>
        tpu.vector_store %arg9[%parallel_loop3A_493, %parallel_loop3A_494], %parallel_loop3A_497 {strides = array<i32>} : memref<1600x32xf32, #tpu.memory_space<vmem>>, vector<1x16xf32>,
        %parallel_loop3A_498 = arith.constant 1000 : i32
        %parallel_loop3A_499 = arith.addi %parallel_loop3A_498, %parallel_loop3A_433 : i32
        %parallel_loop3A_500 = arith.index_cast %parallel_loop3A_499 : i32 to index
        %parallel_loop3A_501 = arith.constant 16 : index
        %parallel_loop3A_502 = tpu.vector_load %arg9[%parallel_loop3A_500, %parallel_loop3A_501] {strides = array<i32>} : memref<1600x32xf32, #tpu.memory_space<vmem>>, vector<1x16xf32>,
        %parallel_loop3A_503 = vector.shape_cast %parallel_loop3A_502 : vector<1x16xf32> to vector<16xf32>
        %parallel_loop3A_504 = arith.addf %parallel_loop3A_503, %parallel_loop3A_437 : vector<16xf32>
        %parallel_loop3A_505 = arith.index_cast %parallel_loop3A_499 : i32 to index
        %parallel_loop3A_506 = arith.constant 16 : index
        %parallel_loop3A_507 = tpu.vector_load %arg9[%parallel_loop3A_505, %parallel_loop3A_506] {strides = array<i32>} : memref<1600x32xf32, #tpu.memory_space<vmem>>, vector<1x16xf32>,
        %parallel_loop3A_508 = vector.shape_cast %parallel_loop3A_507 : vector<1x16xf32> to vector<16xf32>
        %parallel_loop3A_509 = vector.shape_cast %parallel_loop3A_504 : vector<16xf32> to vector<1x16xf32>
        tpu.vector_store %arg9[%parallel_loop3A_505, %parallel_loop3A_506], %parallel_loop3A_509 {strides = array<i32>} : memref<1600x32xf32, #tpu.memory_space<vmem>>, vector<1x16xf32>,
        %parallel_loop3A_510 = arith.constant 1200 : i32
        %parallel_loop3A_511 = arith.addi %parallel_loop3A_510, %parallel_loop3A_433 : i32
        %parallel_loop3A_512 = arith.index_cast %parallel_loop3A_511 : i32 to index
        %parallel_loop3A_513 = arith.constant 16 : index
        %parallel_loop3A_514 = tpu.vector_load %arg9[%parallel_loop3A_512, %parallel_loop3A_513] {strides = array<i32>} : memref<1600x32xf32, #tpu.memory_space<vmem>>, vector<1x16xf32>,
        %parallel_loop3A_515 = vector.shape_cast %parallel_loop3A_514 : vector<1x16xf32> to vector<16xf32>
        %parallel_loop3A_516 = arith.addf %parallel_loop3A_515, %parallel_loop3A_437 : vector<16xf32>
        %parallel_loop3A_517 = arith.index_cast %parallel_loop3A_511 : i32 to index
        %parallel_loop3A_518 = arith.constant 16 : index
        %parallel_loop3A_519 = tpu.vector_load %arg9[%parallel_loop3A_517, %parallel_loop3A_518] {strides = array<i32>} : memref<1600x32xf32, #tpu.memory_space<vmem>>, vector<1x16xf32>,
        %parallel_loop3A_520 = vector.shape_cast %parallel_loop3A_519 : vector<1x16xf32> to vector<16xf32>
        %parallel_loop3A_521 = vector.shape_cast %parallel_loop3A_516 : vector<16xf32> to vector<1x16xf32>
        tpu.vector_store %arg9[%parallel_loop3A_517, %parallel_loop3A_518], %parallel_loop3A_521 {strides = array<i32>} : memref<1600x32xf32, #tpu.memory_space<vmem>>, vector<1x16xf32>,
        %parallel_loop3A_522 = arith.constant 1400 : i32
        %parallel_loop3A_523 = arith.addi %parallel_loop3A_522, %parallel_loop3A_433 : i32
        %parallel_loop3A_524 = arith.index_cast %parallel_loop3A_523 : i32 to index
        %parallel_loop3A_525 = arith.constant 16 : index
        %parallel_loop3A_526 = tpu.vector_load %arg9[%parallel_loop3A_524, %parallel_loop3A_525] {strides = array<i32>} : memref<1600x32xf32, #tpu.memory_space<vmem>>, vector<1x16xf32>,
        %parallel_loop3A_527 = vector.shape_cast %parallel_loop3A_526 : vector<1x16xf32> to vector<16xf32>
        %parallel_loop3A_528 = arith.addf %parallel_loop3A_527, %parallel_loop3A_437 : vector<16xf32>
        %parallel_loop3A_529 = arith.index_cast %parallel_loop3A_523 : i32 to index
        %parallel_loop3A_530 = arith.constant 16 : index
        %parallel_loop3A_531 = tpu.vector_load %arg9[%parallel_loop3A_529, %parallel_loop3A_530] {strides = array<i32>} : memref<1600x32xf32, #tpu.memory_space<vmem>>, vector<1x16xf32>,
        %parallel_loop3A_532 = vector.shape_cast %parallel_loop3A_531 : vector<1x16xf32> to vector<16xf32>
        %parallel_loop3A_533 = vector.shape_cast %parallel_loop3A_528 : vector<16xf32> to vector<1x16xf32>
        tpu.vector_store %arg9[%parallel_loop3A_529, %parallel_loop3A_530], %parallel_loop3A_533 {strides = array<i32>} : memref<1600x32xf32, #tpu.memory_space<vmem>>, vector<1x16xf32>,
      } {sc.loop_unroll_factor = 8 : i64, sc.parallel_access}
      %add3A_420 = arith.constant 1 : i32
      %add3A_421 = arith.addi %mul3A_197, %add3A_420 : i32
      %mul3A_422 = arith.constant 256 : i32
      %mul3A_423 = arith.muli %add3A, %mul3A_422 : i32
      %mul3A_424 = arith.constant 16 : i32
      %mul3A_425 = arith.muli %add3A_421, %mul3A_424 : i32
      %add3A_426 = arith.addi %mul3A_423, %mul3A_425 : i32
      %mul3A_427 = arith.constant 100 : i32
      %mul3A_428 = arith.muli %add3A_426, %mul3A_427 : i32
      %dma_start3A_429 = arith.constant 0 : i32
      %dma_start3A_430 = tpu.memref_slice %arg5[%mul3A_428, %dma_start3A_429] : memref<819200x32xf32, #tpu.memory_space<hbm>> -> memref<1600x32xf32, #tpu.memory_space<hbm>>
      %dma_start3A_431 = arith.constant 0 : i32
      %dma_start3A_432 = tpu.memref_slice %arg5[%mul3A_428, %dma_start3A_431] : memref<819200x32xf32, #tpu.memory_space<hbm>> -> memref<1600x32xf32, #tpu.memory_space<hbm>>
      tpu.enqueue_dma source(%arg9 : memref<1600x32xf32, #tpu.memory_space<vmem>>) target(%dma_start3A_432 : memref<1600x32xf32, #tpu.memory_space<hbm>>) target_semaphore(%arg16 : memref<!tpu.dma_semaphore, #tpu.memory_space<semaphore_mem>>)
    }
    %scan3A_184 = arith.constant 8 : i32
    %dma_wait3A_185 = arith.constant 0 : i32
    %dma_wait3A_186 = arith.constant 0 : i32
    %dma_wait3A_187 = tpu.memref_slice %arg5[%dma_wait3A_185, %dma_wait3A_186] : memref<819200x32xf32, #tpu.memory_space<hbm>> -> memref<1600x32xf32, #tpu.memory_space<hbm>>
    %dma_wait3A_188 = arith.constant 0 : i32
    %dma_wait3A_189 = arith.constant 0 : i32
    %dma_wait3A_190 = tpu.memref_slice %arg5[%dma_wait3A_188, %dma_wait3A_189] : memref<819200x32xf32, #tpu.memory_space<hbm>> -> memref<1600x32xf32, #tpu.memory_space<hbm>>
    tpu.wait_dma2 semaphore(%arg16 : memref<!tpu.dma_semaphore, #tpu.memory_space<semaphore_mem>>) src(%arg9 : memref<1600x32xf32, #tpu.memory_space<vmem>>) dst(%dma_wait3A_190 : memref<1600x32xf32, #tpu.memory_space<hbm>>)
    return
  }
}

</mosaic_0001>

<sc_bundles>
// kernel: kernel.3.cloned.1.call-start
scs
__scs_entry_jumppad:
0x0: {  	(pc) =	sbr.rel $0x88, $3  }
0x1: {  	(tag) =	ssettag $0x0;
	lr =	simm.s32 $0x1  }
0x2: {  	[smem:$0x3F9E] =	sst lr;
	_ =	strace $0xD0000000  }
0x3: {  	_ = 	snop  }
0x4: {  	_ = 	snop  }
0x5: {  	_ = 	snop  }
0x6: {  	_ = 	snop  }
0x7: {  	_ = 	snop  }
__scs_overlays_trampoline_lowered:
0x8: {  	[smem:$0x3FAD] =	sst s0  }
0x9: {  	[smem:$0x3FAE] =	sst s1  }
0xa: {  	[smem:$0x3FAF] =	sst s2  }
0xb: {  	[smem:$0x3FB0] =	sst s3  }
0xc: {  	[smem:$0x3FB1] =	sst s4  }
0xd: {  	[smem:$0x3FB2] =	sst s5  }
0xe: {  	[smem:$0x3FB3] =	sst s6  }
0xf: {  	[smem:$0x3FB4] =	sst s7  }
0x10: {  	[smem:$0x3FB5] =	sst s8  }
0x11: {  	[smem:$0x3FB6] =	sst s9;
	s0 =	simm.s32 @!p0 $0x0  }
0x12: {  	s1 =	sld [smem:$0x3F9C];
	s0 =	simm.s32 @p0 $0x1  }
0x13: {  	[smem:$0x3FB7] =	sst s0;
	s0 =	simm.s32 @!p1 $0x0  }
0x14: {  	s2 =	sld [smem:$0x3F9B];
	s0 =	simm.s32 @p1 $0x1  }
0x15: {  	[smem:$0x3FB8] =	sst s0;
	s0 =	simm.s32 @!p2 $0x0  }
0x16: {  	s3 =	sld [smem:$0x3FDB];
	s0 =	simm.s32 @p2 $0x1  }
0x17: {  	s4 =	simm.s32 $0x1BF5;
	[smem:$0x3FBA] =	sst s0  }
0x18: {  	s0 =	sld [smem:$0x3F9D];
	_ =	swait.ge [sflag:s4], $0x0  }
0x19: {  	s7 =	sld [smem:$0x3F9E]  }
0x1a: {  	s8 =	sadd.s32 $0xFFFFE003, lr  }
0x1b: {  	s9 =	sadd.s32 $0xFFFFFEF7, lr;
	s5 =	simm.s32 $0xFFFFFFFF;
	p2 =	slt.u32 s8, $0xFFFFF086  }
0x1c: {  	p1 =	slt.u32 s9, $0xF7A;
	s5 =	simm.s32 @!p2 $0x0  }
0x1d: {  	s5 =	simm.s32 @p1 $0x1;
	p0 =	seq.s32 s7, s2  }
0x1e: {  	s7 =	smul.u32 @!p0 $0xF7A, s2;
	p2 =	seq.s32 @!p0 s5, $0x0  }
0x1f: {  	s9 =	smul.u32 $0xF7A, s1;
	s8 =	simm.s32 @!p0 $0x1BF5;
	p2 =	por !p2, p0  }
0x20: {  	[sflag:s8] =	ssyncset.s32 @!p0 $0xFFFFF086;
	s6 =	sadd.s32 @!p0 s3, s7;
	s7 =	simm.s32 @!p0 $0x108  }
0x21: {  	s3 =	sadd.s32 s3, s9;
	s6 =	sadd.s32 @!p0 $0x88, s6;
	s7 =	simm.s32 @p2 $0x1082  }
0x22: {  	[simem:s7], [sflag:s8] =	dma.local @!p0 [hbm:s6], $0xF7A  }
0x23: {  	s9 =	sor.u32 $0xD0000000, s2;
	s6 =	simm.s32 $0x108;
	_ =	swait.ge @!p0 [sflag:s8], $0x0  }
0x24: {  	s3 =	sadd.s32 $0x88, s3;
	s6 =	simm.s32 @!p1 $0x1082;
	[sflag:s4] =	ssyncset.s32 $0xFFFFF086  }
0x25: {  	[simem:s6], [sflag:s4] =	dma.local [hbm:s3], $0xF7A  }
0x26: {  	[smem:$0x3F9E] =	sst s1;
	(tag) =	ssettag s2;
	_ =	strace s9  }
0x27: {  	s1 =	sld [smem:$0x3FAE]  }
0x28: {  	s2 =	sld [smem:$0x3FAF]  }
0x29: {  	s4 =	sld [smem:$0x3FB1]  }
0x2a: {  	p0 =	seq.s32 s5, $0x0;
	s5 =	sld [smem:$0x3FB2]  }
0x2b: {  	s6 =	sld [smem:$0x3FB3]  }
0x2c: {  	s7 =	sld [smem:$0x3FB4]  }
0x2d: {  	s3 =	simm.s32 $0x108;
	s8 =	sld [smem:$0x3FB5]  }
0x2e: {  	s3 =	simm.s32 @!p0 $0x1082;
	s9 =	sld [smem:$0x3FB6]  }
0x2f: {  	lr =	sadd.s32 s0, s3;
	s0 =	sld [smem:$0x3FAD]  }
0x30: {  	s3 =	sld [smem:$0x3FB0]  }
0x31: {  	[smem:$0x3FB9] =	sst s10  }
0x32: {  	s10 =	sld [smem:$0x3FB7];
	_ =	sdelay $0x3  }
0x33: {  	p0 =	seq.s32 s10, $0x1;
	s10 =	sld [smem:$0x3FB9];
	_ =	sdelay $0x3  }
0x34: {  	[smem:$0x3FB9] =	sst s10  }
0x35: {  	s10 =	sld [smem:$0x3FB8];
	_ =	sdelay $0x3  }
0x36: {  	p1 =	seq.s32 s10, $0x1;
	s10 =	sld [smem:$0x3FB9];
	_ =	sdelay $0x3  }
0x37: {  	[smem:$0x3FB9] =	sst s10  }
0x38: {  	s10 =	sld [smem:$0x3FBA]  }
0x39: {  	_ = 	snop;
	(pc) =	sbr.ind lr, $3  }
0x3a: {  	_ = 	snop  }
0x3b: {  	_ = 	snop  }
0x3c: {  	p2 =	seq.s32 s10, $0x1;
	s10 =	sld [smem:$0x3FB9]  }
0x3d: {  	_ =	shalt  }
0x3e: {  	_ =	shalt  }
0x3f: {  	_ =	shalt  }
0x40: {  	_ =	shalt  }
0x41: {  	_ =	shalt  }
0x42: {  	_ =	shalt  }
0x43: {  	_ =	shalt  }
0x44: {  	_ =	shalt  }
0x45: {  	_ =	shalt  }
0x46: {  	_ =	shalt  }
0x47: {  	_ =	shalt  }
0x48: {  	_ =	shalt  }
0x49: {  	_ =	shalt  }
0x4a: {  	_ =	shalt  }
0x4b: {  	_ =	shalt  }
0x4c: {  	_ =	shalt  }
0x4d: {  	_ =	shalt  }
0x4e: {  	_ =	shalt  }
0x4f: {  	_ =	shalt  }
0x50: {  	_ =	shalt  }
0x51: {  	_ =	shalt  }
0x52: {  	_ =	shalt  }
0x53: {  	_ =	shalt  }
0x54: {  	_ =	shalt  }
0x55: {  	_ =	shalt  }
0x56: {  	_ =	shalt  }
0x57: {  	_ =	shalt  }
0x58: {  	_ =	shalt  }
0x59: {  	_ =	shalt  }
0x5a: {  	_ =	shalt  }
0x5b: {  	_ =	shalt  }
0x5c: {  	_ =	shalt  }
0x5d: {  	_ =	shalt  }
0x5e: {  	_ =	shalt  }
0x5f: {  	_ =	shalt  }
0x60: {  	_ =	shalt  }
0x61: {  	_ =	shalt  }
0x62: {  	_ =	shalt  }
0x63: {  	_ =	shalt  }
0x64: {  	_ =	shalt  }
0x65: {  	_ =	shalt  }
0x66: {  	_ =	shalt  }
0x67: {  	_ =	shalt  }
0x68: {  	_ =	shalt  }
0x69: {  	_ =	shalt  }
0x6a: {  	_ =	shalt  }
0x6b: {  	_ =	shalt  }
0x6c: {  	_ =	shalt  }
0x6d: {  	_ =	shalt  }
0x6e: {  	_ =	shalt  }
0x6f: {  	_ =	shalt  }
0x70: {  	_ =	shalt  }
0x71: {  	_ =	shalt  }
0x72: {  	_ =	shalt  }
0x73: {  	_ =	shalt  }
0x74: {  	_ =	shalt  }
0x75: {  	_ =	shalt  }
0x76: {  	_ =	shalt  }
0x77: {  	_ =	shalt  }
0x78: {  	_ =	shalt  }
0x79: {  	_ =	shalt  }
0x7a: {  	_ =	shalt  }
0x7b: {  	_ =	shalt  }
0x7c: {  	_ =	shalt  }
0x7d: {  	_ =	shalt  }
0x7e: {  	_ =	shalt  }
0x7f: {  	_ =	shalt  }
0x80: {  	_ =	shalt  }
0x81: {  	_ =	shalt  }
0x82: {  	_ =	shalt  }
0x83: {  	_ =	shalt  }
0x84: {  	_ =	shalt  }
0x85: {  	_ =	shalt  }
0x86: {  	_ =	shalt  }
0x87: {  	_ =	shalt  }
.Lfunc_end0:
.L_simem_size_0:
called_computation.1_lowered:
.L_overlay_start_0:
0x88: {  	s2 =	sld [smem:$0x3FD9]  }
0x89: {  	s3 =	sld [smem:$0x3FFE];
	_ =	sdelay $0x1  }
0x8a: {  	s1 =	srdreg.scid  }
0x8b: {  	s0 =	sand.u32 $0x1, s1  }
0x8c: {  	s17 =	sshll.u32 s0, $0xA;
	s2 =	sadd.s32 s3, s2  }
0x8d: {  	s2 =	sadd.s32 s2, s17  }
0x8e: {  	[smem:$0x3FC5] =	sst s2  }
0x8f: {  	_ = 	snop  }
0x90: {  	s2 =	sld [smem:$0x3FD0];
	(tm) =	ssettm $0x1  }
0x91: {  	s18 =	sld [smem:$0x3FFB];
	_ =	sdelay $0x3  }
0x92: {  	_ =	strace s18  }
0x93: {  	s3 =	sld [smem:$0x3FFC];
	_ =	sdelay $0x3  }
0x94: {  	_ =	strace s3  }
0x95: {  	s3 =	sld [smem:$0x3FFD];
	_ =	sdelay $0x3  }
0x96: {  	_ =	strace s3  }
0x97: {  	_ =	strace $0x8FFFFFFF  }
0x98: {  	s19 =	sld [smem:$0x3FDB];
	_ =	sdelay $0x1  }
0x99: {  	s4 =	simm.s32 $_scs_section_size  }
0x9a: {  	s5 =	simm.s32 $_size__tile_overlayer_lowered;
	s6 =	simm.s32 $_tile_overlayer_lowered  }
0x9b: {  	s22 =	simm.s32 $0x1BFF;
	s21 =	sshll.u32 s6, $0x1;
	s3 =	sadd.s32 s4, s19  }
0x9c: {  	s7 =	simm.s32 $0x0;
	s20 =	sshll.u32 s5, $0x1;
	s5 =	sadd.s32 s21, s3  }
0x9d: {  	[timem:s7], [sflag:s22] =	dma.local [hbm:s5], s20  }
0x9e: {  	_ =	swait.ge [sflag:s22], s20  }
0x9f: {  	s4 =	ssub.s32 $0x0, s20;
	[sflag:s22] =	ssyncset.done $0x0  }
0xa0: {  	[sflag:s22] =	ssyncadd.s32 s4;
	_ =	sdelay $0x1  }
0xa1: {  	s23 =	simm.s32 $0x1B8B  }
0xa2: {  	_ =	swait.ge [sflag:s23], $0x1  }
0xa3: {  	[sflag:s23] =	ssyncset.done $0x0  }
0xa4: {  	s25 =	simm.s32 $0x1B8E;
	s24 =	sld [smem:$0x3FFE];
	[sflag:s23] =	ssyncadd.s32 $0xFFFFFFFF  }
0xa5: {  	s26 =	simm.s32 $execute0_lowered;
	[smem:$0x3FD2] =	sst s25  }
0xa6: {  	s5 =	sshll.u32 s26, $0x1;
	_ =	strace $0x80000046;
	[dreg:$0x1] =	wrdreg $0xFFFFFFFF  }
0xa7: {  	s28 =	simm.s32 $_size_execute0_lowered;
	s3 =	sadd.s32 s3, s5;
	[dreg:$0x0] =	wrdreg $0x0  }
0xa8: {  	s5 =	sshll.u32 s28, $0x1;
	[dreg:$0x2] =	wrdreg s3  }
0xa9: {  	[dreg:$0x3] =	wrdreg s5  }
0xaa: {  	[dreg:$0x4] =	wrdreg $0xC0  }
0xab: {  	_ =	task [dreg:s7], $0x5FFFF  }
0xac: {  	[dreg:$0x1] =	wrdreg $0xFFFFFFFF  }
0xad: {  	[dreg:$0x0] =	wrdreg $0x60  }
0xae: {  	[dreg:$0x2] =	wrdreg s24  }
0xaf: {  	[dreg:$0x3] =	wrdreg s2  }
0xb0: {  	[dreg:$0x4] =	wrdreg $0x9  }
0xb1: {  	_ =	task.clear_ibuf [dreg:s7], $0x5FFFF;
	_ =	strace $0x90000046  }
0xb2: {  	s29 =	simm.s32 $0x9;
	_ =	strace $0x80000048  }
0xb3: {  	_ =	swait.ge [sflag:s29], $0x1  }
0xb4: {  	[sflag:s29] =	ssyncadd.s32 $0xFFFFFFFF  }
0xb5: {  	_ =	strace $0x90000048  }
0xb6: {  	_ =	sfence  }
0xb7: {  	s30 =	sld [smem:$0x0];
	_ =	sdelay $0x2  }
0xb8: {  	s31 =	sshll.u32 s1, $0xD;
	s1 =	sshrl.u32 s1, $0x2  }
0xb9: {  	s3 =	sand.u32 $0x4000, s31;
	s1 =	sadd.s32 s1, s30  }
0xba: {  	s0 =	sor.u32 s3, s0;
	s1 =	sshll.u32 s1, $0x11  }
0xbb: {  	s0 =	sor.u32 s1, s0  }
0xbc: {  	s0 =	sadd.s32 $0x8F2B, s0  }
0xbd: {  	[sflag:s0] =	ssyncadd.remote.s32 $0x1  }
0xbe: {  	_ =	sfence.sel $0xFFFF  }
0xbf: {  	[dreg:$0x0] =	wrdreg $0xFFFFFFFF;
	(pc) =	sbr.abs _section_cstart, $3  }
0xc0: {  	[dreg:$0x1] =	wrdreg $0xFFFFFFFF  }
0xc1: {  	_ =	task.clear_ibuf [dreg:s7], $0x2FFFF;
	_ =	strace $0x9FFFFFFF  }
0xc2: {  	(tm) =	ssettm $0x7FFFFFFF  }
0xc3: {  	_ =	shalt  }
tec
execute0_lowered:
.L_overlay_start_1:
0x0: {  	(tag) =	ssettag $0x1  }
0x1: {  	s0 =	srdreg.scid  }
0x2: {  	s1 =	rddreg [dreg:$0x0];
	s3 =	stileid.u32  }
0x3: {  	s2 =	rddreg [dreg:$0x1];
	s16 =	simm.s32 $0x64;
	s17 =	simm.s32 $0xD00  }
0x4: {  	s13 =	simm.s32 $0x3;
	s18 =	simm.s32 $0x2;
	s19 =	simm.s32 $0xD500  }
0x5: {  	s22 =	simm.s32 $0xAF8;
	s23 =	simm.s32 $0x15E80;
	s24 =	simm.s32 $0xB60  }
0x6: {  	s25 =	simm.s32 $0x16B00;
	s28 =	simm.s32 $0x17780;
	s29 =	simm.s32 $0xC30  }
0x7: {  	s30 =	simm.s32 $0x18400;
	s31 =	simm.s32 $0xC98;
	s12 =	simm.s32 $0x0  }
0x8: {  	s0 =	sand.u32 $0x1, s0;
	s5 =	sshll.u32 s3, $0x8;
	s3 =	simm.s32 $0x0  }
0x9: {  	s6 =	sadd.s32 $0xF43000, s1;
	s4 =	sshll.u32 s0, $0xC;
	[smem:$0x7FF] =	sst s3  }
0xa: {  	s0 =	ssub.s32 $0x2, s0;
	s4 =	sor.u32 s5, s4;
	_ =	strace $0x80000047  }
0xb: {  	s5 =	sadd.s32 $0xC00, s1;
	s8 =	sshrl.u32 s0, $0x1;
	s1 =	sadd.s32 $0x1AC00, s1  }
0xc: {  	s7 =	smul.u32 $0xD, s4;
	[dreg:$0x4] =	wrdreg s1;
	s0 =	ssub.s32 s0, s8  }
0xd: {  	s10 =	sor.u32 $0x20, s4;
	s11 =	sor.u32 $0x30, s4;
	s0 =	smax.u32 s0, $0x1  }
0xe: {  	s1 =	simm.s32 $0x19080;
	s7 =	sadd.s32 s5, s7;
	[dreg:$0x6] =	wrdreg s0  }
0xf: {  	s8 =	simm.s32 $0x4;
	[dreg:$0x3] =	wrdreg s7;
	s26 =	sadd.s32 $0xD0, s7  }
0x10: {  	s0 =	simm.s32 $0x680;
	[dreg:$0x5] =	wrdreg s26;
	s26 =	simm.s32 $0xBC8  }
.LBB2_1:
0x11: {  	[dreg:$0x7] =	wrdreg s12  }
0x12: {  	s7 =	rddreg [dreg:$0x4];
	s9 =	simm.s32 $0x19D00;
	s12 =	simm.s32 $0x7  }
0x13: {  	[tilespmem:s9], [sflag:$0x7] =	stream.linear.gather [hbm4b:s7+s3], $0x1900, $0x38;
	[tilespmem:$0x1B600] =	vst v63  }
0x14: {  	_ =	swait.ge [sflag:s12], $0x1900  }
0x15: {  	[sflag:s12] =	ssyncset.done $0x0  }
0x16: {  	s15 =	simm.s32 $0x1;
	s14 =	rddreg [dreg:$0x3];
	[sflag:s12] =	ssyncadd.s32 $0xFFFFE700  }
0x17: {  	[tilespmem:s3], [sflag:$0x1] =	stream.linear.gather [hbm4b:s14+s3], $0x680, $0x38;
	[tilespmem:$0x1B600] =	vst v63  }
0x18: {  	_ =	swait.ge [sflag:s15], $0x680  }
0x19: {  	[sflag:s15] =	ssyncset.done $0x0  }
0x1a: {  	[sflag:s15] =	ssyncadd.s32 $0xFFFFF980  }
0x1b: {  	[tilespmem:s17], [sflag:$0x3] =	stream.indirect.gather [hbm4b:s6+s16], $0x20, s3, s16, $0xb8;
	[tilespmem:$0x1B600] =	vst v63  }
0x1c: {  	s20 =	simm.s32 $0x68;
	s21 =	simm.s32 $0x1980  }
0x1d: {  	[tilespmem:s21], [sflag:$0x3] =	stream.indirect.gather [hbm4b:s6+s16], $0x20, s20, s16, $0xb8;
	[tilespmem:$0x1B600] =	vst v63  }
0x1e: {  	s9 =	simm.s32 $0xD0;
	s12 =	simm.s32 $0x2600  }
0x1f: {  	[tilespmem:s12], [sflag:$0x3] =	stream.indirect.gather [hbm4b:s6+s16], $0x20, s9, s16, $0xb8;
	[tilespmem:$0x1B600] =	vst v63  }
0x20: {  	s14 =	simm.s32 $0x138;
	s15 =	simm.s32 $0x3280  }
0x21: {  	[tilespmem:s15], [sflag:$0x3] =	stream.indirect.gather [hbm4b:s6+s16], $0x20, s14, s16, $0xb8;
	[tilespmem:$0x1B600] =	vst v63  }
0x22: {  	s20 =	simm.s32 $0x1A0;
	s21 =	simm.s32 $0x3F00  }
0x23: {  	[tilespmem:s21], [sflag:$0x3] =	stream.indirect.gather [hbm4b:s6+s16], $0x20, s20, s16, $0xb8;
	[tilespmem:$0x1B600] =	vst v63  }
0x24: {  	s9 =	simm.s32 $0x208;
	s12 =	simm.s32 $0x4B80  }
0x25: {  	[tilespmem:s12], [sflag:$0x3] =	stream.indirect.gather [hbm4b:s6+s16], $0x20, s9, s16, $0xb8;
	[tilespmem:$0x1B600] =	vst v63  }
0x26: {  	s14 =	simm.s32 $0x270;
	s15 =	simm.s32 $0x5800  }
0x27: {  	[tilespmem:s15], [sflag:$0x3] =	stream.indirect.gather [hbm4b:s6+s16], $0x20, s14, s16, $0xb8;
	[tilespmem:$0x1B600] =	vst v63  }
0x28: {  	s20 =	simm.s32 $0x2D8;
	s21 =	simm.s32 $0x6480  }
0x29: {  	[tilespmem:s21], [sflag:$0x3] =	stream.indirect.gather [hbm4b:s6+s16], $0x20, s20, s16, $0xb8;
	[tilespmem:$0x1B600] =	vst v63  }
0x2a: {  	s9 =	simm.s32 $0x340;
	s12 =	simm.s32 $0x7100  }
0x2b: {  	[tilespmem:s12], [sflag:$0x3] =	stream.indirect.gather [hbm4b:s6+s16], $0x20, s9, s16, $0xb8;
	[tilespmem:$0x1B600] =	vst v63  }
0x2c: {  	s14 =	simm.s32 $0x3A8;
	s15 =	simm.s32 $0x7D80  }
0x2d: {  	[tilespmem:s15], [sflag:$0x3] =	stream.indirect.gather [hbm4b:s6+s16], $0x20, s14, s16, $0xb8;
	[tilespmem:$0x1B600] =	vst v63  }
0x2e: {  	s20 =	simm.s32 $0x410;
	s21 =	simm.s32 $0x8A00  }
0x2f: {  	[tilespmem:s21], [sflag:$0x3] =	stream.indirect.gather [hbm4b:s6+s16], $0x20, s20, s16, $0xb8;
	[tilespmem:$0x1B600] =	vst v63  }
0x30: {  	s9 =	simm.s32 $0x478;
	s12 =	simm.s32 $0x9680  }
0x31: {  	[tilespmem:s12], [sflag:$0x3] =	stream.indirect.gather [hbm4b:s6+s16], $0x20, s9, s16, $0xb8;
	[tilespmem:$0x1B600] =	vst v63  }
0x32: {  	s14 =	simm.s32 $0x4E0;
	s15 =	simm.s32 $0xA300  }
0x33: {  	[tilespmem:s15], [sflag:$0x3] =	stream.indirect.gather [hbm4b:s6+s16], $0x20, s14, s16, $0xb8;
	[tilespmem:$0x1B600] =	vst v63  }
0x34: {  	s20 =	simm.s32 $0x548;
	s21 =	simm.s32 $0xAF80  }
0x35: {  	[tilespmem:s21], [sflag:$0x3] =	stream.indirect.gather [hbm4b:s6+s16], $0x20, s20, s16, $0xb8;
	[tilespmem:$0x1B600] =	vst v63  }
0x36: {  	s12 =	simm.s32 $0x5B0;
	s14 =	simm.s32 $0xBC00  }
0x37: {  	[tilespmem:s14], [sflag:$0x3] =	stream.indirect.gather [hbm4b:s6+s16], $0x20, s12, s16, $0xb8;
	[tilespmem:$0x1B600] =	vst v63  }
0x38: {  	s15 =	simm.s32 $0x618;
	s20 =	simm.s32 $0xC880  }
0x39: {  	[tilespmem:s20], [sflag:$0x3] =	stream.indirect.gather [hbm4b:s6+s16], $0x20, s15, s16, $0xb8;
	[tilespmem:$0x1B600] =	vst v63  }
0x3a: {  	s9 =	simm.s32 $0x0;
	s21 =	rddreg [dreg:$0x5]  }
0x3b: {  	[tilespmem:s0], [sflag:$0x2] =	stream.linear.gather [hbm4b:s21+s3], $0x680, $0x38;
	[tilespmem:$0x1B600] =	vst v63  }
.LBB2_2:
0x3c: {  	_ =	swait.ge [sflag:s13], $0xC800  }
0x3d: {  	[sflag:s13] =	ssyncset.done $0x0  }
0x3e: {  	[sflag:s13] =	ssyncadd.s32 $0xFFFF3800  }
0x3f: {  	_ =	swait.ge [sflag:s18], $0x680  }
0x40: {  	p0 =	seq.s32 s9, $0x0;
	[sflag:s18] =	ssyncset.done $0x0  }
0x41: {  	s7 =	simm.s32 @!p0 $0x6;
	[sflag:s18] =	ssyncadd.s32 $0xFFFFF980  }
0x42: {  	_ =	swait.ge @!p0 [sflag:s7], $0xC800  }
0x43: {  	[sflag:s7] =	ssyncset.done @!p0 $0x0  }
0x44: {  	[sflag:s7] =	ssyncadd.s32 @!p0 $0xFFFF3800  }
0x45: {  	[tilespmem:s19], [sflag:$0x4] =	stream.indirect.gather [hbm4b:s6+s16], $0x20, s0, s16, $0xb8;
	[tilespmem:$0x1B600] =	vst v63  }
0x46: {  	s15 =	simm.s32 $0x6E8;
	s12 =	simm.s32 $0xE180  }
0x47: {  	[tilespmem:s12], [sflag:$0x4] =	stream.indirect.gather [hbm4b:s6+s16], $0x20, s15, s16, $0xb8;
	[tilespmem:$0x1B600] =	vst v63  }
0x48: {  	s20 =	simm.s32 $0x750;
	s21 =	simm.s32 $0xEE00  }
0x49: {  	[tilespmem:s21], [sflag:$0x4] =	stream.indirect.gather [hbm4b:s6+s16], $0x20, s20, s16, $0xb8;
	[tilespmem:$0x1B600] =	vst v63  }
0x4a: {  	s14 =	simm.s32 $0x7B8;
	s15 =	simm.s32 $0xFA80  }
0x4b: {  	[tilespmem:s15], [sflag:$0x4] =	stream.indirect.gather [hbm4b:s6+s16], $0x20, s14, s16, $0xb8;
	[tilespmem:$0x1B600] =	vst v63  }
0x4c: {  	s20 =	simm.s32 $0x820;
	s21 =	simm.s32 $0x10700  }
0x4d: {  	[tilespmem:s21], [sflag:$0x4] =	stream.indirect.gather [hbm4b:s6+s16], $0x20, s20, s16, $0xb8;
	[tilespmem:$0x1B600] =	vst v63  }
0x4e: {  	s14 =	simm.s32 $0x888;
	s15 =	simm.s32 $0x11380  }
0x4f: {  	[tilespmem:s15], [sflag:$0x4] =	stream.indirect.gather [hbm4b:s6+s16], $0x20, s14, s16, $0xb8;
	[tilespmem:$0x1B600] =	vst v63  }
0x50: {  	s20 =	simm.s32 $0x8F0;
	s21 =	simm.s32 $0x12000  }
0x51: {  	[tilespmem:s21], [sflag:$0x4] =	stream.indirect.gather [hbm4b:s6+s16], $0x20, s20, s16, $0xb8;
	[tilespmem:$0x1B600] =	vst v63  }
0x52: {  	s14 =	simm.s32 $0x958;
	s15 =	simm.s32 $0x12C80  }
0x53: {  	[tilespmem:s15], [sflag:$0x4] =	stream.indirect.gather [hbm4b:s6+s16], $0x20, s14, s16, $0xb8;
	[tilespmem:$0x1B600] =	vst v63  }
0x54: {  	s20 =	simm.s32 $0x9C0;
	s21 =	simm.s32 $0x13900  }
0x55: {  	[tilespmem:s21], [sflag:$0x4] =	stream.indirect.gather [hbm4b:s6+s16], $0x20, s20, s16, $0xb8;
	[tilespmem:$0x1B600] =	vst v63  }
0x56: {  	s14 =	simm.s32 $0xA28;
	s15 =	simm.s32 $0x14580  }
0x57: {  	[tilespmem:s15], [sflag:$0x4] =	stream.indirect.gather [hbm4b:s6+s16], $0x20, s14, s16, $0xb8;
	[tilespmem:$0x1B600] =	vst v63  }
0x58: {  	s20 =	simm.s32 $0xA90;
	s21 =	simm.s32 $0x15200  }
0x59: {  	[tilespmem:s21], [sflag:$0x4] =	stream.indirect.gather [hbm4b:s6+s16], $0x20, s20, s16, $0xb8;
	[tilespmem:$0x1B600] =	vst v63  }
0x5a: {  	_ = 	snop  }
0x5b: {  	[tilespmem:s23], [sflag:$0x4] =	stream.indirect.gather [hbm4b:s6+s16], $0x20, s22, s16, $0xb8;
	[tilespmem:$0x1B600] =	vst v63  }
0x5c: {  	_ = 	snop  }
0x5d: {  	[tilespmem:s25], [sflag:$0x4] =	stream.indirect.gather [hbm4b:s6+s16], $0x20, s24, s16, $0xb8;
	[tilespmem:$0x1B600] =	vst v63  }
0x5e: {  	p0 =	seq.s32 s9, $0x7;
	s12 =	sshll.u32 s9, $0x5  }
0x5f: {  	[tilespmem:s28], [sflag:$0x4] =	stream.indirect.gather [hbm4b:s6+s16], $0x20, s26, s16, $0xb8;
	[tilespmem:$0x1B600] =	vst v63  }
0x60: {  	s7 =	sadd.s32 @!p0 s12, s10  }
0x61: {  	[tilespmem:s30], [sflag:$0x4] =	stream.indirect.gather [hbm4b:s6+s16], $0x20, s29, s16, $0xb8;
	[tilespmem:$0x1B600] =	vst v63  }
0x62: {  	s7 =	smul.u32 @!p0 $0xD, s7  }
0x63: {  	[tilespmem:s1], [sflag:$0x4] =	stream.indirect.gather [hbm4b:s6+s16], $0x20, s31, s16, $0xb8;
	[tilespmem:$0x1B600] =	vst v63  }
0x64: {  	s7 =	sadd.s32 @!p0 s5, s7;
	s14 =	simm.s32 @!p0 $0x0  }
0x65: {  	[tilespmem:s14], [sflag:$0x1] =	stream.linear.gather @!p0 [hbm4b:s7+s14], $0x680, $0x38;
	[tilespmem:$0x1B600] =	vst v63  }
0x66: {  	s7 =	simm.s32 $0x0  }
0x67: {  	v0 =	vld [tilespmem:s7+$0x19DE0]  }
0x68: {  	v1 =	vld [tilespmem:s7+$0xBCE0]  }
0x69: {  	v2 =	vld [tilespmem:s7+$0x19D00]  }
0x6a: {  	v3 =	vld [tilespmem:s7+$0xD00]  }
0x6b: {  	v4 =	vld [tilespmem:s7+$0x2600]  }
0x6c: {  	v5 =	vld [tilespmem:s7+$0x3F00]  }
0x6d: {  	v6 =	vld [tilespmem:s7+$0x5800]  }
0x6e: {  	v7 =	vld [tilespmem:s7+$0x7100]  }
0x6f: {  	v10 =	vld [tilespmem:s7+$0x19D20]  }
0x70: {  	v11 =	vld [tilespmem:s7+$0xD20]  }
0x71: {  	v8 =	vld [tilespmem:s7+$0x8A00]  }
0x72: {  	v9 =	vld [tilespmem:s7+$0xA300]  }
0x73: {  	v12 =	vld [tilespmem:s7+$0x2620]  }
0x74: {  	v13 =	vld [tilespmem:s7+$0x3F20];
	v3 =	vadd.f32 v3, v2  }
0x75: {  	v14 =	vld [tilespmem:s7+$0x5820];
	v11 =	vadd.f32 v11, v10  }
0x76: {  	v15 =	vld [tilespmem:s7+$0x7120];
	v1 =	vadd.f32 v1, v0;
	[tilespmem:s7+$0xD00] =	vst v3  }
0x77: {  	v16 =	vld [tilespmem:s7+$0x8A20];
	v4 =	vadd.f32 v4, v2;
	[tilespmem:s7+$0xD20] =	vst v11  }
0x78: {  	v17 =	vld [tilespmem:s7+$0xBC00];
	[tilespmem:s7+$0xBCE0] =	vst v1;
	v1 =	vadd.f32 v5, v2  }
0x79: {  	v44 =	vld [tilespmem:s7+$0xBC20];
	[tilespmem:s7+$0x2600] =	vst v4;
	v4 =	vadd.f32 v6, v2  }
0x7a: {  	v5 =	vld [tilespmem:s7+$0x19D40];
	[tilespmem:s7+$0x3F00] =	vst v1;
	v1 =	vadd.f32 v7, v2  }
0x7b: {  	v7 =	vld [tilespmem:s7+$0x2640];
	[tilespmem:s7+$0x5800] =	vst v4;
	v4 =	vadd.f32 v8, v2  }
0x7c: {  	v8 =	vld [tilespmem:s7+$0x3F40];
	[tilespmem:s7+$0x7100] =	vst v1;
	v1 =	vadd.f32 v9, v2  }
0x7d: {  	v45 =	vld [tilespmem:s7+$0x5840];
	[tilespmem:s7+$0x8A00] =	vst v4;
	v2 =	vadd.f32 v17, v2  }
0x7e: {  	v46 =	vld [tilespmem:s7+$0x8A40];
	[tilespmem:s7+$0xA300] =	vst v1;
	v1 =	vadd.f32 v12, v10  }
0x7f: {  	v47 =	vld [tilespmem:s7+$0xA340];
	[tilespmem:s7+$0xBC00] =	vst v2;
	v2 =	vadd.f32 v13, v10  }
0x80: {  	v4 =	vld [tilespmem:s7+$0x7140];
	v7 =	vadd.f32 v7, v5;
	[tilespmem:s7+$0x2620] =	vst v1  }
0x81: {  	v48 =	vld [tilespmem:s7+$0x19D60];
	v8 =	vadd.f32 v8, v5;
	[tilespmem:s7+$0x3F20] =	vst v2  }
0x82: {  	v3 =	vld [tilespmem:s7+$0xA320];
	v1 =	vadd.f32 v14, v10;
	[tilespmem:s7+$0x2640] =	vst v7  }
0x83: {  	v49 =	vld [tilespmem:s7+$0xD60];
	v2 =	vadd.f32 v15, v10;
	[tilespmem:s7+$0x3F40] =	vst v8  }
0x84: {  	v50 =	vld [tilespmem:s7+$0x2660];
	v7 =	vadd.f32 v45, v5;
	[tilespmem:s7+$0x5820] =	vst v1  }
0x85: {  	v51 =	vld [tilespmem:s7+$0x5860];
	v4 =	vadd.f32 v4, v5;
	[tilespmem:s7+$0x7120] =	vst v2  }
0x86: {  	v6 =	vld [tilespmem:s7+$0xD40];
	v1 =	vadd.f32 v16, v10;
	[tilespmem:s7+$0x5840] =	vst v7  }
0x87: {  	v52 =	vld [tilespmem:s7+$0x8A60];
	v2 =	vadd.f32 v3, v10;
	[tilespmem:s7+$0x7140] =	vst v4  }
0x88: {  	v53 =	vld [tilespmem:s7+$0xBC60];
	v7 =	vadd.f32 v46, v5;
	[tilespmem:s7+$0x8A20] =	vst v1  }
0x89: {  	v54 =	vld [tilespmem:s7+$0xD80];
	v4 =	vadd.f32 v47, v5;
	[tilespmem:s7+$0xA320] =	vst v2  }
0x8a: {  	v8 =	vld [tilespmem:s7+$0x19D80];
	v1 =	vadd.f32 v44, v10;
	[tilespmem:s7+$0x8A40] =	vst v7  }
0x8b: {  	v56 =	vld [tilespmem:s7+$0x8A80];
	v2 =	vadd.f32 v6, v5;
	[tilespmem:s7+$0xA340] =	vst v4  }
0x8c: {  	v6 =	vld [tilespmem:s7+$0x7160];
	[tilespmem:s7+$0xBC20] =	vst v1;
	v1 =	vadd.f32 v49, v48  }
0x8d: {  	v4 =	vadd.f32 v50, v48;
	[tilespmem:s7+$0xD40] =	vst v2;
	v2 =	vld [tilespmem:s7+$0xA360]  }
0x8e: {  	v10 =	vadd.f32 v51, v48;
	[tilespmem:s7+$0xD60] =	vst v1;
	v1 =	vld [tilespmem:s7+$0xBC40]  }
0x8f: {  	v55 =	vld [tilespmem:s7+$0x2680];
	[tilespmem:s7+$0x2660] =	vst v4;
	v4 =	vadd.f32 v54, v8  }
0x90: {  	v3 =	vld [tilespmem:s7+$0x3F60];
	[tilespmem:s7+$0x5860] =	vst v10;
	v12 =	vadd.f32 v56, v8  }
0x91: {  	v57 =	vld [tilespmem:s7+$0xBC80];
	[tilespmem:s7+$0xD80] =	vst v4;
	v4 =	vadd.f32 v6, v48  }
0x92: {  	v7 =	vld [tilespmem:s7+$0x5880];
	[tilespmem:s7+$0x8A80] =	vst v12;
	v2 =	vadd.f32 v2, v48  }
0x93: {  	v58 =	vld [tilespmem:s7+$0xDA0];
	[tilespmem:s7+$0x7160] =	vst v4;
	v1 =	vadd.f32 v1, v5  }
0x94: {  	v4 =	vld [tilespmem:s7+$0x19DA0];
	[tilespmem:s7+$0xA360] =	vst v2;
	v2 =	vadd.f32 v55, v8  }
0x95: {  	v5 =	vld [tilespmem:s7+$0x3F80];
	[tilespmem:s7+$0xBC40] =	vst v1;
	v1 =	vadd.f32 v3, v48  }
0x96: {  	v6 =	vadd.f32 v52, v48;
	v3 =	vld [tilespmem:s7+$0x7180];
	[tilespmem:s7+$0x2680] =	vst v2  }
0x97: {  	v2 =	vadd.f32 v7, v8;
	[tilespmem:s7+$0x3F60] =	vst v1;
	v1 =	vld [tilespmem:s7+$0xA380]  }
0x98: {  	v59 =	vld [tilespmem:s7+$0x26A0];
	[tilespmem:s7+$0x8A60] =	vst v6;
	v6 =	vadd.f32 v53, v48  }
0x99: {  	v60 =	vld [tilespmem:s7+$0x8AA0];
	[tilespmem:s7+$0x5880] =	vst v2;
	v2 =	vadd.f32 v58, v4  }
0x9a: {  	[tilespmem:s7+$0xBC60] =	vst v6;
	v6 =	vld [tilespmem:s7+$0x3FA0];
	v5 =	vadd.f32 v5, v8  }
0x9b: {  	v7 =	vld [tilespmem:s7+$0x58A0];
	[tilespmem:s7+$0xDA0] =	vst v2;
	v3 =	vadd.f32 v3, v8  }
0x9c: {  	[tilespmem:s7+$0x3F80] =	vst v5;
	v5 =	vld [tilespmem:s7+$0x71A0];
	v1 =	vadd.f32 v1, v8  }
0x9d: {  	v61 =	vld [tilespmem:s7+$0x19DC0];
	v2 =	vadd.f32 v57, v8;
	[tilespmem:s7+$0x7180] =	vst v3  }
0x9e: {  	v3 =	vld [tilespmem:s7+$0xA3A0];
	[tilespmem:s7+$0xA380] =	vst v1;
	v1 =	vadd.f32 v59, v4  }
0x9f: {  	[tilespmem:s7+$0xBC80] =	vst v2;
	v2 =	vadd.f32 v6, v4;
	v6 =	vld [tilespmem:s7+$0xDC0]  }
0xa0: {  	v8 =	vld [tilespmem:s7+$0xBCA0];
	[tilespmem:s7+$0x26A0] =	vst v1;
	v1 =	vadd.f32 v7, v4  }
0xa1: {  	[tilespmem:s7+$0x3FA0] =	vst v2;
	v2 =	vadd.f32 v5, v4;
	v7 =	vld [tilespmem:s7+$0x26C0]  }
0xa2: {  	v5 =	vld [tilespmem:s7+$0x3FC0];
	[tilespmem:s7+$0x58A0] =	vst v1;
	v1 =	vadd.f32 v60, v4  }
0xa3: {  	v62 =	vld [tilespmem:s7+$0x58C0];
	[tilespmem:s7+$0x71A0] =	vst v2;
	v2 =	vadd.f32 v3, v4  }
0xa4: {  	v3 =	vld [tilespmem:s7+$0x71C0];
	[tilespmem:s7+$0x8AA0] =	vst v1;
	v1 =	vadd.f32 v6, v61  }
0xa5: {  	v4 =	vadd.f32 v8, v4;
	[tilespmem:s7+$0xA3A0] =	vst v2;
	v2 =	vld [tilespmem:s7+$0xA3C0]  }
0xa6: {  	v6 =	vld [tilespmem:s7+$0x8AC0];
	[tilespmem:s7+$0xDC0] =	vst v1;
	v1 =	vadd.f32 v7, v61  }
0xa7: {  	[tilespmem:s7+$0xBCA0] =	vst v4;
	v4 =	vadd.f32 v5, v61;
	v5 =	vld [tilespmem:s7+$0xBCC0]  }
0xa8: {  	v8 =	vld [tilespmem:s7+$0xDE0];
	[tilespmem:s7+$0x26C0] =	vst v1;
	v1 =	vadd.f32 v62, v61  }
0xa9: {  	[tilespmem:s7+$0x3FC0] =	vst v4;
	v3 =	vadd.f32 v3, v61;
	v4 =	vld [tilespmem:s7+$0x26E0]  }
0xaa: {  	v63 =	vadd.f32 v2, v61;
	[tilespmem:s7+$0x58C0] =	vst v1;
	v1 =	vld [tilespmem:s7+$0x3FE0]  }
0xab: {  	[tilespmem:s7+$0x71C0] =	vst v3;
	v2 =	vld [tilespmem:s7+$0x58E0];
	v6 =	vadd.f32 v6, v61  }
0xac: {  	v3 =	vld [tilespmem:s7+$0x71E0];
	v7 =	vadd.f32 v5, v61;
	[tilespmem:s7+$0xA3C0] =	vst v63  }
0xad: {  	s15 =	simm.s32 $0x0;
	s20 =	simm.s32 $0x400;
	s14 =	simm.s32 $0x0;
	v5 =	vld [tilespmem:s7+$0x8AE0];
	[tilespmem:s7+$0x8AC0] =	vst v6;
	v6 =	vadd.f32 v8, v0  }
.LBB2_3:
0xae: {  	s21 =	sshra.s32 s20, $0x2;
	[tilespmem:s14+$0xBCC0] =	vst v7;
	v4 =	vadd.f32 v4, v0;
	v7 =	vld [tilespmem:s14+$0xA3E0]  }
0xaf: {  	s15 =	sadd.s32 $0x8, s15;
	v8 =	vld [tilespmem:s21+$0x19DE0];
	[tilespmem:s14+$0xDE0] =	vst v6;
	v1 =	vadd.f32 v1, v0  }
0xb0: {  	p1 =	slt.u32 s15, $0xC0;
	v6 =	vld [tilespmem:s21+$0xBCE0];
	[tilespmem:s14+$0x26E0] =	vst v4;
	v2 =	vadd.f32 v2, v0  }
0xb1: {  	v4 =	vld [tilespmem:s21+$0x19D00];
	[tilespmem:s14+$0x3FE0] =	vst v1;
	v1 =	vadd.f32 v3, v0  }
0xb2: {  	v3 =	vld [tilespmem:s21+$0xD00];
	[tilespmem:s14+$0x58E0] =	vst v2;
	v2 =	vadd.f32 v5, v0  }
0xb3: {  	v5 =	vld [tilespmem:s21+$0x2600];
	[tilespmem:s14+$0x71E0] =	vst v1;
	v1 =	vadd.f32 v7, v0  }
0xb4: {  	v7 =	vld [tilespmem:s21+$0x3F00];
	[tilespmem:s14+$0x8AE0] =	vst v2;
	v0 =	vmov v8  }
0xb5: {  	v2 =	vld [tilespmem:s21+$0x5800];
	v6 =	vadd.f32 v6, v0;
	[tilespmem:s14+$0xA3E0] =	vst v1;
	s14 =	smov.u32 s21  }
0xb6: {  	v1 =	vld [tilespmem:s14+$0x7100]  }
0xb7: {  	v3 =	vadd.f32 v3, v4;
	v8 =	vld [tilespmem:s14+$0x8A00];
	[tilespmem:s14+$0xBCE0] =	vst v6  }
0xb8: {  	v5 =	vadd.f32 v5, v4;
	v6 =	vld [tilespmem:s14+$0xA300]  }
0xb9: {  	[tilespmem:s14+$0xD00] =	vst v3;
	v3 =	vadd.f32 v7, v4;
	v7 =	vld [tilespmem:s14+$0xBC00]  }
0xba: {  	[tilespmem:s14+$0x2600] =	vst v5;
	v2 =	vadd.f32 v2, v4;
	v5 =	vld [tilespmem:s14+$0x19D20]  }
0xbb: {  	[tilespmem:s14+$0x3F00] =	vst v3;
	v1 =	vadd.f32 v1, v4;
	v3 =	vld [tilespmem:s14+$0xD20]  }
0xbc: {  	[tilespmem:s14+$0x5800] =	vst v2;
	v2 =	vadd.f32 v8, v4;
	v8 =	vld [tilespmem:s14+$0x2620]  }
0xbd: {  	[tilespmem:s14+$0x7100] =	vst v1;
	v1 =	vadd.f32 v6, v4;
	v6 =	vld [tilespmem:s14+$0x3F20]  }
0xbe: {  	[tilespmem:s14+$0x8A00] =	vst v2;
	v2 =	vadd.f32 v7, v4;
	v4 =	vld [tilespmem:s14+$0x5820]  }
0xbf: {  	[tilespmem:s14+$0xA300] =	vst v1;
	v1 =	vld [tilespmem:s14+$0x7120]  }
0xc0: {  	[tilespmem:s14+$0xBC00] =	vst v2;
	v2 =	vadd.f32 v3, v5;
	v3 =	vld [tilespmem:s14+$0x8A20]  }
0xc1: {  	v7 =	vadd.f32 v8, v5;
	v8 =	vld [tilespmem:s14+$0xA320]  }
0xc2: {  	[tilespmem:s14+$0xD20] =	vst v2;
	v2 =	vadd.f32 v6, v5;
	v6 =	vld [tilespmem:s14+$0xBC20]  }
0xc3: {  	[tilespmem:s14+$0x2620] =	vst v7;
	v4 =	vadd.f32 v4, v5;
	v7 =	vld [tilespmem:s14+$0x19D40]  }
0xc4: {  	[tilespmem:s14+$0x3F20] =	vst v2;
	v1 =	vadd.f32 v1, v5;
	v2 =	vld [tilespmem:s14+$0xD40]  }
0xc5: {  	[tilespmem:s14+$0x5820] =	vst v4;
	v3 =	vadd.f32 v3, v5;
	v4 =	vld [tilespmem:s14+$0x2640]  }
0xc6: {  	[tilespmem:s14+$0x7120] =	vst v1;
	v1 =	vadd.f32 v8, v5;
	v8 =	vld [tilespmem:s14+$0x3F40]  }
0xc7: {  	[tilespmem:s14+$0x8A20] =	vst v3;
	v3 =	vadd.f32 v6, v5;
	v5 =	vld [tilespmem:s14+$0x5840]  }
0xc8: {  	[tilespmem:s14+$0xA320] =	vst v1;
	v1 =	vld [tilespmem:s14+$0x7140]  }
0xc9: {  	[tilespmem:s14+$0xBC20] =	vst v3;
	v2 =	vadd.f32 v2, v7;
	v3 =	vld [tilespmem:s14+$0x8A40]  }
0xca: {  	v4 =	vadd.f32 v4, v7;
	v6 =	vld [tilespmem:s14+$0xA340]  }
0xcb: {  	[tilespmem:s14+$0xD40] =	vst v2;
	v2 =	vadd.f32 v8, v7;
	v8 =	vld [tilespmem:s14+$0xBC40]  }
0xcc: {  	[tilespmem:s14+$0x2640] =	vst v4;
	v4 =	vadd.f32 v5, v7;
	v5 =	vld [tilespmem:s14+$0x19D60]  }
0xcd: {  	[tilespmem:s14+$0x3F40] =	vst v2;
	v1 =	vadd.f32 v1, v7;
	v2 =	vld [tilespmem:s14+$0xD60]  }
0xce: {  	[tilespmem:s14+$0x5840] =	vst v4;
	v3 =	vadd.f32 v3, v7;
	v4 =	vld [tilespmem:s14+$0x2660]  }
0xcf: {  	[tilespmem:s14+$0x7140] =	vst v1;
	v1 =	vadd.f32 v6, v7;
	v6 =	vld [tilespmem:s14+$0x3F60]  }
0xd0: {  	[tilespmem:s14+$0x8A40] =	vst v3;
	v3 =	vadd.f32 v8, v7;
	v7 =	vld [tilespmem:s14+$0x5860]  }
0xd1: {  	[tilespmem:s14+$0xA340] =	vst v1;
	v1 =	vld [tilespmem:s14+$0x7160]  }
0xd2: {  	[tilespmem:s14+$0xBC40] =	vst v3;
	v2 =	vadd.f32 v2, v5;
	v3 =	vld [tilespmem:s14+$0x8A60]  }
0xd3: {  	v4 =	vadd.f32 v4, v5;
	v8 =	vld [tilespmem:s14+$0xA360]  }
0xd4: {  	[tilespmem:s14+$0xD60] =	vst v2;
	v2 =	vadd.f32 v6, v5;
	v6 =	vld [tilespmem:s14+$0xBC60]  }
0xd5: {  	[tilespmem:s14+$0x2660] =	vst v4;
	v4 =	vadd.f32 v7, v5;
	v7 =	vld [tilespmem:s14+$0x19D80]  }
0xd6: {  	[tilespmem:s14+$0x3F60] =	vst v2;
	v1 =	vadd.f32 v1, v5;
	v2 =	vld [tilespmem:s14+$0xD80]  }
0xd7: {  	[tilespmem:s14+$0x5860] =	vst v4;
	v3 =	vadd.f32 v3, v5;
	v4 =	vld [tilespmem:s14+$0x2680]  }
0xd8: {  	[tilespmem:s14+$0x7160] =	vst v1;
	v1 =	vadd.f32 v8, v5;
	v8 =	vld [tilespmem:s14+$0x3F80]  }
0xd9: {  	[tilespmem:s14+$0x8A60] =	vst v3;
	v3 =	vadd.f32 v6, v5;
	v5 =	vld [tilespmem:s14+$0x5880]  }
0xda: {  	[tilespmem:s14+$0xA360] =	vst v1;
	v1 =	vld [tilespmem:s14+$0x7180]  }
0xdb: {  	[tilespmem:s14+$0xBC60] =	vst v3;
	v2 =	vadd.f32 v2, v7;
	v3 =	vld [tilespmem:s14+$0x8A80]  }
0xdc: {  	v4 =	vadd.f32 v4, v7;
	v6 =	vld [tilespmem:s14+$0xA380]  }
0xdd: {  	[tilespmem:s14+$0xD80] =	vst v2;
	v2 =	vadd.f32 v8, v7;
	v8 =	vld [tilespmem:s14+$0xBC80]  }
0xde: {  	[tilespmem:s14+$0x2680] =	vst v4;
	v4 =	vadd.f32 v5, v7;
	v5 =	vld [tilespmem:s14+$0x19DA0]  }
0xdf: {  	[tilespmem:s14+$0x3F80] =	vst v2;
	v1 =	vadd.f32 v1, v7;
	v2 =	vld [tilespmem:s14+$0xDA0]  }
0xe0: {  	[tilespmem:s14+$0x5880] =	vst v4;
	v3 =	vadd.f32 v3, v7;
	v4 =	vld [tilespmem:s14+$0x26A0]  }
0xe1: {  	[tilespmem:s14+$0x7180] =	vst v1;
	v1 =	vadd.f32 v6, v7;
	v6 =	vld [tilespmem:s14+$0x3FA0]  }
0xe2: {  	[tilespmem:s14+$0x8A80] =	vst v3;
	v3 =	vadd.f32 v8, v7;
	v7 =	vld [tilespmem:s14+$0x58A0]  }
0xe3: {  	[tilespmem:s14+$0xA380] =	vst v1;
	v1 =	vld [tilespmem:s14+$0x71A0]  }
0xe4: {  	[tilespmem:s14+$0xBC80] =	vst v3;
	v2 =	vadd.f32 v2, v5;
	v3 =	vld [tilespmem:s14+$0x8AA0]  }
0xe5: {  	v4 =	vadd.f32 v4, v5;
	v8 =	vld [tilespmem:s14+$0xA3A0]  }
0xe6: {  	[tilespmem:s14+$0xDA0] =	vst v2;
	v2 =	vadd.f32 v6, v5;
	v6 =	vld [tilespmem:s14+$0xBCA0]  }
0xe7: {  	[tilespmem:s14+$0x26A0] =	vst v4;
	v4 =	vadd.f32 v7, v5;
	v7 =	vld [tilespmem:s14+$0x19DC0]  }
0xe8: {  	[tilespmem:s14+$0x3FA0] =	vst v2;
	v1 =	vadd.f32 v1, v5;
	v2 =	vld [tilespmem:s14+$0xDC0]  }
0xe9: {  	[tilespmem:s14+$0x58A0] =	vst v4;
	v3 =	vadd.f32 v3, v5;
	v4 =	vld [tilespmem:s14+$0x26C0]  }
0xea: {  	[tilespmem:s14+$0x71A0] =	vst v1;
	v1 =	vadd.f32 v8, v5;
	v8 =	vld [tilespmem:s14+$0x3FC0]  }
0xeb: {  	[tilespmem:s14+$0x8AA0] =	vst v3;
	v3 =	vadd.f32 v6, v5;
	v5 =	vld [tilespmem:s14+$0x58C0]  }
0xec: {  	[tilespmem:s14+$0xA3A0] =	vst v1;
	v1 =	vld [tilespmem:s14+$0x71C0]  }
0xed: {  	[tilespmem:s14+$0xBCA0] =	vst v3;
	v2 =	vadd.f32 v2, v7;
	v3 =	vld [tilespmem:s14+$0x8AC0]  }
0xee: {  	v4 =	vadd.f32 v4, v7;
	v6 =	vld [tilespmem:s14+$0xA3C0]  }
0xef: {  	[tilespmem:s14+$0xDC0] =	vst v2;
	v2 =	vadd.f32 v8, v7;
	v8 =	vld [tilespmem:s14+$0xBCC0]  }
0xf0: {  	[tilespmem:s14+$0x26C0] =	vst v4;
	v5 =	vadd.f32 v5, v7;
	v9 =	vld [tilespmem:s14+$0xDE0]  }
.Ltmp0:
0xf1: {  	[tilespmem:s14+$0x3FC0] =	vst v2;
	v2 =	vadd.f32 v1, v7;
	v4 =	vld [tilespmem:s14+$0x26E0];
	(pc) =	sbr.rel @p1 .LBB2_3-.Ltmp0, $4  }
0xf2: {  	[tilespmem:s14+$0x58C0] =	vst v5;
	v3 =	vadd.f32 v3, v7;
	v1 =	vld [tilespmem:s14+$0x3FE0]  }
0xf3: {  	[tilespmem:s14+$0x71C0] =	vst v2;
	v5 =	vadd.f32 v6, v7;
	v2 =	vld [tilespmem:s14+$0x58E0]  }
0xf4: {  	[tilespmem:s14+$0x8AC0] =	vst v3;
	v7 =	vadd.f32 v8, v7;
	v3 =	vld [tilespmem:s14+$0x71E0]  }
0xf5: {  	s20 =	sadd.s32 $0x400, s20;
	[tilespmem:s14+$0xA3C0] =	vst v5;
	v6 =	vadd.f32 v9, v0;
	v5 =	vld [tilespmem:s14+$0x8AE0]  }
0xf6: {  	[tilespmem:s14+$0xBCC0] =	vst v7;
	v4 =	vadd.f32 v4, v0;
	v7 =	vld [tilespmem:s14+$0xA3E0]  }
0xf7: {  	[tilespmem:s14+$0xDE0] =	vst v6;
	v1 =	vadd.f32 v1, v0  }
0xf8: {  	[tilespmem:s14+$0x26E0] =	vst v4;
	v2 =	vadd.f32 v2, v0  }
0xf9: {  	[tilespmem:s14+$0x3FE0] =	vst v1;
	v1 =	vadd.f32 v3, v0  }
0xfa: {  	[tilespmem:s14+$0x58E0] =	vst v2;
	v2 =	vadd.f32 v5, v0  }
0xfb: {  	[tilespmem:s14+$0x71E0] =	vst v1;
	v0 =	vadd.f32 v7, v0  }
0xfc: {  	[tilespmem:s14+$0x8AE0] =	vst v2  }
0xfd: {  	[tilespmem:s14+$0xA3E0] =	vst v0  }
0xfe: {  	v0 =	vld [tilespmem:s7+$0x19DF0]  }
0xff: {  	v1 =	vld [tilespmem:s7+$0xBCF0]  }
0x100: {  	v2 =	vld [tilespmem:s7+$0x19D10]  }
0x101: {  	v3 =	vld [tilespmem:s7+$0xD10]  }
0x102: {  	v4 =	vld [tilespmem:s7+$0x2610]  }
0x103: {  	v5 =	vld [tilespmem:s7+$0x3F10]  }
0x104: {  	v6 =	vld [tilespmem:s7+$0x5810]  }
0x105: {  	v7 =	vld [tilespmem:s7+$0x7110]  }
0x106: {  	v10 =	vld [tilespmem:s7+$0x19D30]  }
0x107: {  	v11 =	vld [tilespmem:s7+$0xD30]  }
0x108: {  	v8 =	vld [tilespmem:s7+$0x8A10]  }
0x109: {  	v9 =	vld [tilespmem:s7+$0xA310]  }
0x10a: {  	v12 =	vld [tilespmem:s7+$0x2630]  }
0x10b: {  	v13 =	vld [tilespmem:s7+$0x3F30];
	v3 =	vadd.f32 v3, v2  }
0x10c: {  	v14 =	vld [tilespmem:s7+$0x5830];
	v11 =	vadd.f32 v11, v10  }
0x10d: {  	v15 =	vld [tilespmem:s7+$0x7130];
	v1 =	vadd.f32 v1, v0;
	[tilespmem:s7+$0xD10] =	vst v3  }
0x10e: {  	v16 =	vld [tilespmem:s7+$0x8A30];
	v4 =	vadd.f32 v4, v2;
	[tilespmem:s7+$0xD30] =	vst v11  }
0x10f: {  	v17 =	vld [tilespmem:s7+$0xBC10];
	[tilespmem:s7+$0xBCF0] =	vst v1;
	v1 =	vadd.f32 v5, v2  }
0x110: {  	v44 =	vld [tilespmem:s7+$0xBC30];
	[tilespmem:s7+$0x2610] =	vst v4;
	v4 =	vadd.f32 v6, v2  }
0x111: {  	v5 =	vld [tilespmem:s7+$0x19D50];
	[tilespmem:s7+$0x3F10] =	vst v1;
	v1 =	vadd.f32 v7, v2  }
0x112: {  	v7 =	vld [tilespmem:s7+$0x2650];
	[tilespmem:s7+$0x5810] =	vst v4;
	v4 =	vadd.f32 v8, v2  }
0x113: {  	v8 =	vld [tilespmem:s7+$0x3F50];
	[tilespmem:s7+$0x7110] =	vst v1;
	v1 =	vadd.f32 v9, v2  }
0x114: {  	v45 =	vld [tilespmem:s7+$0x5850];
	[tilespmem:s7+$0x8A10] =	vst v4;
	v2 =	vadd.f32 v17, v2  }
0x115: {  	v46 =	vld [tilespmem:s7+$0x8A50];
	[tilespmem:s7+$0xA310] =	vst v1;
	v1 =	vadd.f32 v12, v10  }
0x116: {  	v47 =	vld [tilespmem:s7+$0xA350];
	[tilespmem:s7+$0xBC10] =	vst v2;
	v2 =	vadd.f32 v13, v10  }
0x117: {  	v4 =	vld [tilespmem:s7+$0x7150];
	v7 =	vadd.f32 v7, v5;
	[tilespmem:s7+$0x2630] =	vst v1  }
0x118: {  	v48 =	vld [tilespmem:s7+$0x19D70];
	v8 =	vadd.f32 v8, v5;
	[tilespmem:s7+$0x3F30] =	vst v2  }
0x119: {  	v3 =	vld [tilespmem:s7+$0xA330];
	v1 =	vadd.f32 v14, v10;
	[tilespmem:s7+$0x2650] =	vst v7  }
0x11a: {  	v49 =	vld [tilespmem:s7+$0xD70];
	v2 =	vadd.f32 v15, v10;
	[tilespmem:s7+$0x3F50] =	vst v8  }
0x11b: {  	v50 =	vld [tilespmem:s7+$0x2670];
	v7 =	vadd.f32 v45, v5;
	[tilespmem:s7+$0x5830] =	vst v1  }
0x11c: {  	v51 =	vld [tilespmem:s7+$0x5870];
	v4 =	vadd.f32 v4, v5;
	[tilespmem:s7+$0x7130] =	vst v2  }
0x11d: {  	v6 =	vld [tilespmem:s7+$0xD50];
	v1 =	vadd.f32 v16, v10;
	[tilespmem:s7+$0x5850] =	vst v7  }
0x11e: {  	v52 =	vld [tilespmem:s7+$0x8A70];
	v2 =	vadd.f32 v3, v10;
	[tilespmem:s7+$0x7150] =	vst v4  }
0x11f: {  	v53 =	vld [tilespmem:s7+$0xBC70];
	v7 =	vadd.f32 v46, v5;
	[tilespmem:s7+$0x8A30] =	vst v1  }
0x120: {  	v54 =	vld [tilespmem:s7+$0xD90];
	v4 =	vadd.f32 v47, v5;
	[tilespmem:s7+$0xA330] =	vst v2  }
0x121: {  	v8 =	vld [tilespmem:s7+$0x19D90];
	v1 =	vadd.f32 v44, v10;
	[tilespmem:s7+$0x8A50] =	vst v7  }
0x122: {  	v56 =	vld [tilespmem:s7+$0x8A90];
	v2 =	vadd.f32 v6, v5;
	[tilespmem:s7+$0xA350] =	vst v4  }
0x123: {  	v6 =	vld [tilespmem:s7+$0x7170];
	[tilespmem:s7+$0xBC30] =	vst v1;
	v1 =	vadd.f32 v49, v48  }
0x124: {  	v4 =	vadd.f32 v50, v48;
	[tilespmem:s7+$0xD50] =	vst v2;
	v2 =	vld [tilespmem:s7+$0xA370]  }
0x125: {  	v10 =	vadd.f32 v51, v48;
	[tilespmem:s7+$0xD70] =	vst v1;
	v1 =	vld [tilespmem:s7+$0xBC50]  }
0x126: {  	v55 =	vld [tilespmem:s7+$0x2690];
	[tilespmem:s7+$0x2670] =	vst v4;
	v4 =	vadd.f32 v54, v8  }
0x127: {  	v3 =	vld [tilespmem:s7+$0x3F70];
	[tilespmem:s7+$0x5870] =	vst v10;
	v12 =	vadd.f32 v56, v8  }
0x128: {  	v57 =	vld [tilespmem:s7+$0xBC90];
	[tilespmem:s7+$0xD90] =	vst v4;
	v4 =	vadd.f32 v6, v48  }
0x129: {  	v7 =	vld [tilespmem:s7+$0x5890];
	[tilespmem:s7+$0x8A90] =	vst v12;
	v2 =	vadd.f32 v2, v48  }
0x12a: {  	v58 =	vld [tilespmem:s7+$0xDB0];
	[tilespmem:s7+$0x7170] =	vst v4;
	v1 =	vadd.f32 v1, v5  }
0x12b: {  	v4 =	vld [tilespmem:s7+$0x19DB0];
	[tilespmem:s7+$0xA370] =	vst v2;
	v2 =	vadd.f32 v55, v8  }
0x12c: {  	v5 =	vld [tilespmem:s7+$0x3F90];
	[tilespmem:s7+$0xBC50] =	vst v1;
	v1 =	vadd.f32 v3, v48  }
0x12d: {  	v6 =	vadd.f32 v52, v48;
	v3 =	vld [tilespmem:s7+$0x7190];
	[tilespmem:s7+$0x2690] =	vst v2  }
0x12e: {  	v2 =	vadd.f32 v7, v8;
	[tilespmem:s7+$0x3F70] =	vst v1;
	v1 =	vld [tilespmem:s7+$0xA390]  }
0x12f: {  	v59 =	vld [tilespmem:s7+$0x26B0];
	[tilespmem:s7+$0x8A70] =	vst v6;
	v6 =	vadd.f32 v53, v48  }
0x130: {  	v60 =	vld [tilespmem:s7+$0x8AB0];
	[tilespmem:s7+$0x5890] =	vst v2;
	v2 =	vadd.f32 v58, v4  }
0x131: {  	[tilespmem:s7+$0xBC70] =	vst v6;
	v6 =	vld [tilespmem:s7+$0x3FB0];
	v5 =	vadd.f32 v5, v8  }
0x132: {  	v7 =	vld [tilespmem:s7+$0x58B0];
	[tilespmem:s7+$0xDB0] =	vst v2;
	v3 =	vadd.f32 v3, v8  }
0x133: {  	[tilespmem:s7+$0x3F90] =	vst v5;
	v5 =	vld [tilespmem:s7+$0x71B0];
	v1 =	vadd.f32 v1, v8  }
0x134: {  	v61 =	vld [tilespmem:s7+$0x19DD0];
	v2 =	vadd.f32 v57, v8;
	[tilespmem:s7+$0x7190] =	vst v3  }
0x135: {  	v3 =	vld [tilespmem:s7+$0xA3B0];
	[tilespmem:s7+$0xA390] =	vst v1;
	v1 =	vadd.f32 v59, v4  }
0x136: {  	[tilespmem:s7+$0xBC90] =	vst v2;
	v2 =	vadd.f32 v6, v4;
	v6 =	vld [tilespmem:s7+$0xDD0]  }
0x137: {  	v8 =	vld [tilespmem:s7+$0xBCB0];
	[tilespmem:s7+$0x26B0] =	vst v1;
	v1 =	vadd.f32 v7, v4  }
0x138: {  	[tilespmem:s7+$0x3FB0] =	vst v2;
	v2 =	vadd.f32 v5, v4;
	v7 =	vld [tilespmem:s7+$0x26D0]  }
0x139: {  	v5 =	vld [tilespmem:s7+$0x3FD0];
	[tilespmem:s7+$0x58B0] =	vst v1;
	v1 =	vadd.f32 v60, v4  }
0x13a: {  	v62 =	vld [tilespmem:s7+$0x58D0];
	[tilespmem:s7+$0x71B0] =	vst v2;
	v2 =	vadd.f32 v3, v4  }
0x13b: {  	v3 =	vld [tilespmem:s7+$0x71D0];
	[tilespmem:s7+$0x8AB0] =	vst v1;
	v1 =	vadd.f32 v6, v61  }
0x13c: {  	v4 =	vadd.f32 v8, v4;
	[tilespmem:s7+$0xA3B0] =	vst v2;
	v2 =	vld [tilespmem:s7+$0xA3D0]  }
0x13d: {  	v6 =	vld [tilespmem:s7+$0x8AD0];
	[tilespmem:s7+$0xDD0] =	vst v1;
	v1 =	vadd.f32 v7, v61  }
0x13e: {  	[tilespmem:s7+$0xBCB0] =	vst v4;
	v4 =	vadd.f32 v5, v61;
	v5 =	vld [tilespmem:s7+$0xBCD0]  }
0x13f: {  	v8 =	vld [tilespmem:s7+$0xDF0];
	[tilespmem:s7+$0x26D0] =	vst v1;
	v1 =	vadd.f32 v62, v61  }
0x140: {  	[tilespmem:s7+$0x3FD0] =	vst v4;
	v3 =	vadd.f32 v3, v61;
	v4 =	vld [tilespmem:s7+$0x26F0]  }
0x141: {  	v63 =	vadd.f32 v2, v61;
	[tilespmem:s7+$0x58D0] =	vst v1;
	v1 =	vld [tilespmem:s7+$0x3FF0]  }
0x142: {  	[tilespmem:s7+$0x71D0] =	vst v3;
	v2 =	vld [tilespmem:s7+$0x58F0];
	v6 =	vadd.f32 v6, v61  }
0x143: {  	v3 =	vld [tilespmem:s7+$0x71F0];
	v7 =	vadd.f32 v5, v61;
	[tilespmem:s7+$0xA3D0] =	vst v63  }
0x144: {  	s15 =	simm.s32 $0x400;
	s14 =	simm.s32 $0x0;
	v5 =	vld [tilespmem:s7+$0x8AF0];
	[tilespmem:s7+$0x8AD0] =	vst v6;
	v6 =	vadd.f32 v8, v0  }
.LBB2_5:
0x145: {  	s20 =	sshra.s32 s15, $0x2;
	[tilespmem:s7+$0xBCD0] =	vst v7;
	v4 =	vadd.f32 v4, v0;
	v7 =	vld [tilespmem:s7+$0xA3F0]  }
0x146: {  	s14 =	sadd.s32 $0x8, s14;
	v8 =	vld [tilespmem:s20+$0x19DF0];
	[tilespmem:s7+$0xDF0] =	vst v6;
	v1 =	vadd.f32 v1, v0  }
0x147: {  	p1 =	slt.u32 s14, $0xC0;
	v6 =	vld [tilespmem:s20+$0xBCF0];
	[tilespmem:s7+$0x26F0] =	vst v4;
	v2 =	vadd.f32 v2, v0  }
0x148: {  	v4 =	vld [tilespmem:s20+$0x19D10];
	[tilespmem:s7+$0x3FF0] =	vst v1;
	v1 =	vadd.f32 v3, v0  }
0x149: {  	v3 =	vld [tilespmem:s20+$0xD10];
	[tilespmem:s7+$0x58F0] =	vst v2;
	v2 =	vadd.f32 v5, v0  }
0x14a: {  	v5 =	vld [tilespmem:s20+$0x2610];
	[tilespmem:s7+$0x71F0] =	vst v1;
	v1 =	vadd.f32 v7, v0  }
0x14b: {  	v7 =	vld [tilespmem:s20+$0x3F10];
	[tilespmem:s7+$0x8AF0] =	vst v2;
	v0 =	vmov v8  }
0x14c: {  	v2 =	vld [tilespmem:s20+$0x5810];
	v6 =	vadd.f32 v6, v0;
	[tilespmem:s7+$0xA3F0] =	vst v1;
	s7 =	smov.u32 s20  }
0x14d: {  	v1 =	vld [tilespmem:s7+$0x7110]  }
0x14e: {  	v3 =	vadd.f32 v3, v4;
	v8 =	vld [tilespmem:s7+$0x8A10];
	[tilespmem:s7+$0xBCF0] =	vst v6  }
0x14f: {  	v5 =	vadd.f32 v5, v4;
	v6 =	vld [tilespmem:s7+$0xA310]  }
0x150: {  	[tilespmem:s7+$0xD10] =	vst v3;
	v3 =	vadd.f32 v7, v4;
	v7 =	vld [tilespmem:s7+$0xBC10]  }
0x151: {  	[tilespmem:s7+$0x2610] =	vst v5;
	v2 =	vadd.f32 v2, v4;
	v5 =	vld [tilespmem:s7+$0x19D30]  }
0x152: {  	[tilespmem:s7+$0x3F10] =	vst v3;
	v1 =	vadd.f32 v1, v4;
	v3 =	vld [tilespmem:s7+$0xD30]  }
0x153: {  	[tilespmem:s7+$0x5810] =	vst v2;
	v2 =	vadd.f32 v8, v4;
	v8 =	vld [tilespmem:s7+$0x2630]  }
0x154: {  	[tilespmem:s7+$0x7110] =	vst v1;
	v1 =	vadd.f32 v6, v4;
	v6 =	vld [tilespmem:s7+$0x3F30]  }
0x155: {  	[tilespmem:s7+$0x8A10] =	vst v2;
	v2 =	vadd.f32 v7, v4;
	v4 =	vld [tilespmem:s7+$0x5830]  }
0x156: {  	[tilespmem:s7+$0xA310] =	vst v1;
	v1 =	vld [tilespmem:s7+$0x7130]  }
0x157: {  	[tilespmem:s7+$0xBC10] =	vst v2;
	v2 =	vadd.f32 v3, v5;
	v3 =	vld [tilespmem:s7+$0x8A30]  }
0x158: {  	v7 =	vadd.f32 v8, v5;
	v8 =	vld [tilespmem:s7+$0xA330]  }
0x159: {  	[tilespmem:s7+$0xD30] =	vst v2;
	v2 =	vadd.f32 v6, v5;
	v6 =	vld [tilespmem:s7+$0xBC30]  }
0x15a: {  	[tilespmem:s7+$0x2630] =	vst v7;
	v4 =	vadd.f32 v4, v5;
	v7 =	vld [tilespmem:s7+$0x19D50]  }
0x15b: {  	[tilespmem:s7+$0x3F30] =	vst v2;
	v1 =	vadd.f32 v1, v5;
	v2 =	vld [tilespmem:s7+$0xD50]  }
0x15c: {  	[tilespmem:s7+$0x5830] =	vst v4;
	v3 =	vadd.f32 v3, v5;
	v4 =	vld [tilespmem:s7+$0x2650]  }
0x15d: {  	[tilespmem:s7+$0x7130] =	vst v1;
	v1 =	vadd.f32 v8, v5;
	v8 =	vld [tilespmem:s7+$0x3F50]  }
0x15e: {  	[tilespmem:s7+$0x8A30] =	vst v3;
	v3 =	vadd.f32 v6, v5;
	v5 =	vld [tilespmem:s7+$0x5850]  }
0x15f: {  	[tilespmem:s7+$0xA330] =	vst v1;
	v1 =	vld [tilespmem:s7+$0x7150]  }
0x160: {  	[tilespmem:s7+$0xBC30] =	vst v3;
	v2 =	vadd.f32 v2, v7;
	v3 =	vld [tilespmem:s7+$0x8A50]  }
0x161: {  	v4 =	vadd.f32 v4, v7;
	v6 =	vld [tilespmem:s7+$0xA350]  }
0x162: {  	[tilespmem:s7+$0xD50] =	vst v2;
	v2 =	vadd.f32 v8, v7;
	v8 =	vld [tilespmem:s7+$0xBC50]  }
0x163: {  	[tilespmem:s7+$0x2650] =	vst v4;
	v4 =	vadd.f32 v5, v7;
	v5 =	vld [tilespmem:s7+$0x19D70]  }
0x164: {  	[tilespmem:s7+$0x3F50] =	vst v2;
	v1 =	vadd.f32 v1, v7;
	v2 =	vld [tilespmem:s7+$0xD70]  }
0x165: {  	[tilespmem:s7+$0x5850] =	vst v4;
	v3 =	vadd.f32 v3, v7;
	v4 =	vld [tilespmem:s7+$0x2670]  }
0x166: {  	[tilespmem:s7+$0x7150] =	vst v1;
	v1 =	vadd.f32 v6, v7;
	v6 =	vld [tilespmem:s7+$0x3F70]  }
0x167: {  	[tilespmem:s7+$0x8A50] =	vst v3;
	v3 =	vadd.f32 v8, v7;
	v7 =	vld [tilespmem:s7+$0x5870]  }
0x168: {  	[tilespmem:s7+$0xA350] =	vst v1;
	v1 =	vld [tilespmem:s7+$0x7170]  }
0x169: {  	[tilespmem:s7+$0xBC50] =	vst v3;
	v2 =	vadd.f32 v2, v5;
	v3 =	vld [tilespmem:s7+$0x8A70]  }
0x16a: {  	v4 =	vadd.f32 v4, v5;
	v8 =	vld [tilespmem:s7+$0xA370]  }
0x16b: {  	[tilespmem:s7+$0xD70] =	vst v2;
	v2 =	vadd.f32 v6, v5;
	v6 =	vld [tilespmem:s7+$0xBC70]  }
0x16c: {  	[tilespmem:s7+$0x2670] =	vst v4;
	v4 =	vadd.f32 v7, v5;
	v7 =	vld [tilespmem:s7+$0x19D90]  }
0x16d: {  	[tilespmem:s7+$0x3F70] =	vst v2;
	v1 =	vadd.f32 v1, v5;
	v2 =	vld [tilespmem:s7+$0xD90]  }
0x16e: {  	[tilespmem:s7+$0x5870] =	vst v4;
	v3 =	vadd.f32 v3, v5;
	v4 =	vld [tilespmem:s7+$0x2690]  }
0x16f: {  	[tilespmem:s7+$0x7170] =	vst v1;
	v1 =	vadd.f32 v8, v5;
	v8 =	vld [tilespmem:s7+$0x3F90]  }
0x170: {  	[tilespmem:s7+$0x8A70] =	vst v3;
	v3 =	vadd.f32 v6, v5;
	v5 =	vld [tilespmem:s7+$0x5890]  }
0x171: {  	[tilespmem:s7+$0xA370] =	vst v1;
	v1 =	vld [tilespmem:s7+$0x7190]  }
0x172: {  	[tilespmem:s7+$0xBC70] =	vst v3;
	v2 =	vadd.f32 v2, v7;
	v3 =	vld [tilespmem:s7+$0x8A90]  }
0x173: {  	v4 =	vadd.f32 v4, v7;
	v6 =	vld [tilespmem:s7+$0xA390]  }
0x174: {  	[tilespmem:s7+$0xD90] =	vst v2;
	v2 =	vadd.f32 v8, v7;
	v8 =	vld [tilespmem:s7+$0xBC90]  }
0x175: {  	[tilespmem:s7+$0x2690] =	vst v4;
	v4 =	vadd.f32 v5, v7;
	v5 =	vld [tilespmem:s7+$0x19DB0]  }
0x176: {  	[tilespmem:s7+$0x3F90] =	vst v2;
	v1 =	vadd.f32 v1, v7;
	v2 =	vld [tilespmem:s7+$0xDB0]  }
0x177: {  	[tilespmem:s7+$0x5890] =	vst v4;
	v3 =	vadd.f32 v3, v7;
	v4 =	vld [tilespmem:s7+$0x26B0]  }
0x178: {  	[tilespmem:s7+$0x7190] =	vst v1;
	v1 =	vadd.f32 v6, v7;
	v6 =	vld [tilespmem:s7+$0x3FB0]  }
0x179: {  	[tilespmem:s7+$0x8A90] =	vst v3;
	v3 =	vadd.f32 v8, v7;
	v7 =	vld [tilespmem:s7+$0x58B0]  }
0x17a: {  	[tilespmem:s7+$0xA390] =	vst v1;
	v1 =	vld [tilespmem:s7+$0x71B0]  }
0x17b: {  	[tilespmem:s7+$0xBC90] =	vst v3;
	v2 =	vadd.f32 v2, v5;
	v3 =	vld [tilespmem:s7+$0x8AB0]  }
0x17c: {  	v4 =	vadd.f32 v4, v5;
	v8 =	vld [tilespmem:s7+$0xA3B0]  }
0x17d: {  	[tilespmem:s7+$0xDB0] =	vst v2;
	v2 =	vadd.f32 v6, v5;
	v6 =	vld [tilespmem:s7+$0xBCB0]  }
0x17e: {  	[tilespmem:s7+$0x26B0] =	vst v4;
	v4 =	vadd.f32 v7, v5;
	v7 =	vld [tilespmem:s7+$0x19DD0]  }
0x17f: {  	[tilespmem:s7+$0x3FB0] =	vst v2;
	v1 =	vadd.f32 v1, v5;
	v2 =	vld [tilespmem:s7+$0xDD0]  }
0x180: {  	[tilespmem:s7+$0x58B0] =	vst v4;
	v3 =	vadd.f32 v3, v5;
	v4 =	vld [tilespmem:s7+$0x26D0]  }
0x181: {  	[tilespmem:s7+$0x71B0] =	vst v1;
	v1 =	vadd.f32 v8, v5;
	v8 =	vld [tilespmem:s7+$0x3FD0]  }
0x182: {  	[tilespmem:s7+$0x8AB0] =	vst v3;
	v3 =	vadd.f32 v6, v5;
	v5 =	vld [tilespmem:s7+$0x58D0]  }
0x183: {  	[tilespmem:s7+$0xA3B0] =	vst v1;
	v1 =	vld [tilespmem:s7+$0x71D0]  }
0x184: {  	[tilespmem:s7+$0xBCB0] =	vst v3;
	v2 =	vadd.f32 v2, v7;
	v3 =	vld [tilespmem:s7+$0x8AD0]  }
0x185: {  	v4 =	vadd.f32 v4, v7;
	v6 =	vld [tilespmem:s7+$0xA3D0]  }
0x186: {  	[tilespmem:s7+$0xDD0] =	vst v2;
	v2 =	vadd.f32 v8, v7;
	v8 =	vld [tilespmem:s7+$0xBCD0]  }
0x187: {  	[tilespmem:s7+$0x26D0] =	vst v4;
	v5 =	vadd.f32 v5, v7;
	v9 =	vld [tilespmem:s7+$0xDF0]  }
.Ltmp1:
0x188: {  	[tilespmem:s7+$0x3FD0] =	vst v2;
	v2 =	vadd.f32 v1, v7;
	v4 =	vld [tilespmem:s7+$0x26F0];
	(pc) =	sbr.rel @p1 .LBB2_5-.Ltmp1, $4  }
0x189: {  	[tilespmem:s7+$0x58D0] =	vst v5;
	v3 =	vadd.f32 v3, v7;
	v1 =	vld [tilespmem:s7+$0x3FF0]  }
0x18a: {  	[tilespmem:s7+$0x71D0] =	vst v2;
	v5 =	vadd.f32 v6, v7;
	v2 =	vld [tilespmem:s7+$0x58F0]  }
0x18b: {  	[tilespmem:s7+$0x8AD0] =	vst v3;
	v7 =	vadd.f32 v8, v7;
	v3 =	vld [tilespmem:s7+$0x71F0]  }
0x18c: {  	s15 =	sadd.s32 $0x400, s15;
	[tilespmem:s7+$0xA3D0] =	vst v5;
	v6 =	vadd.f32 v9, v0;
	v5 =	vld [tilespmem:s7+$0x8AF0]  }
0x18d: {  	[tilespmem:s7+$0xBCD0] =	vst v7;
	v4 =	vadd.f32 v4, v0;
	v7 =	vld [tilespmem:s7+$0xA3F0]  }
0x18e: {  	[tilespmem:s7+$0xDF0] =	vst v6;
	v1 =	vadd.f32 v1, v0  }
0x18f: {  	[tilespmem:s7+$0x26F0] =	vst v4;
	v2 =	vadd.f32 v2, v0  }
0x190: {  	[tilespmem:s7+$0x3FF0] =	vst v1;
	v1 =	vadd.f32 v3, v0  }
0x191: {  	s14 =	sadd.s32 s4, s12;
	[tilespmem:s7+$0x58F0] =	vst v2;
	v2 =	vadd.f32 v5, v0  }
0x192: {  	s14 =	smul.u32 $0x190, s14;
	[tilespmem:s7+$0x71F0] =	vst v1;
	v0 =	vadd.f32 v7, v0  }
0x193: {  	[tilespmem:s7+$0x8AF0] =	vst v2  }
0x194: {  	s21 =	sadd.s32 s2, s14;
	[tilespmem:s7+$0xA3F0] =	vst v0  }
0x195: {  	[hbm4b:s21+s3] =	stream.linear.scatter [tilespmem:s17], [sflag:$0x5], $0xC800, $0x38;
	[tilespmem:$0x1B600] =	vst v63  }
0x196: {  	_ =	swait.ge [sflag:s8], $0xC800  }
0x197: {  	[sflag:s8] =	ssyncset.done $0x0  }
0x198: {  	s7 =	simm.s32 @p0 $0x5;
	[sflag:s8] =	ssyncadd.s32 $0xFFFF3800  }
0x199: {  	_ =	swait.ge @p0 [sflag:s7], $0xC800  }
0x19a: {  	[sflag:s7] =	ssyncset.done @p0 $0x0  }
0x19b: {  	[sflag:s7] =	ssyncadd.s32 @p0 $0xFFFF3800;
	s7 =	simm.s32 @!p0 $0x1  }
0x19c: {  	_ =	swait.ge @!p0 [sflag:s7], $0x680  }
0x19d: {  	[sflag:s7] =	ssyncset.done @!p0 $0x0  }
0x19e: {  	[sflag:s7] =	ssyncadd.s32 @!p0 $0xFFFFF980;
	s7 =	simm.s32 @!p0 $0x5  }
0x19f: {  	_ =	swait.ge @!p0 [sflag:s7], $0xC800  }
0x1a0: {  	s15 =	simm.s32 @!p0 $0xD00;
	[sflag:s7] =	ssyncset.done @!p0 $0x0  }
0x1a1: {  	s14 =	simm.s32 @!p0 $0x0;
	[sflag:s7] =	ssyncadd.s32 @!p0 $0xFFFF3800;
	s7 =	simm.s32 @!p0 $0x64  }
0x1a2: {  	[tilespmem:s15], [sflag:$0x3] =	stream.indirect.gather @!p0 [hbm4b:s6+s7], $0x20, s14, s7, $0xb8;
	[tilespmem:$0x1B600] =	vst v63  }
0x1a3: {  	s20 =	simm.s32 @!p0 $0x1980;
	s15 =	simm.s32 @!p0 $0x68  }
0x1a4: {  	[tilespmem:s20], [sflag:$0x3] =	stream.indirect.gather @!p0 [hbm4b:s6+s7], $0x20, s15, s7, $0xb8;
	[tilespmem:$0x1B600] =	vst v63  }
0x1a5: {  	s15 =	simm.s32 @!p0 $0xD0;
	s20 =	simm.s32 @!p0 $0x2600  }
0x1a6: {  	[tilespmem:s20], [sflag:$0x3] =	stream.indirect.gather @!p0 [hbm4b:s6+s7], $0x20, s15, s7, $0xb8;
	[tilespmem:$0x1B600] =	vst v63  }
0x1a7: {  	s15 =	simm.s32 @!p0 $0x138;
	s20 =	simm.s32 @!p0 $0x3280  }
0x1a8: {  	[tilespmem:s20], [sflag:$0x3] =	stream.indirect.gather @!p0 [hbm4b:s6+s7], $0x20, s15, s7, $0xb8;
	[tilespmem:$0x1B600] =	vst v63  }
0x1a9: {  	s15 =	simm.s32 @!p0 $0x1A0;
	s20 =	simm.s32 @!p0 $0x3F00  }
0x1aa: {  	[tilespmem:s20], [sflag:$0x3] =	stream.indirect.gather @!p0 [hbm4b:s6+s7], $0x20, s15, s7, $0xb8;
	[tilespmem:$0x1B600] =	vst v63  }
0x1ab: {  	s15 =	simm.s32 @!p0 $0x208;
	s20 =	simm.s32 @!p0 $0x4B80  }
0x1ac: {  	[tilespmem:s20], [sflag:$0x3] =	stream.indirect.gather @!p0 [hbm4b:s6+s7], $0x20, s15, s7, $0xb8;
	[tilespmem:$0x1B600] =	vst v63  }
0x1ad: {  	s15 =	simm.s32 @!p0 $0x270;
	s20 =	simm.s32 @!p0 $0x5800  }
0x1ae: {  	[tilespmem:s20], [sflag:$0x3] =	stream.indirect.gather @!p0 [hbm4b:s6+s7], $0x20, s15, s7, $0xb8;
	[tilespmem:$0x1B600] =	vst v63  }
0x1af: {  	s15 =	simm.s32 @!p0 $0x2D8;
	s20 =	simm.s32 @!p0 $0x6480  }
0x1b0: {  	[tilespmem:s20], [sflag:$0x3] =	stream.indirect.gather @!p0 [hbm4b:s6+s7], $0x20, s15, s7, $0xb8;
	[tilespmem:$0x1B600] =	vst v63  }
0x1b1: {  	s15 =	simm.s32 @!p0 $0x340;
	s20 =	simm.s32 @!p0 $0x7100  }
0x1b2: {  	[tilespmem:s20], [sflag:$0x3] =	stream.indirect.gather @!p0 [hbm4b:s6+s7], $0x20, s15, s7, $0xb8;
	[tilespmem:$0x1B600] =	vst v63  }
0x1b3: {  	s15 =	simm.s32 @!p0 $0x3A8;
	s20 =	simm.s32 @!p0 $0x7D80  }
0x1b4: {  	[tilespmem:s20], [sflag:$0x3] =	stream.indirect.gather @!p0 [hbm4b:s6+s7], $0x20, s15, s7, $0xb8;
	[tilespmem:$0x1B600] =	vst v63  }
0x1b5: {  	s15 =	simm.s32 @!p0 $0x410;
	s20 =	simm.s32 @!p0 $0x8A00  }
0x1b6: {  	[tilespmem:s20], [sflag:$0x3] =	stream.indirect.gather @!p0 [hbm4b:s6+s7], $0x20, s15, s7, $0xb8;
	[tilespmem:$0x1B600] =	vst v63  }
0x1b7: {  	s15 =	simm.s32 @!p0 $0x478;
	s20 =	simm.s32 @!p0 $0x9680  }
0x1b8: {  	[tilespmem:s20], [sflag:$0x3] =	stream.indirect.gather @!p0 [hbm4b:s6+s7], $0x20, s15, s7, $0xb8;
	[tilespmem:$0x1B600] =	vst v63  }
0x1b9: {  	s15 =	simm.s32 @!p0 $0x4E0;
	s20 =	simm.s32 @!p0 $0xA300  }
0x1ba: {  	[tilespmem:s20], [sflag:$0x3] =	stream.indirect.gather @!p0 [hbm4b:s6+s7], $0x20, s15, s7, $0xb8;
	[tilespmem:$0x1B600] =	vst v63  }
0x1bb: {  	s15 =	simm.s32 @!p0 $0x548;
	s20 =	simm.s32 @!p0 $0xAF80  }
0x1bc: {  	[tilespmem:s20], [sflag:$0x3] =	stream.indirect.gather @!p0 [hbm4b:s6+s7], $0x20, s15, s7, $0xb8;
	[tilespmem:$0x1B600] =	vst v63  }
0x1bd: {  	s15 =	simm.s32 @!p0 $0x5B0;
	s20 =	simm.s32 @!p0 $0xBC00  }
0x1be: {  	[tilespmem:s20], [sflag:$0x3] =	stream.indirect.gather @!p0 [hbm4b:s6+s7], $0x20, s15, s7, $0xb8;
	[tilespmem:$0x1B600] =	vst v63  }
0x1bf: {  	s15 =	sadd.s32 @!p0 s12, s11  }
0x1c0: {  	s21 =	simm.s32 @!p0 $0xC880;
	s20 =	simm.s32 @!p0 $0x618;
	s15 =	smul.u32 @!p0 $0xD, s15  }
0x1c1: {  	[tilespmem:s21], [sflag:$0x3] =	stream.indirect.gather @!p0 [hbm4b:s6+s7], $0x20, s20, s7, $0xb8;
	[tilespmem:$0x1B600] =	vst v63  }
0x1c2: {  	s7 =	sadd.s32 @!p0 s5, s15;
	s15 =	simm.s32 @!p0 $0x680  }
0x1c3: {  	[tilespmem:s15], [sflag:$0x2] =	stream.linear.gather @!p0 [hbm4b:s7+s14], $0x680, $0x38;
	[tilespmem:$0x1B600] =	vst v63  }
0x1c4: {  	s7 =	simm.s32 $0x0  }
0x1c5: {  	v0 =	vld [tilespmem:s7+$0x19DE0]  }
0x1c6: {  	v1 =	vld [tilespmem:s7+$0x184E0]  }
0x1c7: {  	v2 =	vld [tilespmem:s7+$0x19D00]  }
0x1c8: {  	v3 =	vld [tilespmem:s7+$0xD500]  }
0x1c9: {  	v4 =	vld [tilespmem:s7+$0xEE00]  }
0x1ca: {  	v5 =	vld [tilespmem:s7+$0x10700]  }
0x1cb: {  	v6 =	vld [tilespmem:s7+$0x12000]  }
0x1cc: {  	v7 =	vld [tilespmem:s7+$0x13900]  }
0x1cd: {  	v10 =	vld [tilespmem:s7+$0x19D20]  }
0x1ce: {  	v11 =	vld [tilespmem:s7+$0xD520]  }
0x1cf: {  	v8 =	vld [tilespmem:s7+$0x15200]  }
0x1d0: {  	v9 =	vld [tilespmem:s7+$0x16B00]  }
0x1d1: {  	v12 =	vld [tilespmem:s7+$0xEE20]  }
0x1d2: {  	v13 =	vld [tilespmem:s7+$0x10720];
	v3 =	vadd.f32 v3, v2  }
0x1d3: {  	v14 =	vld [tilespmem:s7+$0x12020];
	v11 =	vadd.f32 v11, v10  }
0x1d4: {  	v15 =	vld [tilespmem:s7+$0x13920];
	v1 =	vadd.f32 v1, v0;
	[tilespmem:s7+$0xD500] =	vst v3  }
0x1d5: {  	v16 =	vld [tilespmem:s7+$0x15220];
	v4 =	vadd.f32 v4, v2;
	[tilespmem:s7+$0xD520] =	vst v11  }
0x1d6: {  	v17 =	vld [tilespmem:s7+$0x18400];
	[tilespmem:s7+$0x184E0] =	vst v1;
	v1 =	vadd.f32 v5, v2  }
0x1d7: {  	v44 =	vld [tilespmem:s7+$0x18420];
	[tilespmem:s7+$0xEE00] =	vst v4;
	v4 =	vadd.f32 v6, v2  }
0x1d8: {  	v5 =	vld [tilespmem:s7+$0x19D40];
	[tilespmem:s7+$0x10700] =	vst v1;
	v1 =	vadd.f32 v7, v2  }
0x1d9: {  	v7 =	vld [tilespmem:s7+$0xEE40];
	[tilespmem:s7+$0x12000] =	vst v4;
	v4 =	vadd.f32 v8, v2  }
0x1da: {  	v8 =	vld [tilespmem:s7+$0x10740];
	[tilespmem:s7+$0x13900] =	vst v1;
	v1 =	vadd.f32 v9, v2  }
0x1db: {  	v45 =	vld [tilespmem:s7+$0x12040];
	[tilespmem:s7+$0x15200] =	vst v4;
	v2 =	vadd.f32 v17, v2  }
0x1dc: {  	v46 =	vld [tilespmem:s7+$0x15240];
	[tilespmem:s7+$0x16B00] =	vst v1;
	v1 =	vadd.f32 v12, v10  }
0x1dd: {  	v47 =	vld [tilespmem:s7+$0x16B40];
	[tilespmem:s7+$0x18400] =	vst v2;
	v2 =	vadd.f32 v13, v10  }
0x1de: {  	v4 =	vld [tilespmem:s7+$0x13940];
	v7 =	vadd.f32 v7, v5;
	[tilespmem:s7+$0xEE20] =	vst v1  }
0x1df: {  	v48 =	vld [tilespmem:s7+$0x19D60];
	v8 =	vadd.f32 v8, v5;
	[tilespmem:s7+$0x10720] =	vst v2  }
0x1e0: {  	v3 =	vld [tilespmem:s7+$0x16B20];
	v1 =	vadd.f32 v14, v10;
	[tilespmem:s7+$0xEE40] =	vst v7  }
0x1e1: {  	v49 =	vld [tilespmem:s7+$0xD560];
	v2 =	vadd.f32 v15, v10;
	[tilespmem:s7+$0x10740] =	vst v8  }
0x1e2: {  	v50 =	vld [tilespmem:s7+$0xEE60];
	v7 =	vadd.f32 v45, v5;
	[tilespmem:s7+$0x12020] =	vst v1  }
0x1e3: {  	v51 =	vld [tilespmem:s7+$0x12060];
	v4 =	vadd.f32 v4, v5;
	[tilespmem:s7+$0x13920] =	vst v2  }
0x1e4: {  	v6 =	vld [tilespmem:s7+$0xD540];
	v1 =	vadd.f32 v16, v10;
	[tilespmem:s7+$0x12040] =	vst v7  }
0x1e5: {  	v52 =	vld [tilespmem:s7+$0x15260];
	v2 =	vadd.f32 v3, v10;
	[tilespmem:s7+$0x13940] =	vst v4  }
0x1e6: {  	v53 =	vld [tilespmem:s7+$0x18460];
	v7 =	vadd.f32 v46, v5;
	[tilespmem:s7+$0x15220] =	vst v1  }
0x1e7: {  	v54 =	vld [tilespmem:s7+$0xD580];
	v4 =	vadd.f32 v47, v5;
	[tilespmem:s7+$0x16B20] =	vst v2  }
0x1e8: {  	v8 =	vld [tilespmem:s7+$0x19D80];
	v1 =	vadd.f32 v44, v10;
	[tilespmem:s7+$0x15240] =	vst v7  }
0x1e9: {  	v56 =	vld [tilespmem:s7+$0x15280];
	v2 =	vadd.f32 v6, v5;
	[tilespmem:s7+$0x16B40] =	vst v4  }
0x1ea: {  	v6 =	vld [tilespmem:s7+$0x13960];
	[tilespmem:s7+$0x18420] =	vst v1;
	v1 =	vadd.f32 v49, v48  }
0x1eb: {  	v4 =	vadd.f32 v50, v48;
	[tilespmem:s7+$0xD540] =	vst v2;
	v2 =	vld [tilespmem:s7+$0x16B60]  }
0x1ec: {  	v10 =	vadd.f32 v51, v48;
	[tilespmem:s7+$0xD560] =	vst v1;
	v1 =	vld [tilespmem:s7+$0x18440]  }
0x1ed: {  	v55 =	vld [tilespmem:s7+$0xEE80];
	[tilespmem:s7+$0xEE60] =	vst v4;
	v4 =	vadd.f32 v54, v8  }
0x1ee: {  	v3 =	vld [tilespmem:s7+$0x10760];
	[tilespmem:s7+$0x12060] =	vst v10;
	v12 =	vadd.f32 v56, v8  }
0x1ef: {  	v57 =	vld [tilespmem:s7+$0x18480];
	[tilespmem:s7+$0xD580] =	vst v4;
	v4 =	vadd.f32 v6, v48  }
0x1f0: {  	v7 =	vld [tilespmem:s7+$0x12080];
	[tilespmem:s7+$0x15280] =	vst v12;
	v2 =	vadd.f32 v2, v48  }
0x1f1: {  	v58 =	vld [tilespmem:s7+$0xD5A0];
	[tilespmem:s7+$0x13960] =	vst v4;
	v1 =	vadd.f32 v1, v5  }
0x1f2: {  	v4 =	vld [tilespmem:s7+$0x19DA0];
	[tilespmem:s7+$0x16B60] =	vst v2;
	v2 =	vadd.f32 v55, v8  }
0x1f3: {  	v5 =	vld [tilespmem:s7+$0x10780];
	[tilespmem:s7+$0x18440] =	vst v1;
	v1 =	vadd.f32 v3, v48  }
0x1f4: {  	v6 =	vadd.f32 v52, v48;
	v3 =	vld [tilespmem:s7+$0x13980];
	[tilespmem:s7+$0xEE80] =	vst v2  }
0x1f5: {  	v2 =	vadd.f32 v7, v8;
	[tilespmem:s7+$0x10760] =	vst v1;
	v1 =	vld [tilespmem:s7+$0x16B80]  }
0x1f6: {  	v59 =	vld [tilespmem:s7+$0xEEA0];
	[tilespmem:s7+$0x15260] =	vst v6;
	v6 =	vadd.f32 v53, v48  }
0x1f7: {  	v60 =	vld [tilespmem:s7+$0x152A0];
	[tilespmem:s7+$0x12080] =	vst v2;
	v2 =	vadd.f32 v58, v4  }
0x1f8: {  	[tilespmem:s7+$0x18460] =	vst v6;
	v6 =	vld [tilespmem:s7+$0x107A0];
	v5 =	vadd.f32 v5, v8  }
0x1f9: {  	v7 =	vld [tilespmem:s7+$0x120A0];
	[tilespmem:s7+$0xD5A0] =	vst v2;
	v3 =	vadd.f32 v3, v8  }
0x1fa: {  	[tilespmem:s7+$0x10780] =	vst v5;
	v5 =	vld [tilespmem:s7+$0x139A0];
	v1 =	vadd.f32 v1, v8  }
0x1fb: {  	v61 =	vld [tilespmem:s7+$0x19DC0];
	v2 =	vadd.f32 v57, v8;
	[tilespmem:s7+$0x13980] =	vst v3  }
0x1fc: {  	v3 =	vld [tilespmem:s7+$0x16BA0];
	[tilespmem:s7+$0x16B80] =	vst v1;
	v1 =	vadd.f32 v59, v4  }
0x1fd: {  	[tilespmem:s7+$0x18480] =	vst v2;
	v2 =	vadd.f32 v6, v4;
	v6 =	vld [tilespmem:s7+$0xD5C0]  }
0x1fe: {  	v8 =	vld [tilespmem:s7+$0x184A0];
	[tilespmem:s7+$0xEEA0] =	vst v1;
	v1 =	vadd.f32 v7, v4  }
0x1ff: {  	[tilespmem:s7+$0x107A0] =	vst v2;
	v2 =	vadd.f32 v5, v4;
	v7 =	vld [tilespmem:s7+$0xEEC0]  }
0x200: {  	v5 =	vld [tilespmem:s7+$0x107C0];
	[tilespmem:s7+$0x120A0] =	vst v1;
	v1 =	vadd.f32 v60, v4  }
0x201: {  	v62 =	vld [tilespmem:s7+$0x120C0];
	[tilespmem:s7+$0x139A0] =	vst v2;
	v2 =	vadd.f32 v3, v4  }
0x202: {  	v3 =	vld [tilespmem:s7+$0x139C0];
	[tilespmem:s7+$0x152A0] =	vst v1;
	v1 =	vadd.f32 v6, v61  }
0x203: {  	v4 =	vadd.f32 v8, v4;
	[tilespmem:s7+$0x16BA0] =	vst v2;
	v2 =	vld [tilespmem:s7+$0x16BC0]  }
0x204: {  	v6 =	vld [tilespmem:s7+$0x152C0];
	[tilespmem:s7+$0xD5C0] =	vst v1;
	v1 =	vadd.f32 v7, v61  }
0x205: {  	[tilespmem:s7+$0x184A0] =	vst v4;
	v4 =	vadd.f32 v5, v61;
	v5 =	vld [tilespmem:s7+$0x184C0]  }
0x206: {  	v8 =	vld [tilespmem:s7+$0xD5E0];
	[tilespmem:s7+$0xEEC0] =	vst v1;
	v1 =	vadd.f32 v62, v61  }
0x207: {  	[tilespmem:s7+$0x107C0] =	vst v4;
	v3 =	vadd.f32 v3, v61;
	v4 =	vld [tilespmem:s7+$0xEEE0]  }
0x208: {  	v63 =	vadd.f32 v2, v61;
	[tilespmem:s7+$0x120C0] =	vst v1;
	v1 =	vld [tilespmem:s7+$0x107E0]  }
0x209: {  	[tilespmem:s7+$0x139C0] =	vst v3;
	v2 =	vld [tilespmem:s7+$0x120E0];
	v6 =	vadd.f32 v6, v61  }
0x20a: {  	v3 =	vld [tilespmem:s7+$0x139E0];
	v7 =	vadd.f32 v5, v61;
	[tilespmem:s7+$0x16BC0] =	vst v63  }
0x20b: {  	s20 =	simm.s32 $0x400;
	s15 =	simm.s32 $0x0;
	s14 =	simm.s32 $0x0;
	v5 =	vld [tilespmem:s7+$0x152E0];
	[tilespmem:s7+$0x152C0] =	vst v6;
	v6 =	vadd.f32 v8, v0  }
.LBB2_7:
0x20c: {  	s21 =	sshra.s32 s20, $0x2;
	[tilespmem:s14+$0x184C0] =	vst v7;
	v4 =	vadd.f32 v4, v0;
	v7 =	vld [tilespmem:s14+$0x16BE0]  }
0x20d: {  	s15 =	sadd.s32 $0x8, s15;
	v8 =	vld [tilespmem:s21+$0x19DE0];
	[tilespmem:s14+$0xD5E0] =	vst v6;
	v1 =	vadd.f32 v1, v0  }
0x20e: {  	p0 =	slt.u32 s15, $0xC0;
	v6 =	vld [tilespmem:s21+$0x184E0];
	[tilespmem:s14+$0xEEE0] =	vst v4;
	v2 =	vadd.f32 v2, v0  }
0x20f: {  	v4 =	vld [tilespmem:s21+$0x19D00];
	[tilespmem:s14+$0x107E0] =	vst v1;
	v1 =	vadd.f32 v3, v0  }
0x210: {  	v3 =	vld [tilespmem:s21+$0xD500];
	[tilespmem:s14+$0x120E0] =	vst v2;
	v2 =	vadd.f32 v5, v0  }
0x211: {  	v5 =	vld [tilespmem:s21+$0xEE00];
	[tilespmem:s14+$0x139E0] =	vst v1;
	v1 =	vadd.f32 v7, v0  }
0x212: {  	v7 =	vld [tilespmem:s21+$0x10700];
	[tilespmem:s14+$0x152E0] =	vst v2;
	v0 =	vmov v8  }
0x213: {  	v2 =	vld [tilespmem:s21+$0x12000];
	v6 =	vadd.f32 v6, v0;
	[tilespmem:s14+$0x16BE0] =	vst v1;
	s14 =	smov.u32 s21  }
0x214: {  	v1 =	vld [tilespmem:s14+$0x13900]  }
0x215: {  	v3 =	vadd.f32 v3, v4;
	v8 =	vld [tilespmem:s14+$0x15200];
	[tilespmem:s14+$0x184E0] =	vst v6  }
0x216: {  	v5 =	vadd.f32 v5, v4;
	v6 =	vld [tilespmem:s14+$0x16B00]  }
0x217: {  	[tilespmem:s14+$0xD500] =	vst v3;
	v3 =	vadd.f32 v7, v4;
	v7 =	vld [tilespmem:s14+$0x18400]  }
0x218: {  	[tilespmem:s14+$0xEE00] =	vst v5;
	v2 =	vadd.f32 v2, v4;
	v5 =	vld [tilespmem:s14+$0x19D20]  }
0x219: {  	[tilespmem:s14+$0x10700] =	vst v3;
	v1 =	vadd.f32 v1, v4;
	v3 =	vld [tilespmem:s14+$0xD520]  }
0x21a: {  	[tilespmem:s14+$0x12000] =	vst v2;
	v2 =	vadd.f32 v8, v4;
	v8 =	vld [tilespmem:s14+$0xEE20]  }
0x21b: {  	[tilespmem:s14+$0x13900] =	vst v1;
	v1 =	vadd.f32 v6, v4;
	v6 =	vld [tilespmem:s14+$0x10720]  }
0x21c: {  	[tilespmem:s14+$0x15200] =	vst v2;
	v2 =	vadd.f32 v7, v4;
	v4 =	vld [tilespmem:s14+$0x12020]  }
0x21d: {  	[tilespmem:s14+$0x16B00] =	vst v1;
	v1 =	vld [tilespmem:s14+$0x13920]  }
0x21e: {  	[tilespmem:s14+$0x18400] =	vst v2;
	v2 =	vadd.f32 v3, v5;
	v3 =	vld [tilespmem:s14+$0x15220]  }
0x21f: {  	v7 =	vadd.f32 v8, v5;
	v8 =	vld [tilespmem:s14+$0x16B20]  }
0x220: {  	[tilespmem:s14+$0xD520] =	vst v2;
	v2 =	vadd.f32 v6, v5;
	v6 =	vld [tilespmem:s14+$0x18420]  }
0x221: {  	[tilespmem:s14+$0xEE20] =	vst v7;
	v4 =	vadd.f32 v4, v5;
	v7 =	vld [tilespmem:s14+$0x19D40]  }
0x222: {  	[tilespmem:s14+$0x10720] =	vst v2;
	v1 =	vadd.f32 v1, v5;
	v2 =	vld [tilespmem:s14+$0xD540]  }
0x223: {  	[tilespmem:s14+$0x12020] =	vst v4;
	v3 =	vadd.f32 v3, v5;
	v4 =	vld [tilespmem:s14+$0xEE40]  }
0x224: {  	[tilespmem:s14+$0x13920] =	vst v1;
	v1 =	vadd.f32 v8, v5;
	v8 =	vld [tilespmem:s14+$0x10740]  }
0x225: {  	[tilespmem:s14+$0x15220] =	vst v3;
	v3 =	vadd.f32 v6, v5;
	v5 =	vld [tilespmem:s14+$0x12040]  }
0x226: {  	[tilespmem:s14+$0x16B20] =	vst v1;
	v1 =	vld [tilespmem:s14+$0x13940]  }
0x227: {  	[tilespmem:s14+$0x18420] =	vst v3;
	v2 =	vadd.f32 v2, v7;
	v3 =	vld [tilespmem:s14+$0x15240]  }
0x228: {  	v4 =	vadd.f32 v4, v7;
	v6 =	vld [tilespmem:s14+$0x16B40]  }
0x229: {  	[tilespmem:s14+$0xD540] =	vst v2;
	v2 =	vadd.f32 v8, v7;
	v8 =	vld [tilespmem:s14+$0x18440]  }
0x22a: {  	[tilespmem:s14+$0xEE40] =	vst v4;
	v4 =	vadd.f32 v5, v7;
	v5 =	vld [tilespmem:s14+$0x19D60]  }
0x22b: {  	[tilespmem:s14+$0x10740] =	vst v2;
	v1 =	vadd.f32 v1, v7;
	v2 =	vld [tilespmem:s14+$0xD560]  }
0x22c: {  	[tilespmem:s14+$0x12040] =	vst v4;
	v3 =	vadd.f32 v3, v7;
	v4 =	vld [tilespmem:s14+$0xEE60]  }
0x22d: {  	[tilespmem:s14+$0x13940] =	vst v1;
	v1 =	vadd.f32 v6, v7;
	v6 =	vld [tilespmem:s14+$0x10760]  }
0x22e: {  	[tilespmem:s14+$0x15240] =	vst v3;
	v3 =	vadd.f32 v8, v7;
	v7 =	vld [tilespmem:s14+$0x12060]  }
0x22f: {  	[tilespmem:s14+$0x16B40] =	vst v1;
	v1 =	vld [tilespmem:s14+$0x13960]  }
0x230: {  	[tilespmem:s14+$0x18440] =	vst v3;
	v2 =	vadd.f32 v2, v5;
	v3 =	vld [tilespmem:s14+$0x15260]  }
0x231: {  	v4 =	vadd.f32 v4, v5;
	v8 =	vld [tilespmem:s14+$0x16B60]  }
0x232: {  	[tilespmem:s14+$0xD560] =	vst v2;
	v2 =	vadd.f32 v6, v5;
	v6 =	vld [tilespmem:s14+$0x18460]  }
0x233: {  	[tilespmem:s14+$0xEE60] =	vst v4;
	v4 =	vadd.f32 v7, v5;
	v7 =	vld [tilespmem:s14+$0x19D80]  }
0x234: {  	[tilespmem:s14+$0x10760] =	vst v2;
	v1 =	vadd.f32 v1, v5;
	v2 =	vld [tilespmem:s14+$0xD580]  }
0x235: {  	[tilespmem:s14+$0x12060] =	vst v4;
	v3 =	vadd.f32 v3, v5;
	v4 =	vld [tilespmem:s14+$0xEE80]  }
0x236: {  	[tilespmem:s14+$0x13960] =	vst v1;
	v1 =	vadd.f32 v8, v5;
	v8 =	vld [tilespmem:s14+$0x10780]  }
0x237: {  	[tilespmem:s14+$0x15260] =	vst v3;
	v3 =	vadd.f32 v6, v5;
	v5 =	vld [tilespmem:s14+$0x12080]  }
0x238: {  	[tilespmem:s14+$0x16B60] =	vst v1;
	v1 =	vld [tilespmem:s14+$0x13980]  }
0x239: {  	[tilespmem:s14+$0x18460] =	vst v3;
	v2 =	vadd.f32 v2, v7;
	v3 =	vld [tilespmem:s14+$0x15280]  }
0x23a: {  	v4 =	vadd.f32 v4, v7;
	v6 =	vld [tilespmem:s14+$0x16B80]  }
0x23b: {  	[tilespmem:s14+$0xD580] =	vst v2;
	v2 =	vadd.f32 v8, v7;
	v8 =	vld [tilespmem:s14+$0x18480]  }
0x23c: {  	[tilespmem:s14+$0xEE80] =	vst v4;
	v4 =	vadd.f32 v5, v7;
	v5 =	vld [tilespmem:s14+$0x19DA0]  }
0x23d: {  	[tilespmem:s14+$0x10780] =	vst v2;
	v1 =	vadd.f32 v1, v7;
	v2 =	vld [tilespmem:s14+$0xD5A0]  }
0x23e: {  	[tilespmem:s14+$0x12080] =	vst v4;
	v3 =	vadd.f32 v3, v7;
	v4 =	vld [tilespmem:s14+$0xEEA0]  }
0x23f: {  	[tilespmem:s14+$0x13980] =	vst v1;
	v1 =	vadd.f32 v6, v7;
	v6 =	vld [tilespmem:s14+$0x107A0]  }
0x240: {  	[tilespmem:s14+$0x15280] =	vst v3;
	v3 =	vadd.f32 v8, v7;
	v7 =	vld [tilespmem:s14+$0x120A0]  }
0x241: {  	[tilespmem:s14+$0x16B80] =	vst v1;
	v1 =	vld [tilespmem:s14+$0x139A0]  }
0x242: {  	[tilespmem:s14+$0x18480] =	vst v3;
	v2 =	vadd.f32 v2, v5;
	v3 =	vld [tilespmem:s14+$0x152A0]  }
0x243: {  	v4 =	vadd.f32 v4, v5;
	v8 =	vld [tilespmem:s14+$0x16BA0]  }
0x244: {  	[tilespmem:s14+$0xD5A0] =	vst v2;
	v2 =	vadd.f32 v6, v5;
	v6 =	vld [tilespmem:s14+$0x184A0]  }
0x245: {  	[tilespmem:s14+$0xEEA0] =	vst v4;
	v4 =	vadd.f32 v7, v5;
	v7 =	vld [tilespmem:s14+$0x19DC0]  }
0x246: {  	[tilespmem:s14+$0x107A0] =	vst v2;
	v1 =	vadd.f32 v1, v5;
	v2 =	vld [tilespmem:s14+$0xD5C0]  }
0x247: {  	[tilespmem:s14+$0x120A0] =	vst v4;
	v3 =	vadd.f32 v3, v5;
	v4 =	vld [tilespmem:s14+$0xEEC0]  }
0x248: {  	[tilespmem:s14+$0x139A0] =	vst v1;
	v1 =	vadd.f32 v8, v5;
	v8 =	vld [tilespmem:s14+$0x107C0]  }
0x249: {  	[tilespmem:s14+$0x152A0] =	vst v3;
	v3 =	vadd.f32 v6, v5;
	v5 =	vld [tilespmem:s14+$0x120C0]  }
0x24a: {  	[tilespmem:s14+$0x16BA0] =	vst v1;
	v1 =	vld [tilespmem:s14+$0x139C0]  }
0x24b: {  	[tilespmem:s14+$0x184A0] =	vst v3;
	v2 =	vadd.f32 v2, v7;
	v3 =	vld [tilespmem:s14+$0x152C0]  }
0x24c: {  	v4 =	vadd.f32 v4, v7;
	v6 =	vld [tilespmem:s14+$0x16BC0]  }
0x24d: {  	[tilespmem:s14+$0xD5C0] =	vst v2;
	v2 =	vadd.f32 v8, v7;
	v8 =	vld [tilespmem:s14+$0x184C0]  }
0x24e: {  	[tilespmem:s14+$0xEEC0] =	vst v4;
	v5 =	vadd.f32 v5, v7;
	v9 =	vld [tilespmem:s14+$0xD5E0]  }
.Ltmp2:
0x24f: {  	[tilespmem:s14+$0x107C0] =	vst v2;
	v2 =	vadd.f32 v1, v7;
	v4 =	vld [tilespmem:s14+$0xEEE0];
	(pc) =	sbr.rel @p0 .LBB2_7-.Ltmp2, $4  }
0x250: {  	[tilespmem:s14+$0x120C0] =	vst v5;
	v3 =	vadd.f32 v3, v7;
	v1 =	vld [tilespmem:s14+$0x107E0]  }
0x251: {  	[tilespmem:s14+$0x139C0] =	vst v2;
	v5 =	vadd.f32 v6, v7;
	v2 =	vld [tilespmem:s14+$0x120E0]  }
0x252: {  	[tilespmem:s14+$0x152C0] =	vst v3;
	v7 =	vadd.f32 v8, v7;
	v3 =	vld [tilespmem:s14+$0x139E0]  }
0x253: {  	s20 =	sadd.s32 $0x400, s20;
	[tilespmem:s14+$0x16BC0] =	vst v5;
	v6 =	vadd.f32 v9, v0;
	v5 =	vld [tilespmem:s14+$0x152E0]  }
0x254: {  	[tilespmem:s14+$0x184C0] =	vst v7;
	v4 =	vadd.f32 v4, v0;
	v7 =	vld [tilespmem:s14+$0x16BE0]  }
0x255: {  	[tilespmem:s14+$0xD5E0] =	vst v6;
	v1 =	vadd.f32 v1, v0  }
0x256: {  	[tilespmem:s14+$0xEEE0] =	vst v4;
	v2 =	vadd.f32 v2, v0  }
0x257: {  	[tilespmem:s14+$0x107E0] =	vst v1;
	v1 =	vadd.f32 v3, v0  }
0x258: {  	[tilespmem:s14+$0x120E0] =	vst v2;
	v2 =	vadd.f32 v5, v0  }
0x259: {  	[tilespmem:s14+$0x139E0] =	vst v1;
	v0 =	vadd.f32 v7, v0  }
0x25a: {  	[tilespmem:s14+$0x152E0] =	vst v2  }
0x25b: {  	[tilespmem:s14+$0x16BE0] =	vst v0  }
0x25c: {  	v0 =	vld [tilespmem:s7+$0x19DF0]  }
0x25d: {  	v1 =	vld [tilespmem:s7+$0x184F0]  }
0x25e: {  	v2 =	vld [tilespmem:s7+$0x19D10]  }
0x25f: {  	v3 =	vld [tilespmem:s7+$0xD510]  }
0x260: {  	v4 =	vld [tilespmem:s7+$0xEE10]  }
0x261: {  	v5 =	vld [tilespmem:s7+$0x10710]  }
0x262: {  	v6 =	vld [tilespmem:s7+$0x12010]  }
0x263: {  	v7 =	vld [tilespmem:s7+$0x13910]  }
0x264: {  	v10 =	vld [tilespmem:s7+$0x19D30]  }
0x265: {  	v11 =	vld [tilespmem:s7+$0xD530]  }
0x266: {  	v8 =	vld [tilespmem:s7+$0x15210]  }
0x267: {  	v9 =	vld [tilespmem:s7+$0x16B10]  }
0x268: {  	v12 =	vld [tilespmem:s7+$0xEE30]  }
0x269: {  	v13 =	vld [tilespmem:s7+$0x10730];
	v3 =	vadd.f32 v3, v2  }
0x26a: {  	v14 =	vld [tilespmem:s7+$0x12030];
	v11 =	vadd.f32 v11, v10  }
0x26b: {  	v15 =	vld [tilespmem:s7+$0x13930];
	v1 =	vadd.f32 v1, v0;
	[tilespmem:s7+$0xD510] =	vst v3  }
0x26c: {  	v16 =	vld [tilespmem:s7+$0x15230];
	v4 =	vadd.f32 v4, v2;
	[tilespmem:s7+$0xD530] =	vst v11  }
0x26d: {  	v17 =	vld [tilespmem:s7+$0x18410];
	[tilespmem:s7+$0x184F0] =	vst v1;
	v1 =	vadd.f32 v5, v2  }
0x26e: {  	v44 =	vld [tilespmem:s7+$0x18430];
	[tilespmem:s7+$0xEE10] =	vst v4;
	v4 =	vadd.f32 v6, v2  }
0x26f: {  	v5 =	vld [tilespmem:s7+$0x19D50];
	[tilespmem:s7+$0x10710] =	vst v1;
	v1 =	vadd.f32 v7, v2  }
0x270: {  	v7 =	vld [tilespmem:s7+$0xEE50];
	[tilespmem:s7+$0x12010] =	vst v4;
	v4 =	vadd.f32 v8, v2  }
0x271: {  	v8 =	vld [tilespmem:s7+$0x10750];
	[tilespmem:s7+$0x13910] =	vst v1;
	v1 =	vadd.f32 v9, v2  }
0x272: {  	v45 =	vld [tilespmem:s7+$0x12050];
	[tilespmem:s7+$0x15210] =	vst v4;
	v2 =	vadd.f32 v17, v2  }
0x273: {  	v46 =	vld [tilespmem:s7+$0x15250];
	[tilespmem:s7+$0x16B10] =	vst v1;
	v1 =	vadd.f32 v12, v10  }
0x274: {  	v47 =	vld [tilespmem:s7+$0x16B50];
	[tilespmem:s7+$0x18410] =	vst v2;
	v2 =	vadd.f32 v13, v10  }
0x275: {  	v4 =	vld [tilespmem:s7+$0x13950];
	v7 =	vadd.f32 v7, v5;
	[tilespmem:s7+$0xEE30] =	vst v1  }
0x276: {  	v48 =	vld [tilespmem:s7+$0x19D70];
	v8 =	vadd.f32 v8, v5;
	[tilespmem:s7+$0x10730] =	vst v2  }
0x277: {  	v3 =	vld [tilespmem:s7+$0x16B30];
	v1 =	vadd.f32 v14, v10;
	[tilespmem:s7+$0xEE50] =	vst v7  }
0x278: {  	v49 =	vld [tilespmem:s7+$0xD570];
	v2 =	vadd.f32 v15, v10;
	[tilespmem:s7+$0x10750] =	vst v8  }
0x279: {  	v50 =	vld [tilespmem:s7+$0xEE70];
	v7 =	vadd.f32 v45, v5;
	[tilespmem:s7+$0x12030] =	vst v1  }
0x27a: {  	v51 =	vld [tilespmem:s7+$0x12070];
	v4 =	vadd.f32 v4, v5;
	[tilespmem:s7+$0x13930] =	vst v2  }
0x27b: {  	v6 =	vld [tilespmem:s7+$0xD550];
	v1 =	vadd.f32 v16, v10;
	[tilespmem:s7+$0x12050] =	vst v7  }
0x27c: {  	v52 =	vld [tilespmem:s7+$0x15270];
	v2 =	vadd.f32 v3, v10;
	[tilespmem:s7+$0x13950] =	vst v4  }
0x27d: {  	v53 =	vld [tilespmem:s7+$0x18470];
	v7 =	vadd.f32 v46, v5;
	[tilespmem:s7+$0x15230] =	vst v1  }
0x27e: {  	v54 =	vld [tilespmem:s7+$0xD590];
	v4 =	vadd.f32 v47, v5;
	[tilespmem:s7+$0x16B30] =	vst v2  }
0x27f: {  	v8 =	vld [tilespmem:s7+$0x19D90];
	v1 =	vadd.f32 v44, v10;
	[tilespmem:s7+$0x15250] =	vst v7  }
0x280: {  	v56 =	vld [tilespmem:s7+$0x15290];
	v2 =	vadd.f32 v6, v5;
	[tilespmem:s7+$0x16B50] =	vst v4  }
0x281: {  	v6 =	vld [tilespmem:s7+$0x13970];
	[tilespmem:s7+$0x18430] =	vst v1;
	v1 =	vadd.f32 v49, v48  }
0x282: {  	v4 =	vadd.f32 v50, v48;
	[tilespmem:s7+$0xD550] =	vst v2;
	v2 =	vld [tilespmem:s7+$0x16B70]  }
0x283: {  	v10 =	vadd.f32 v51, v48;
	[tilespmem:s7+$0xD570] =	vst v1;
	v1 =	vld [tilespmem:s7+$0x18450]  }
0x284: {  	v55 =	vld [tilespmem:s7+$0xEE90];
	[tilespmem:s7+$0xEE70] =	vst v4;
	v4 =	vadd.f32 v54, v8  }
0x285: {  	v3 =	vld [tilespmem:s7+$0x10770];
	[tilespmem:s7+$0x12070] =	vst v10;
	v12 =	vadd.f32 v56, v8  }
0x286: {  	v57 =	vld [tilespmem:s7+$0x18490];
	[tilespmem:s7+$0xD590] =	vst v4;
	v4 =	vadd.f32 v6, v48  }
0x287: {  	v7 =	vld [tilespmem:s7+$0x12090];
	[tilespmem:s7+$0x15290] =	vst v12;
	v2 =	vadd.f32 v2, v48  }
0x288: {  	v58 =	vld [tilespmem:s7+$0xD5B0];
	[tilespmem:s7+$0x13970] =	vst v4;
	v1 =	vadd.f32 v1, v5  }
0x289: {  	v4 =	vld [tilespmem:s7+$0x19DB0];
	[tilespmem:s7+$0x16B70] =	vst v2;
	v2 =	vadd.f32 v55, v8  }
0x28a: {  	v5 =	vld [tilespmem:s7+$0x10790];
	[tilespmem:s7+$0x18450] =	vst v1;
	v1 =	vadd.f32 v3, v48  }
0x28b: {  	v6 =	vadd.f32 v52, v48;
	v3 =	vld [tilespmem:s7+$0x13990];
	[tilespmem:s7+$0xEE90] =	vst v2  }
0x28c: {  	v2 =	vadd.f32 v7, v8;
	[tilespmem:s7+$0x10770] =	vst v1;
	v1 =	vld [tilespmem:s7+$0x16B90]  }
0x28d: {  	v59 =	vld [tilespmem:s7+$0xEEB0];
	[tilespmem:s7+$0x15270] =	vst v6;
	v6 =	vadd.f32 v53, v48  }
0x28e: {  	v60 =	vld [tilespmem:s7+$0x152B0];
	[tilespmem:s7+$0x12090] =	vst v2;
	v2 =	vadd.f32 v58, v4  }
0x28f: {  	[tilespmem:s7+$0x18470] =	vst v6;
	v6 =	vld [tilespmem:s7+$0x107B0];
	v5 =	vadd.f32 v5, v8  }
0x290: {  	v7 =	vld [tilespmem:s7+$0x120B0];
	[tilespmem:s7+$0xD5B0] =	vst v2;
	v3 =	vadd.f32 v3, v8  }
0x291: {  	[tilespmem:s7+$0x10790] =	vst v5;
	v5 =	vld [tilespmem:s7+$0x139B0];
	v1 =	vadd.f32 v1, v8  }
0x292: {  	v61 =	vld [tilespmem:s7+$0x19DD0];
	v2 =	vadd.f32 v57, v8;
	[tilespmem:s7+$0x13990] =	vst v3  }
0x293: {  	v3 =	vld [tilespmem:s7+$0x16BB0];
	[tilespmem:s7+$0x16B90] =	vst v1;
	v1 =	vadd.f32 v59, v4  }
0x294: {  	[tilespmem:s7+$0x18490] =	vst v2;
	v2 =	vadd.f32 v6, v4;
	v6 =	vld [tilespmem:s7+$0xD5D0]  }
0x295: {  	v8 =	vld [tilespmem:s7+$0x184B0];
	[tilespmem:s7+$0xEEB0] =	vst v1;
	v1 =	vadd.f32 v7, v4  }
0x296: {  	[tilespmem:s7+$0x107B0] =	vst v2;
	v2 =	vadd.f32 v5, v4;
	v7 =	vld [tilespmem:s7+$0xEED0]  }
0x297: {  	v5 =	vld [tilespmem:s7+$0x107D0];
	[tilespmem:s7+$0x120B0] =	vst v1;
	v1 =	vadd.f32 v60, v4  }
0x298: {  	v62 =	vld [tilespmem:s7+$0x120D0];
	[tilespmem:s7+$0x139B0] =	vst v2;
	v2 =	vadd.f32 v3, v4  }
0x299: {  	v3 =	vld [tilespmem:s7+$0x139D0];
	[tilespmem:s7+$0x152B0] =	vst v1;
	v1 =	vadd.f32 v6, v61  }
0x29a: {  	v4 =	vadd.f32 v8, v4;
	[tilespmem:s7+$0x16BB0] =	vst v2;
	v2 =	vld [tilespmem:s7+$0x16BD0]  }
0x29b: {  	v6 =	vld [tilespmem:s7+$0x152D0];
	[tilespmem:s7+$0xD5D0] =	vst v1;
	v1 =	vadd.f32 v7, v61  }
0x29c: {  	[tilespmem:s7+$0x184B0] =	vst v4;
	v4 =	vadd.f32 v5, v61;
	v5 =	vld [tilespmem:s7+$0x184D0]  }
0x29d: {  	v8 =	vld [tilespmem:s7+$0xD5F0];
	[tilespmem:s7+$0xEED0] =	vst v1;
	v1 =	vadd.f32 v62, v61  }
0x29e: {  	[tilespmem:s7+$0x107D0] =	vst v4;
	v3 =	vadd.f32 v3, v61;
	v4 =	vld [tilespmem:s7+$0xEEF0]  }
0x29f: {  	v63 =	vadd.f32 v2, v61;
	[tilespmem:s7+$0x120D0] =	vst v1;
	v1 =	vld [tilespmem:s7+$0x107F0]  }
0x2a0: {  	[tilespmem:s7+$0x139D0] =	vst v3;
	v2 =	vld [tilespmem:s7+$0x120F0];
	v6 =	vadd.f32 v6, v61  }
0x2a1: {  	v3 =	vld [tilespmem:s7+$0x139F0];
	v7 =	vadd.f32 v5, v61;
	[tilespmem:s7+$0x16BD0] =	vst v63  }
0x2a2: {  	s15 =	simm.s32 $0x400;
	s14 =	simm.s32 $0x0;
	v5 =	vld [tilespmem:s7+$0x152F0];
	[tilespmem:s7+$0x152D0] =	vst v6;
	v6 =	vadd.f32 v8, v0  }
.LBB2_9:
0x2a3: {  	s20 =	sshra.s32 s15, $0x2;
	[tilespmem:s7+$0x184D0] =	vst v7;
	v4 =	vadd.f32 v4, v0;
	v7 =	vld [tilespmem:s7+$0x16BF0]  }
0x2a4: {  	s14 =	sadd.s32 $0x8, s14;
	v8 =	vld [tilespmem:s20+$0x19DF0];
	[tilespmem:s7+$0xD5F0] =	vst v6;
	v1 =	vadd.f32 v1, v0  }
0x2a5: {  	p0 =	slt.u32 s14, $0xC0;
	v6 =	vld [tilespmem:s20+$0x184F0];
	[tilespmem:s7+$0xEEF0] =	vst v4;
	v2 =	vadd.f32 v2, v0  }
0x2a6: {  	v4 =	vld [tilespmem:s20+$0x19D10];
	[tilespmem:s7+$0x107F0] =	vst v1;
	v1 =	vadd.f32 v3, v0  }
0x2a7: {  	v3 =	vld [tilespmem:s20+$0xD510];
	[tilespmem:s7+$0x120F0] =	vst v2;
	v2 =	vadd.f32 v5, v0  }
0x2a8: {  	v5 =	vld [tilespmem:s20+$0xEE10];
	[tilespmem:s7+$0x139F0] =	vst v1;
	v1 =	vadd.f32 v7, v0  }
0x2a9: {  	v7 =	vld [tilespmem:s20+$0x10710];
	[tilespmem:s7+$0x152F0] =	vst v2;
	v0 =	vmov v8  }
0x2aa: {  	v2 =	vld [tilespmem:s20+$0x12010];
	v6 =	vadd.f32 v6, v0;
	[tilespmem:s7+$0x16BF0] =	vst v1;
	s7 =	smov.u32 s20  }
0x2ab: {  	v1 =	vld [tilespmem:s7+$0x13910]  }
0x2ac: {  	v3 =	vadd.f32 v3, v4;
	v8 =	vld [tilespmem:s7+$0x15210];
	[tilespmem:s7+$0x184F0] =	vst v6  }
0x2ad: {  	v5 =	vadd.f32 v5, v4;
	v6 =	vld [tilespmem:s7+$0x16B10]  }
0x2ae: {  	[tilespmem:s7+$0xD510] =	vst v3;
	v3 =	vadd.f32 v7, v4;
	v7 =	vld [tilespmem:s7+$0x18410]  }
0x2af: {  	[tilespmem:s7+$0xEE10] =	vst v5;
	v2 =	vadd.f32 v2, v4;
	v5 =	vld [tilespmem:s7+$0x19D30]  }
0x2b0: {  	[tilespmem:s7+$0x10710] =	vst v3;
	v1 =	vadd.f32 v1, v4;
	v3 =	vld [tilespmem:s7+$0xD530]  }
0x2b1: {  	[tilespmem:s7+$0x12010] =	vst v2;
	v2 =	vadd.f32 v8, v4;
	v8 =	vld [tilespmem:s7+$0xEE30]  }
0x2b2: {  	[tilespmem:s7+$0x13910] =	vst v1;
	v1 =	vadd.f32 v6, v4;
	v6 =	vld [tilespmem:s7+$0x10730]  }
0x2b3: {  	[tilespmem:s7+$0x15210] =	vst v2;
	v2 =	vadd.f32 v7, v4;
	v4 =	vld [tilespmem:s7+$0x12030]  }
0x2b4: {  	[tilespmem:s7+$0x16B10] =	vst v1;
	v1 =	vld [tilespmem:s7+$0x13930]  }
0x2b5: {  	[tilespmem:s7+$0x18410] =	vst v2;
	v2 =	vadd.f32 v3, v5;
	v3 =	vld [tilespmem:s7+$0x15230]  }
0x2b6: {  	v7 =	vadd.f32 v8, v5;
	v8 =	vld [tilespmem:s7+$0x16B30]  }
0x2b7: {  	[tilespmem:s7+$0xD530] =	vst v2;
	v2 =	vadd.f32 v6, v5;
	v6 =	vld [tilespmem:s7+$0x18430]  }
0x2b8: {  	[tilespmem:s7+$0xEE30] =	vst v7;
	v4 =	vadd.f32 v4, v5;
	v7 =	vld [tilespmem:s7+$0x19D50]  }
0x2b9: {  	[tilespmem:s7+$0x10730] =	vst v2;
	v1 =	vadd.f32 v1, v5;
	v2 =	vld [tilespmem:s7+$0xD550]  }
0x2ba: {  	[tilespmem:s7+$0x12030] =	vst v4;
	v3 =	vadd.f32 v3, v5;
	v4 =	vld [tilespmem:s7+$0xEE50]  }
0x2bb: {  	[tilespmem:s7+$0x13930] =	vst v1;
	v1 =	vadd.f32 v8, v5;
	v8 =	vld [tilespmem:s7+$0x10750]  }
0x2bc: {  	[tilespmem:s7+$0x15230] =	vst v3;
	v3 =	vadd.f32 v6, v5;
	v5 =	vld [tilespmem:s7+$0x12050]  }
0x2bd: {  	[tilespmem:s7+$0x16B30] =	vst v1;
	v1 =	vld [tilespmem:s7+$0x13950]  }
0x2be: {  	[tilespmem:s7+$0x18430] =	vst v3;
	v2 =	vadd.f32 v2, v7;
	v3 =	vld [tilespmem:s7+$0x15250]  }
0x2bf: {  	v4 =	vadd.f32 v4, v7;
	v6 =	vld [tilespmem:s7+$0x16B50]  }
0x2c0: {  	[tilespmem:s7+$0xD550] =	vst v2;
	v2 =	vadd.f32 v8, v7;
	v8 =	vld [tilespmem:s7+$0x18450]  }
0x2c1: {  	[tilespmem:s7+$0xEE50] =	vst v4;
	v4 =	vadd.f32 v5, v7;
	v5 =	vld [tilespmem:s7+$0x19D70]  }
0x2c2: {  	[tilespmem:s7+$0x10750] =	vst v2;
	v1 =	vadd.f32 v1, v7;
	v2 =	vld [tilespmem:s7+$0xD570]  }
0x2c3: {  	[tilespmem:s7+$0x12050] =	vst v4;
	v3 =	vadd.f32 v3, v7;
	v4 =	vld [tilespmem:s7+$0xEE70]  }
0x2c4: {  	[tilespmem:s7+$0x13950] =	vst v1;
	v1 =	vadd.f32 v6, v7;
	v6 =	vld [tilespmem:s7+$0x10770]  }
0x2c5: {  	[tilespmem:s7+$0x15250] =	vst v3;
	v3 =	vadd.f32 v8, v7;
	v7 =	vld [tilespmem:s7+$0x12070]  }
0x2c6: {  	[tilespmem:s7+$0x16B50] =	vst v1;
	v1 =	vld [tilespmem:s7+$0x13970]  }
0x2c7: {  	[tilespmem:s7+$0x18450] =	vst v3;
	v2 =	vadd.f32 v2, v5;
	v3 =	vld [tilespmem:s7+$0x15270]  }
0x2c8: {  	v4 =	vadd.f32 v4, v5;
	v8 =	vld [tilespmem:s7+$0x16B70]  }
0x2c9: {  	[tilespmem:s7+$0xD570] =	vst v2;
	v2 =	vadd.f32 v6, v5;
	v6 =	vld [tilespmem:s7+$0x18470]  }
0x2ca: {  	[tilespmem:s7+$0xEE70] =	vst v4;
	v4 =	vadd.f32 v7, v5;
	v7 =	vld [tilespmem:s7+$0x19D90]  }
0x2cb: {  	[tilespmem:s7+$0x10770] =	vst v2;
	v1 =	vadd.f32 v1, v5;
	v2 =	vld [tilespmem:s7+$0xD590]  }
0x2cc: {  	[tilespmem:s7+$0x12070] =	vst v4;
	v3 =	vadd.f32 v3, v5;
	v4 =	vld [tilespmem:s7+$0xEE90]  }
0x2cd: {  	[tilespmem:s7+$0x13970] =	vst v1;
	v1 =	vadd.f32 v8, v5;
	v8 =	vld [tilespmem:s7+$0x10790]  }
0x2ce: {  	[tilespmem:s7+$0x15270] =	vst v3;
	v3 =	vadd.f32 v6, v5;
	v5 =	vld [tilespmem:s7+$0x12090]  }
0x2cf: {  	[tilespmem:s7+$0x16B70] =	vst v1;
	v1 =	vld [tilespmem:s7+$0x13990]  }
0x2d0: {  	[tilespmem:s7+$0x18470] =	vst v3;
	v2 =	vadd.f32 v2, v7;
	v3 =	vld [tilespmem:s7+$0x15290]  }
0x2d1: {  	v4 =	vadd.f32 v4, v7;
	v6 =	vld [tilespmem:s7+$0x16B90]  }
0x2d2: {  	[tilespmem:s7+$0xD590] =	vst v2;
	v2 =	vadd.f32 v8, v7;
	v8 =	vld [tilespmem:s7+$0x18490]  }
0x2d3: {  	[tilespmem:s7+$0xEE90] =	vst v4;
	v4 =	vadd.f32 v5, v7;
	v5 =	vld [tilespmem:s7+$0x19DB0]  }
0x2d4: {  	[tilespmem:s7+$0x10790] =	vst v2;
	v1 =	vadd.f32 v1, v7;
	v2 =	vld [tilespmem:s7+$0xD5B0]  }
0x2d5: {  	[tilespmem:s7+$0x12090] =	vst v4;
	v3 =	vadd.f32 v3, v7;
	v4 =	vld [tilespmem:s7+$0xEEB0]  }
0x2d6: {  	[tilespmem:s7+$0x13990] =	vst v1;
	v1 =	vadd.f32 v6, v7;
	v6 =	vld [tilespmem:s7+$0x107B0]  }
0x2d7: {  	[tilespmem:s7+$0x15290] =	vst v3;
	v3 =	vadd.f32 v8, v7;
	v7 =	vld [tilespmem:s7+$0x120B0]  }
0x2d8: {  	[tilespmem:s7+$0x16B90] =	vst v1;
	v1 =	vld [tilespmem:s7+$0x139B0]  }
0x2d9: {  	[tilespmem:s7+$0x18490] =	vst v3;
	v2 =	vadd.f32 v2, v5;
	v3 =	vld [tilespmem:s7+$0x152B0]  }
0x2da: {  	v4 =	vadd.f32 v4, v5;
	v8 =	vld [tilespmem:s7+$0x16BB0]  }
0x2db: {  	[tilespmem:s7+$0xD5B0] =	vst v2;
	v2 =	vadd.f32 v6, v5;
	v6 =	vld [tilespmem:s7+$0x184B0]  }
0x2dc: {  	[tilespmem:s7+$0xEEB0] =	vst v4;
	v4 =	vadd.f32 v7, v5;
	v7 =	vld [tilespmem:s7+$0x19DD0]  }
0x2dd: {  	[tilespmem:s7+$0x107B0] =	vst v2;
	v1 =	vadd.f32 v1, v5;
	v2 =	vld [tilespmem:s7+$0xD5D0]  }
0x2de: {  	[tilespmem:s7+$0x120B0] =	vst v4;
	v3 =	vadd.f32 v3, v5;
	v4 =	vld [tilespmem:s7+$0xEED0]  }
0x2df: {  	[tilespmem:s7+$0x139B0] =	vst v1;
	v1 =	vadd.f32 v8, v5;
	v8 =	vld [tilespmem:s7+$0x107D0]  }
0x2e0: {  	[tilespmem:s7+$0x152B0] =	vst v3;
	v3 =	vadd.f32 v6, v5;
	v5 =	vld [tilespmem:s7+$0x120D0]  }
0x2e1: {  	[tilespmem:s7+$0x16BB0] =	vst v1;
	v1 =	vld [tilespmem:s7+$0x139D0]  }
0x2e2: {  	[tilespmem:s7+$0x184B0] =	vst v3;
	v2 =	vadd.f32 v2, v7;
	v3 =	vld [tilespmem:s7+$0x152D0]  }
0x2e3: {  	v4 =	vadd.f32 v4, v7;
	v6 =	vld [tilespmem:s7+$0x16BD0]  }
0x2e4: {  	[tilespmem:s7+$0xD5D0] =	vst v2;
	v2 =	vadd.f32 v8, v7;
	v8 =	vld [tilespmem:s7+$0x184D0]  }
0x2e5: {  	[tilespmem:s7+$0xEED0] =	vst v4;
	v5 =	vadd.f32 v5, v7;
	v9 =	vld [tilespmem:s7+$0xD5F0]  }
.Ltmp3:
0x2e6: {  	[tilespmem:s7+$0x107D0] =	vst v2;
	v2 =	vadd.f32 v1, v7;
	v4 =	vld [tilespmem:s7+$0xEEF0];
	(pc) =	sbr.rel @p0 .LBB2_9-.Ltmp3, $4  }
0x2e7: {  	[tilespmem:s7+$0x120D0] =	vst v5;
	v3 =	vadd.f32 v3, v7;
	v1 =	vld [tilespmem:s7+$0x107F0]  }
0x2e8: {  	[tilespmem:s7+$0x139D0] =	vst v2;
	v5 =	vadd.f32 v6, v7;
	v2 =	vld [tilespmem:s7+$0x120F0]  }
0x2e9: {  	[tilespmem:s7+$0x152D0] =	vst v3;
	v7 =	vadd.f32 v8, v7;
	v3 =	vld [tilespmem:s7+$0x139F0]  }
0x2ea: {  	s15 =	sadd.s32 $0x400, s15;
	[tilespmem:s7+$0x16BD0] =	vst v5;
	v6 =	vadd.f32 v9, v0;
	v5 =	vld [tilespmem:s7+$0x152F0]  }
0x2eb: {  	[tilespmem:s7+$0x184D0] =	vst v7;
	v4 =	vadd.f32 v4, v0;
	v60 =	vld [tilespmem:s7+$0x16BF0]  }
0x2ec: {  	[tilespmem:s7+$0xD5F0] =	vst v6;
	v1 =	vadd.f32 v1, v0  }
0x2ed: {  	s12 =	sadd.s32 s12, s4;
	s9 =	sadd.s32 $0x1, s9;
	[tilespmem:s7+$0xEEF0] =	vst v4;
	v2 =	vadd.f32 v2, v0  }
0x2ee: {  	s12 =	smul.u32 $0x190, s12;
	p0 =	sne.s32 s9, $0x8;
	[tilespmem:s7+$0x107F0] =	vst v1;
	v61 =	vadd.f32 v3, v0  }
.Ltmp4:
0x2ef: {  	[tilespmem:s7+$0x120F0] =	vst v2;
	v62 =	vadd.f32 v5, v0;
	(pc) =	sbr.rel @p0 .LBB2_2-.Ltmp4, $4  }
0x2f0: {  	[tilespmem:s7+$0x139F0] =	vst v61;
	v63 =	vadd.f32 v60, v0  }
0x2f1: {  	s12 =	sadd.s32 s2, s12;
	[tilespmem:s7+$0x152F0] =	vst v62  }
0x2f2: {  	s21 =	sadd.s32 $0x1900, s12;
	[tilespmem:s7+$0x16BF0] =	vst v63  }
0x2f3: {  	[hbm4b:s21+s3] =	stream.linear.scatter [tilespmem:s19], [sflag:$0x6], $0xC800, $0x38;
	[tilespmem:$0x1B600] =	vst v63  }
0x2f4: {  	s9 =	simm.s32 $0x6  }
0x2f5: {  	_ =	swait.ge [sflag:s9], $0xC800  }
0x2f6: {  	s12 =	rddreg [dreg:$0x7]  }
0x2f7: {  	s7 =	rddreg [dreg:$0x6];
	s12 =	sadd.s32 $0x1, s12  }
0x2f8: {  	p0 =	sne.s32 s12, s7  }
.Ltmp5:
0x2f9: {  	_ = 	snop;
	(pc) =	sbr.rel @p0 .LBB2_1-.Ltmp5, $3  }
0x2fa: {  	_ =	sdelay $0x1  }
0x2fb: {  	[sflag:s9] =	ssyncset.done $0x0  }
0x2fc: {  	[sflag:s9] =	ssyncadd.s32 $0xFFFF3800  }
0x2fd: {  	_ =	sfence.sel $0x180000  }
0x2fe: {  	[bflag:$0x0] =	sbarrier.arrive $0xFFFF  }
0x2ff: {  	_ =	strace $0x90000047  }
0x300: {  	s0 =	stileid.u32;
	[bflag:$0x2] =	sbarrier.arrive $0xFFFF  }
0x301: {  	p0 =	sne.s32 s0, $0x0;
	s0 =	rddreg [dreg:$0x2]  }
0x302: {  	s0 =	sadd.s32 @!p0 $0x100000, s0  }
0x303: {  	[sflag:s0] =	ssyncadd.tile.s32 @!p0 $0x1;
	_ =	shalt  }
.Lfunc_end2:
_tile_overlayer_lowered:
.L_overlay_start_2:
0x304: {  	(tag) =	ssettag $0x2  }
0x305: {  	s0 =	rddreg [dreg:$0x0];
	s2 =	stileid.u32  }
0x306: {  	s1 =	rddreg [dreg:$0x1];
	p0 =	sne.s32 s2, $0x0  }
0x307: {  	s3 =	rddreg [dreg:$0x2];
	[bflag:$0x3] =	sbarrier.arrive $0xFFFF;
	s2 =	simm.s32 @!p0 $0x1C07  }
0x308: {  	[timem:s3], [sflag:s2] =	dma.local @!p0 [hbm:s0], s1  }
0x309: {  	s0 =	simm.s32 @!p0 $0x7  }
0x30a: {  	_ =	swait.ge @!p0 [sflag:s0], s1  }
0x30b: {  	s1 =	ssub.s32 @!p0 $0x0, s1;
	[sflag:s0] =	ssyncset.done @!p0 $0x0  }
0x30c: {  	[sflag:s0] =	ssyncadd.s32 @!p0 s1  }
0x30d: {  	[bflag:$0x3] =	sbarrier.arrive $0xFFFF  }
0x30e: {  	_ =	shalt  }

// kernel: sparse-core-data-format-call.cloned.1.call-start
scs
called_computation_lowered:
.L_overlay_start_0:
0x0: {  	s2 =	sld [smem:$0x3FD9]  }
0x1: {  	s3 =	sld [smem:$0x3FFE];
	_ =	sdelay $0x1  }
0x2: {  	s1 =	srdreg.scid  }
0x3: {  	s0 =	sand.u32 $0x1, s1  }
0x4: {  	s18 =	sshll.u32 s0, $0xA;
	s2 =	sadd.s32 s3, s2  }
0x5: {  	s2 =	sadd.s32 s2, s18  }
0x6: {  	[smem:$0x3FC5] =	sst s2  }
0x7: {  	_ = 	snop  }
0x8: {  	s2 =	sld [smem:$0x3FD0];
	(tm) =	ssettm $0x1  }
0x9: {  	s19 =	sld [smem:$0x3FFB];
	_ =	sdelay $0x3  }
0xa: {  	_ =	strace s19  }
0xb: {  	s3 =	sld [smem:$0x3FFC];
	_ =	sdelay $0x3  }
0xc: {  	_ =	strace s3  }
0xd: {  	s3 =	sld [smem:$0x3FFD];
	_ =	sdelay $0x3  }
0xe: {  	_ =	strace s3  }
0xf: {  	_ =	strace $0x8FFFFFFF  }
0x10: {  	s20 =	sld [smem:$0x3FDB];
	_ =	sdelay $0x1  }
0x11: {  	s4 =	simm.s32 $_scs_section_size  }
0x12: {  	s5 =	simm.s32 $_size__tile_overlayer_lowered;
	s6 =	simm.s32 $_tile_overlayer_lowered  }
0x13: {  	s23 =	simm.s32 $0x1BFF;
	s22 =	sshll.u32 s6, $0x1;
	s3 =	sadd.s32 s4, s20  }
0x14: {  	s7 =	simm.s32 $0x0;
	s21 =	sshll.u32 s5, $0x1;
	s5 =	sadd.s32 s22, s3  }
0x15: {  	[timem:s7], [sflag:s23] =	dma.local [hbm:s5], s21  }
0x16: {  	_ =	swait.ge [sflag:s23], s21  }
0x17: {  	s4 =	ssub.s32 $0x0, s21;
	[sflag:s23] =	ssyncset.done $0x0  }
0x18: {  	[sflag:s23] =	ssyncadd.s32 s4;
	_ =	sdelay $0x1  }
0x19: {  	s24 =	simm.s32 $0x1B8B  }
0x1a: {  	_ =	swait.ge [sflag:s24], $0x1  }
0x1b: {  	[sflag:s24] =	ssyncset.done $0x0  }
0x1c: {  	s26 =	simm.s32 $0x1B8E;
	s25 =	sld [smem:$0x3FFE];
	[sflag:s24] =	ssyncadd.s32 $0xFFFFFFFF  }
0x1d: {  	s27 =	simm.s32 $execute0_lowered;
	[smem:$0x3FD2] =	sst s26  }
0x1e: {  	s5 =	sshll.u32 s27, $0x1;
	_ =	strace $0x80000049;
	[dreg:$0x1] =	wrdreg $0xFFFFFFFF  }
0x1f: {  	s28 =	simm.s32 $_size_execute0_lowered;
	s3 =	sadd.s32 s3, s5;
	[dreg:$0x0] =	wrdreg $0x0  }
0x20: {  	s5 =	sshll.u32 s28, $0x1;
	[dreg:$0x2] =	wrdreg s3  }
0x21: {  	[dreg:$0x3] =	wrdreg s5  }
0x22: {  	[dreg:$0x4] =	wrdreg $0xC0  }
0x23: {  	_ =	task [dreg:s7], $0x5FFFF  }
0x24: {  	[dreg:$0x1] =	wrdreg $0xFFFFFFFF  }
0x25: {  	[dreg:$0x0] =	wrdreg $0x60  }
0x26: {  	[dreg:$0x2] =	wrdreg s25  }
0x27: {  	[dreg:$0x3] =	wrdreg s2  }
0x28: {  	[dreg:$0x4] =	wrdreg $0x9  }
0x29: {  	_ =	task.clear_ibuf [dreg:s7], $0x5FFFF;
	_ =	strace $0x90000049  }
0x2a: {  	s29 =	simm.s32 $0x9;
	_ =	strace $0x8000004B  }
0x2b: {  	_ =	swait.ge [sflag:s29], $0x1  }
0x2c: {  	[sflag:s29] =	ssyncadd.s32 $0xFFFFFFFF  }
0x2d: {  	_ =	strace $0x9000004B  }
0x2e: {  	_ =	sfence  }
0x2f: {  	s30 =	sld [smem:$0x0];
	_ =	sdelay $0x2  }
0x30: {  	s31 =	sshll.u32 s1, $0xD;
	s1 =	sshrl.u32 s1, $0x2  }
0x31: {  	s3 =	sand.u32 $0x4000, s31;
	s1 =	sadd.s32 s1, s30  }
0x32: {  	s0 =	sor.u32 s3, s0;
	s1 =	sshll.u32 s1, $0x11  }
0x33: {  	s0 =	sor.u32 s1, s0  }
0x34: {  	s0 =	sadd.s32 $0x8F2B, s0  }
0x35: {  	[sflag:s0] =	ssyncadd.remote.s32 $0x1  }
0x36: {  	_ =	sfence.sel $0xFFFF  }
0x37: {  	[dreg:$0x0] =	wrdreg $0xFFFFFFFF;
	(pc) =	sbr.abs _section_cstart, $3  }
0x38: {  	[dreg:$0x1] =	wrdreg $0xFFFFFFFF  }
0x39: {  	_ =	task.clear_ibuf [dreg:s7], $0x2FFFF;
	_ =	strace $0x9FFFFFFF  }
0x3a: {  	(tm) =	ssettm $0x7FFFFFFF  }
0x3b: {  	_ =	shalt  }
tec
execute0_lowered:
.L_overlay_start_1:
0x0: {  	(tag) =	ssettag $0x1  }
0x1: {  	s0 =	srdreg.scid  }
0x2: {  	s1 =	sshll.u32 s0, $0x4  }
0x3: {  	s0 =	stileid.u32;
	s1 =	sand.u32 $0x10, s1  }
0x4: {  	s1 =	sor.u32 s0, s1  }
0x5: {  	s6 =	rddreg [dreg:$0x0];
	s4 =	simm.s32 $0x1;
	s2 =	sshll.u32 s1, $0x7  }
0x6: {  	s7 =	simm.s32 $0x2;
	s12 =	simm.s32 $0x0;
	s1 =	ssub.s32 $0x1000, s2  }
0x7: {  	s8 =	simm.s32 $0x8000;
	s13 =	simm.s32 $0x0;
	s3 =	sand.u32 $0xF80, s1  }
0x8: {  	s9 =	simm.s32 $0x0;
	s5 =	sshrl.u32 s1, $0xC;
	p0 =	sne.s32 s3, $0x0  }
.Ltmp0:
0x9: {  	s1 =	rddreg [dreg:$0x2];
	s4 =	simm.s32 @!p0 $0x0;
	(pc) =	sbr.rel .LBB1_1-.Ltmp0, $4  }
0xa: {  	s11 =	simm.s32 $0x0;
	s3 =	rddreg [dreg:$0x1];
	s5 =	sadd.s32 s4, s5  }
0xb: {  	_ =	strace $0x8000004A;
	s4 =	simm.s32 $0x1;
	s5 =	smul.u32 $0xC8, s5  }
0xc: {  	s6 =	sadd.s32 $0xC00, s6;
	s10 =	smov.u32 s2;
	[sflag:s4] =	ssyncpa.u1 $0x0  }
0xd: {  	p0 =	por $0x0, $0x0;
	[sflag:s7] =	ssyncpa.u1 $0x0;
	s7 =	sor.u32 $0x1, s5  }
.LBB1_4:
0xe: {  	s16 =	sshll.u32 s13, $0x3;
	s17 =	sand.u32 $0x78, s13  }
0xf: {  	s30 =	sand.u32 $0x3E00, s13;
	s12 =	sshll.u32 s12, $0xE;
	s16 =	sand.u32 $0xC00, s16  }
0x10: {  	s31 =	sand.u32 $0x7, s13;
	s16 =	sor.u32 s17, s16;
	s17 =	sadd.s32 s3, s30  }
0x11: {  	s13 =	sshll.u32 s31, $0x12;
	s16 =	sshrl.u32 s16, $0x3;
	s12 =	sadd.s32 s12, s17  }
0x12: {  	[tilespmem:s15+$0x0 ss:$0x81] =	vst.msk $0xffff, v0;
	s13 =	sor.u32 $0x400, s13;
	s12 =	sadd.s32 s16, s12  }
0x13: {  	[hbm4b:s12+s13] =	stream.strided.scatter [tilespmem:s14], [sflag:$0x2], $0x1000, s8, s13, $0x20;
	[tilespmem:$0x4040] =	vst v63  }
.LBB1_5:
0x14: {  	s14 =	sadd.s32 $0x1, s9  }
0x15: {  	s12 =	sadd.s32 $0x1000, s10;
	s16 =	smov.u32 s10;
	p2 =	sgt.s32 s14, $0xC7  }
0x16: {  	s16 =	smov.u32 @p2 s12  }
0x17: {  	s14 =	simm.s32 @p2 $0x0;
	p2 =	sgt.s32 s16, $0xFFF  }
0x18: {  	s16 =	smov.u32 @p2 s2;
	p2 =	sne.s32 s11, s7  }
.Ltmp1:
0x19: {  	p1 =	slt.u32 s11, $0x2;
	(pc) =	sbr.rel @!p2 .LBB1_6-.Ltmp1, $4  }
0x1a: {  	s15 =	simm.s32 @!p1 $0x2  }
0x1b: {  	s13 =	smov.u32 s10;
	p0 =	por !p0, !p0;
	_ =	swait.ge @!p1 [sflag:s15], $0x1000  }
0x1c: {  	s12 =	smov.u32 s9;
	[sflag:s15] =	ssyncset.done @!p1 $0x0;
	s9 =	smov.u32 s14  }
0x1d: {  	s11 =	sadd.s32 $0x1, s11;
	[sflag:s15] =	ssyncadd.s32 @!p1 $0xFFFFF000;
	s10 =	smov.u32 s16  }
.LBB1_1:
0x1e: {  	p1 =	sge.u32 s11, s5  }
0x1f: {  	s14 =	sand.u32 @!p1 $0x1FFFFFF, s9  }
0x20: {  	s15 =	smulhi.u32 @!p1 $0x147AE15, s14;
	_ =	sdelay $0x1  }
0x21: {  	s15 =	smul.u32 @!p1 $0xC8, s15  }
0x22: {  	s16 =	sxor.u32 @!p1 $0xFFFFFFFF, s11;
	s17 =	smul.u32 @!p1 $0xC80, s10  }
0x23: {  	s31 =	sadd.s32 $0xFFFFFFFF, s11;
	s16 =	sshll.u32 @!p1 s16, $0xC;
	s14 =	ssub.s32 @!p1 s14, s15  }
0x24: {  	s15 =	sand.u32 @!p1 $0x1000, s16;
	s16 =	sadd.s32 @!p1 s6, s17;
	s14 =	sshll.u32 @!p1 s14, $0x4  }
0x25: {  	s17 =	simm.s32 @!p1 $0x6400;
	s14 =	sadd.s32 @!p1 s14, s16;
	s16 =	simm.s32 @!p1 $0x20  }
0x26: {  	[tilespmem:s15], [sflag:$0x1] =	stream.strided.gather @!p1 [hbm4b:s14+s16], $0x1000, s17, s16, $0x38;
	[tilespmem:$0x4040] =	vst v63  }
0x27: {  	p1 =	sge.u32 s31, s5  }
.Ltmp2:
0x28: {  	_ = 	snop;
	(pc) =	sbr.rel @p1 .LBB1_5-.Ltmp2, $1  }
0x29: {  	_ =	sdelay $0x3  }
0x2a: {  	s14 =	simm.s32 $0x1  }
0x2b: {  	_ =	swait.ge [sflag:s4], $0x1000;
	s14 =	simm.s32 @!p0 $0x0  }
0x2c: {  	[sflag:s4] =	ssyncset.done $0x0;
	s15 =	sshll.u32 s14, $0xC  }
0x2d: {  	[sflag:s4] =	ssyncadd.s32 $0xFFFFF000;
	s18 =	sor.u32 $0x10, s15  }
0x2e: {  	s14 =	smul.u32 $0x4080, s14;
	v1 =	vld [tilespmem:s18+$0x0]  }
0x2f: {  	s30 =	sand.u32 $0x1, s11;
	v0 =	vld [tilespmem:s18+$0xFFFFFFF0]  }
0x30: {  	s15 =	smul.u32 $0x4080, s30;
	s14 =	sshrl.u32 s14, $0x2  }
0x31: {  	s16 =	sor.u32 $0x2000, s14  }
0x32: {  	s31 =	sshrl.u32 s15, $0x2;
	s15 =	sadd.s32 $0x0, s16  }
0x33: {  	s17 =	simm.s32 $0x4;
	s18 =	sadd.s32 $0x20, s18;
	s14 =	sor.u32 $0x2000, s31;
	[tilespmem:s15+$0x810 ss:$0x81] =	vst.msk $0xffff, v1  }
.LBB1_3:
0x34: {  	v1 =	vld [tilespmem:s18+$0x0];
	p1 =	sne.s32 s17, $0x1FC;
	[tilespmem:s15+$0x0 ss:$0x81] =	vst.msk $0xffff, v0;
	s15 =	smov.u32 s17;
	s17 =	sadd.s32 $0x4, s17  }
.Ltmp3:
0x35: {  	v0 =	vld [tilespmem:s18+$0xFFFFFFF0];
	(pc) =	sbr.rel @p1 .LBB1_3-.Ltmp3, $4  }
0x36: {  	_ = 	snop  }
0x37: {  	s15 =	sshra.s32 s15, $0x2  }
0x38: {  	s15 =	sadd.s32 s15, s16  }
0x39: {  	s18 =	sadd.s32 $0x20, s18;
	[tilespmem:s15+$0x810 ss:$0x81] =	vst.msk $0xffff, v1  }
.Ltmp4:
0x3a: {  	_ = 	snop;
	(pc) =	sbr.rel .LBB1_4-.Ltmp4, $1  }
0x3b: {  	_ =	sdelay $0x3  }
.LBB1_6:
0x3c: {  	_ =	sfence.sel $0x180000  }
0x3d: {  	s2 =	simm.s32 $0x1;
	[bflag:$0x0] =	sbarrier.arrive $0xFFFF  }
0x3e: {  	s31 =	simm.s32 $0x2;
	[sflag:s2] =	ssyncpa.u1 $0x1  }
0x3f: {  	[sflag:s31] =	ssyncpa.u1 $0x1  }
0x40: {  	p0 =	sne.s32 s0, $0x0;
	_ =	strace $0x9000004A  }
0x41: {  	s0 =	sadd.s32 @!p0 $0x100000, s1;
	[bflag:$0x2] =	sbarrier.arrive $0xFFFF  }
0x42: {  	[sflag:s0] =	ssyncadd.tile.s32 @!p0 $0x1;
	_ =	shalt  }
.Lfunc_end1:
_tile_overlayer_lowered:
.L_overlay_start_2:
0x43: {  	(tag) =	ssettag $0x2  }
0x44: {  	s0 =	rddreg [dreg:$0x0];
	s2 =	stileid.u32  }
0x45: {  	s1 =	rddreg [dreg:$0x1];
	p0 =	sne.s32 s2, $0x0  }
0x46: {  	s3 =	rddreg [dreg:$0x2];
	[bflag:$0x3] =	sbarrier.arrive $0xFFFF;
	s2 =	simm.s32 @!p0 $0x1C01  }
0x47: {  	[timem:s3], [sflag:s2] =	dma.local @!p0 [hbm:s0], s1  }
0x48: {  	s0 =	simm.s32 @!p0 $0x1  }
0x49: {  	_ =	swait.ge @!p0 [sflag:s0], s1  }
0x4a: {  	s1 =	ssub.s32 @!p0 $0x0, s1;
	[sflag:s0] =	ssyncset.done @!p0 $0x0  }
0x4b: {  	[sflag:s0] =	ssyncadd.s32 @!p0 s1  }
0x4c: {  	[bflag:$0x3] =	sbarrier.arrive $0xFFFF  }
0x4d: {  	_ =	shalt  }

</sc_bundles>
